<compile_context>
chip_gen: v7x
topology: tpu7x:2x2x1
jax: 0.10.2.dev20260603
libtpu: 0.0.44.dev20260713+nightly
codegen_flags: <defaults>
</compile_context>

<pallas_src>
import jax
import jax.numpy as jnp
from jax import lax
from jax.experimental import pallas as pl
from jax.experimental.pallas import tpu as pltpu
from jax.experimental.pallas import tpu_sc as plsc

B = 4
H = 512
W = 512
NM = 2048
NU = 1024
NC = 2
NS = 16
TILES_PER_SAMPLE = (NC * NS) // B
M_PER_TILE = NM // TILES_PER_SAMPLE
U_PER_TILE = NU // TILES_PER_SAMPLE
PER_TILE = 2 * M_PER_TILE + 2 * U_PER_TILE
ROW = 4 * PER_TILE
CHUNK = 128


def _tile_body(pred_hbm, tgt_hbm, coords_hbm, out_hbm,
               cbuf, pidx, tidx, vp, vt, part, sem):
    cid = lax.axis_index("c")
    sid = lax.axis_index("s")
    wid = cid * NS + sid
    b = wid // TILES_PER_SAMPLE
    q = wid % TILES_PER_SAMPLE

    mo = q * M_PER_TILE
    uo = q * U_PER_TILE
    ml = M_PER_TILE
    ul = U_PER_TILE
    segs = ((0 * NM + mo, 0, ml), (1 * NM + mo, ml, ml),
            (4 * NM + 0 * NU + uo, 2 * ml, ul),
            (4 * NM + 1 * NU + uo, 2 * ml + ul, ul))
    tsegs = ((2 * NM + mo, 0, ml), (3 * NM + mo, ml, ml),
             (4 * NM + 2 * NU + uo, 2 * ml, ul),
             (4 * NM + 3 * NU + uo, 2 * ml + ul, ul))
    copies = []
    for (base, group) in ((0, segs), (2 * PER_TILE, tsegs)):
        for d in (0, 1):
            for (so, do, n) in group:
                copies.append(pltpu.async_copy(
                    coords_hbm.at[b, d, pl.ds(so, n)],
                    cbuf.at[pl.ds(base + d * PER_TILE + do, n)], sem))
    for c in copies:
        c.wait()

    boff = b * (H * W)
    for i in range(PER_TILE // 16):
        o = i * 16
        pidx[pl.ds(o, 16)] = (boff + cbuf[pl.ds(o, 16)] * W
                              + cbuf[pl.ds(PER_TILE + o, 16)])
        tidx[pl.ds(o, 16)] = (boff + cbuf[pl.ds(2 * PER_TILE + o, 16)] * W
                              + cbuf[pl.ds(3 * PER_TILE + o, 16)])

    gathers = []
    for c in range(PER_TILE // CHUNK):
        o = c * CHUNK
        gathers.append(pltpu.async_copy(
            pred_hbm.at[pidx.at[pl.ds(o, CHUNK)]], vp.at[pl.ds(o, CHUNK)], sem))
        gathers.append(pltpu.async_copy(
            tgt_hbm.at[tidx.at[pl.ds(o, CHUNK)]], vt.at[pl.ds(o, CHUNK)], sem))
    for g in gathers:
        g.wait()

    acc_m = jnp.zeros((16,), jnp.float32)
    for i in range(2 * M_PER_TILE // 16):
        o = i * 16
        d = vp[pl.ds(o, 16)] - vt[pl.ds(o, 16)]
        acc_m = acc_m + d * d
    acc_u = jnp.zeros((16,), jnp.float32)
    for i in range(U_PER_TILE // 16):
        o = 2 * M_PER_TILE + i * 16
        d = vp[pl.ds(o, 16)] - vp[pl.ds(o + U_PER_TILE, 16)]
        e = vt[pl.ds(o, 16)] - vt[pl.ds(o + U_PER_TILE, 16)]
        acc_u = acc_u + d * d + e * e
    part[...] = (acc_m * 2.0 + acc_u) * (1.0 / B)
    pltpu.sync_copy(part, out_hbm.at[wid])


@jax.jit
def kernel(input, target, pred_matched_birth, pred_matched_death,
           tgt_matched_birth, tgt_matched_death,
           pred_unmatched_birth, pred_unmatched_death,
           tgt_unmatched_birth, tgt_unmatched_death):
    pred_flat = input.reshape(B * H * W)
    tgt_flat = target.reshape(B * H * W)

    coords = jnp.concatenate(
        [pred_matched_birth, pred_matched_death,
         tgt_matched_birth, tgt_matched_death,
         pred_unmatched_birth, pred_unmatched_death,
         tgt_unmatched_birth, tgt_unmatched_death],
        axis=1).transpose(0, 2, 1)

    mesh = plsc.VectorSubcoreMesh(core_axis_name="c", subcore_axis_name="s")
    run = pl.kernel(
        _tile_body,
        out_type=jax.ShapeDtypeStruct((NC * NS, 16), jnp.float32),
        mesh=mesh,
        scratch_types=[
            pltpu.VMEM((ROW,), jnp.int32),
            pltpu.VMEM((PER_TILE,), jnp.int32),
            pltpu.VMEM((PER_TILE,), jnp.int32),
            pltpu.VMEM((PER_TILE,), jnp.float32),
            pltpu.VMEM((PER_TILE,), jnp.float32),
            pltpu.VMEM((16,), jnp.float32),
            pltpu.SemaphoreType.DMA,
        ],
    )
    parts = run(pred_flat, tgt_flat, coords)
    return jnp.sum(parts)

# --- scband reference (transcript-rebuilt; emitter-appended) ---
"""Pipeline reference for scband-betti-matching-loss-25048249270808 (READ-ONLY COPY).

The authoritative reference and input builder live on the scoring server;
editing this copy changes nothing except your own understanding.
"""

import jax, jax.numpy as jnp
import numpy as np


def setup_inputs(seed: int = 0) -> dict:
    key = jax.random.key(seed)
    ks = jax.random.split(key, 12)
    B, H, W = 4, 512, 512
    Nm, Nu = 2048, 1024
    inp = {}
    inp['input'] = jax.random.uniform(ks[0], (B, 1, H, W), dtype=jnp.float32)
    inp['target'] = jax.random.uniform(ks[1], (B, 1, H, W), dtype=jnp.float32)
    matched_names = ['pred_matched_birth', 'pred_matched_death', 'tgt_matched_birth', 'tgt_matched_death']
    for i, n in enumerate(matched_names):
        inp[n] = jax.random.randint(ks[2 + i], (B, Nm, 2), 0, H, dtype=jnp.int32)
    unmatched_names = ['pred_unmatched_birth', 'pred_unmatched_death', 'tgt_unmatched_birth', 'tgt_unmatched_death']
    for i, n in enumerate(unmatched_names):
        inp[n] = jax.random.randint(ks[6 + i], (B, Nu, 2), 0, H, dtype=jnp.int32)
    return inp


def _gather2d(field, coords):
    # field: (H, W), coords: (N, 2) integer voxel coordinates
    return field[coords[:, 0], coords[:, 1]]


def _per_sample(p, t, pmb, pmd, tmb, tmd, pub, pud, tub, tud):
    # matched pairs: push pred (birth, death) toward tgt (birth, death)
    pred_pairs = jnp.stack([_gather2d(p, pmb), _gather2d(p, pmd)], axis=1)
    tgt_pairs = jnp.stack([_gather2d(t, tmb), _gather2d(t, tmd)], axis=1)
    loss_matched = 2.0 * jnp.sum((pred_pairs - tgt_pairs) ** 2)
    # unmatched pairs pushed to the diagonal: sum((birth - death)^2)
    loss_unmatched_pred = jnp.sum((_gather2d(p, pub) - _gather2d(p, pud)) ** 2)
    loss_unmatched_tgt = jnp.sum((_gather2d(t, tub) - _gather2d(t, tud)) ** 2)
    return loss_matched + loss_unmatched_pred + loss_unmatched_tgt


def reference(input, target, pred_matched_birth, pred_matched_death,
              tgt_matched_birth, tgt_matched_death,
              pred_unmatched_birth, pred_unmatched_death,
              tgt_unmatched_birth, tgt_unmatched_death):
    # input/target are probabilities in [0, 1] (single foreground channel),
    # so the sigmoid branch of the original module is skipped (min>=0, max<=1).
    pred_fg = input[:, 0]
    tgt_fg = target[:, 0]
    losses = jax.vmap(_per_sample)(
        pred_fg, tgt_fg,
        pred_matched_birth, pred_matched_death,
        tgt_matched_birth, tgt_matched_death,
        pred_unmatched_birth, pred_unmatched_death,
        tgt_unmatched_birth, tgt_unmatched_death)
    return jnp.mean(losses)

if __name__ == "__main__":
    import jax
    _d = setup_inputs()
    print(jax.jit(kernel)(*tuple(_d.values())))

</pallas_src>

<mosaic_0001>
#map = affine_map<(d0, d1) -> (0)>
#map1 = affine_map<(d0, d1) -> (0, 0, 0)>
#map2 = affine_map<(d0, d1) -> (0, 0)>
module attributes {stable_mosaic.version = 14 : i64} {
  func.func @_tile_body(%arg0: i32, %arg1: i32, %arg2: memref<1048576xf32, #tpu.memory_space<hbm>>, %arg3: memref<1048576xf32, #tpu.memory_space<hbm>>, %arg4: memref<4x2x12288xi32, #tpu.memory_space<hbm>>, %arg5: memref<32x16xf32, #tpu.memory_space<hbm>>, %arg6: memref<3072xi32, #tpu.memory_space<vmem>>, %arg7: memref<768xi32, #tpu.memory_space<vmem>>, %arg8: memref<768xi32, #tpu.memory_space<vmem>>, %arg9: memref<768xf32, #tpu.memory_space<vmem>>, %arg10: memref<768xf32, #tpu.memory_space<vmem>>, %arg11: memref<16xf32, #tpu.memory_space<vmem>>, %arg12: memref<!tpu.dma_semaphore, #tpu.memory_space<semaphore_mem>>) attributes {dimension_semantics = [#tpu.dimension_semantics<core_parallel>, #tpu.dimension_semantics<subcore_parallel>], iteration_bounds = array<i64: 2, 16>, scalar_prefetch = 0 : i64, scratch_operands = 7 : i64, tpu.core_type = #tpu.core_type<sc_vector_subcore>, window_params = [{transform_indices = #map}, {transform_indices = #map}, {transform_indices = #map1}, {transform_indices = #map2}]} {
    %mul3A = arith.constant 16 : i32
    %mul3A_0 = arith.muli %arg0, %mul3A : i32
    %add3A = arith.addi %mul3A_0, %arg1 : i32
    %jit3A = arith.constant 8 : i32
    %div3A = arith.divsi %add3A, %jit3A : i32
    %sign3A = arith.constant 0 : i32
    %sign3A_1 = arith.cmpi sgt, %add3A, %sign3A : i32
    %sign3A_2 = arith.extui %sign3A_1 : i1 to i32
    %sign3A_3 = arith.constant 0 : i32
    %sign3A_4 = arith.cmpi slt, %add3A, %sign3A_3 : i32
    %sign3A_5 = arith.extui %sign3A_4 : i1 to i32
    %sign3A_6 = arith.subi %sign3A_2, %sign3A_5 : i32
    %sign3A_7 = arith.constant 0 : i32
    %sign3A_8 = arith.cmpi sgt, %jit3A, %sign3A_7 : i32
    %sign3A_9 = arith.extui %sign3A_8 : i1 to i32
    %sign3A_10 = arith.constant 0 : i32
    %sign3A_11 = arith.cmpi slt, %jit3A, %sign3A_10 : i32
    %sign3A_12 = arith.extui %sign3A_11 : i1 to i32
    %sign3A_13 = arith.subi %sign3A_9, %sign3A_12 : i32
    %ne3A = arith.cmpi ne, %sign3A_6, %sign3A_13 : i32
    %rem3A = arith.remsi %add3A, %jit3A : i32
    %ne3A_14 = arith.constant 0 : i32
    %ne3A_15 = arith.cmpi ne, %rem3A, %ne3A_14 : i32
    %and3A = arith.andi %ne3A, %ne3A_15 : i1
    %sub3A = arith.constant 1 : i32
    %sub3A_16 = arith.subi %div3A, %sub3A : i32
    %select_n3A = arith.select %and3A, %sub3A_16, %div3A : i32
    %jit3A_17 = arith.constant 8 : i32
    %eq3A = arith.constant 0 : i32
    %eq3A_18 = arith.cmpi eq, %jit3A_17, %eq3A : i32
    %jit3A_19 = arith.constant 1 : i32
    %select_n3A_20 = arith.select %eq3A_18, %jit3A_19, %jit3A_17 : i32
    %rem3A_21 = arith.remsi %add3A, %select_n3A_20 : i32
    %ne3A_22 = arith.constant 0 : i32
    %ne3A_23 = arith.cmpi ne, %rem3A_21, %ne3A_22 : i32
    %lt3A = arith.constant 0 : i32
    %lt3A_24 = arith.cmpi slt, %rem3A_21, %lt3A : i32
    %lt3A_25 = arith.constant 0 : i32
    %lt3A_26 = arith.cmpi slt, %select_n3A_20, %lt3A_25 : i32
    %ne3A_27 = arith.xori %lt3A_24, %lt3A_26 : i1
    %and3A_28 = arith.andi %ne3A_27, %ne3A_23 : i1
    %add3A_29 = arith.addi %rem3A_21, %select_n3A_20 : i32
    %select_n3A_30 = arith.select %and3A_28, %add3A_29, %rem3A_21 : i32
    %mul3A_31 = arith.constant 256 : i32
    %mul3A_32 = arith.muli %select_n3A_30, %mul3A_31 : i32
    %mul3A_33 = arith.constant 128 : i32
    %mul3A_34 = arith.muli %select_n3A_30, %mul3A_33 : i32
    %add3A_35 = arith.constant 0 : i32
    %add3A_36 = arith.addi %add3A_35, %mul3A_32 : i32
    %add3A_37 = arith.constant 2048 : i32
    %add3A_38 = arith.addi %add3A_37, %mul3A_32 : i32
    %add3A_39 = arith.constant 8192 : i32
    %add3A_40 = arith.addi %add3A_39, %mul3A_34 : i32
    %add3A_41 = arith.constant 9216 : i32
    %add3A_42 = arith.addi %add3A_41, %mul3A_34 : i32
    %add3A_43 = arith.constant 4096 : i32
    %add3A_44 = arith.addi %add3A_43, %mul3A_32 : i32
    %add3A_45 = arith.constant 6144 : i32
    %add3A_46 = arith.addi %add3A_45, %mul3A_32 : i32
    %add3A_47 = arith.constant 10240 : i32
    %add3A_48 = arith.addi %add3A_47, %mul3A_34 : i32
    %add3A_49 = arith.constant 11264 : i32
    %add3A_50 = arith.addi %add3A_49, %mul3A_34 : i32
    %dma_start3A = arith.constant 0 : i32
    %dma_start3A_51 = arith.constant 0 : i32
    %dma_start3A_52 = tpu.memref_slice %arg6[%dma_start3A_51] : memref<3072xi32, #tpu.memory_space<vmem>> -> memref<256xi32, #tpu.memory_space<vmem>>
    %dma_start3A_53 = tpu.memref_slice %arg4[%select_n3A, %dma_start3A, %add3A_36] : memref<4x2x12288xi32, #tpu.memory_space<hbm>> -> memref<1x1x256xi32, #tpu.memory_space<hbm>>
    %dma_start3A_54 = tpu.memref_squeeze %dma_start3A_53 : memref<1x1x256xi32, #tpu.memory_space<hbm>> -> memref<256xi32, #tpu.memory_space<hbm>>
    %dma_start3A_55 = arith.constant 0 : i32
    %dma_start3A_56 = tpu.memref_slice %arg6[%dma_start3A_55] : memref<3072xi32, #tpu.memory_space<vmem>> -> memref<256xi32, #tpu.memory_space<vmem>>
    %dma_start3A_57 = tpu.memref_slice %arg4[%select_n3A, %dma_start3A, %add3A_36] : memref<4x2x12288xi32, #tpu.memory_space<hbm>> -> memref<1x1x256xi32, #tpu.memory_space<hbm>>
    %dma_start3A_58 = tpu.memref_squeeze %dma_start3A_57 : memref<1x1x256xi32, #tpu.memory_space<hbm>> -> memref<256xi32, #tpu.memory_space<hbm>>
    tpu.enqueue_dma source(%dma_start3A_58 : memref<256xi32, #tpu.memory_space<hbm>>) target(%dma_start3A_56 : memref<256xi32, #tpu.memory_space<vmem>>) target_semaphore(%arg12 : memref<!tpu.dma_semaphore, #tpu.memory_space<semaphore_mem>>)
    %dma_start3A_59 = arith.constant 0 : i32
    %dma_start3A_60 = arith.constant 256 : i32
    %dma_start3A_61 = tpu.memref_slice %arg6[%dma_start3A_60] : memref<3072xi32, #tpu.memory_space<vmem>> -> memref<256xi32, #tpu.memory_space<vmem>>
    %dma_start3A_62 = tpu.memref_slice %arg4[%select_n3A, %dma_start3A_59, %add3A_38] : memref<4x2x12288xi32, #tpu.memory_space<hbm>> -> memref<1x1x256xi32, #tpu.memory_space<hbm>>
    %dma_start3A_63 = tpu.memref_squeeze %dma_start3A_62 : memref<1x1x256xi32, #tpu.memory_space<hbm>> -> memref<256xi32, #tpu.memory_space<hbm>>
    %dma_start3A_64 = arith.constant 256 : i32
    %dma_start3A_65 = tpu.memref_slice %arg6[%dma_start3A_64] : memref<3072xi32, #tpu.memory_space<vmem>> -> memref<256xi32, #tpu.memory_space<vmem>>
    %dma_start3A_66 = tpu.memref_slice %arg4[%select_n3A, %dma_start3A_59, %add3A_38] : memref<4x2x12288xi32, #tpu.memory_space<hbm>> -> memref<1x1x256xi32, #tpu.memory_space<hbm>>
    %dma_start3A_67 = tpu.memref_squeeze %dma_start3A_66 : memref<1x1x256xi32, #tpu.memory_space<hbm>> -> memref<256xi32, #tpu.memory_space<hbm>>
    tpu.enqueue_dma source(%dma_start3A_67 : memref<256xi32, #tpu.memory_space<hbm>>) target(%dma_start3A_65 : memref<256xi32, #tpu.memory_space<vmem>>) target_semaphore(%arg12 : memref<!tpu.dma_semaphore, #tpu.memory_space<semaphore_mem>>)
    %dma_start3A_68 = arith.constant 0 : i32
    %dma_start3A_69 = arith.constant 512 : i32
    %dma_start3A_70 = tpu.memref_slice %arg6[%dma_start3A_69] : memref<3072xi32, #tpu.memory_space<vmem>> -> memref<128xi32, #tpu.memory_space<vmem>>
    %dma_start3A_71 = tpu.memref_slice %arg4[%select_n3A, %dma_start3A_68, %add3A_40] : memref<4x2x12288xi32, #tpu.memory_space<hbm>> -> memref<1x1x128xi32, #tpu.memory_space<hbm>>
    %dma_start3A_72 = tpu.memref_squeeze %dma_start3A_71 : memref<1x1x128xi32, #tpu.memory_space<hbm>> -> memref<128xi32, #tpu.memory_space<hbm>>
    %dma_start3A_73 = arith.constant 512 : i32
    %dma_start3A_74 = tpu.memref_slice %arg6[%dma_start3A_73] : memref<3072xi32, #tpu.memory_space<vmem>> -> memref<128xi32, #tpu.memory_space<vmem>>
    %dma_start3A_75 = tpu.memref_slice %arg4[%select_n3A, %dma_start3A_68, %add3A_40] : memref<4x2x12288xi32, #tpu.memory_space<hbm>> -> memref<1x1x128xi32, #tpu.memory_space<hbm>>
    %dma_start3A_76 = tpu.memref_squeeze %dma_start3A_75 : memref<1x1x128xi32, #tpu.memory_space<hbm>> -> memref<128xi32, #tpu.memory_space<hbm>>
    tpu.enqueue_dma source(%dma_start3A_76 : memref<128xi32, #tpu.memory_space<hbm>>) target(%dma_start3A_74 : memref<128xi32, #tpu.memory_space<vmem>>) target_semaphore(%arg12 : memref<!tpu.dma_semaphore, #tpu.memory_space<semaphore_mem>>)
    %dma_start3A_77 = arith.constant 0 : i32
    %dma_start3A_78 = arith.constant 640 : i32
    %dma_start3A_79 = tpu.memref_slice %arg6[%dma_start3A_78] : memref<3072xi32, #tpu.memory_space<vmem>> -> memref<128xi32, #tpu.memory_space<vmem>>
    %dma_start3A_80 = tpu.memref_slice %arg4[%select_n3A, %dma_start3A_77, %add3A_42] : memref<4x2x12288xi32, #tpu.memory_space<hbm>> -> memref<1x1x128xi32, #tpu.memory_space<hbm>>
    %dma_start3A_81 = tpu.memref_squeeze %dma_start3A_80 : memref<1x1x128xi32, #tpu.memory_space<hbm>> -> memref<128xi32, #tpu.memory_space<hbm>>
    %dma_start3A_82 = arith.constant 640 : i32
    %dma_start3A_83 = tpu.memref_slice %arg6[%dma_start3A_82] : memref<3072xi32, #tpu.memory_space<vmem>> -> memref<128xi32, #tpu.memory_space<vmem>>
    %dma_start3A_84 = tpu.memref_slice %arg4[%select_n3A, %dma_start3A_77, %add3A_42] : memref<4x2x12288xi32, #tpu.memory_space<hbm>> -> memref<1x1x128xi32, #tpu.memory_space<hbm>>
    %dma_start3A_85 = tpu.memref_squeeze %dma_start3A_84 : memref<1x1x128xi32, #tpu.memory_space<hbm>> -> memref<128xi32, #tpu.memory_space<hbm>>
    tpu.enqueue_dma source(%dma_start3A_85 : memref<128xi32, #tpu.memory_space<hbm>>) target(%dma_start3A_83 : memref<128xi32, #tpu.memory_space<vmem>>) target_semaphore(%arg12 : memref<!tpu.dma_semaphore, #tpu.memory_space<semaphore_mem>>)
    %dma_start3A_86 = arith.constant 1 : i32
    %dma_start3A_87 = arith.constant 768 : i32
    %dma_start3A_88 = tpu.memref_slice %arg6[%dma_start3A_87] : memref<3072xi32, #tpu.memory_space<vmem>> -> memref<256xi32, #tpu.memory_space<vmem>>
    %dma_start3A_89 = tpu.memref_slice %arg4[%select_n3A, %dma_start3A_86, %add3A_36] : memref<4x2x12288xi32, #tpu.memory_space<hbm>> -> memref<1x1x256xi32, #tpu.memory_space<hbm>>
    %dma_start3A_90 = tpu.memref_squeeze %dma_start3A_89 : memref<1x1x256xi32, #tpu.memory_space<hbm>> -> memref<256xi32, #tpu.memory_space<hbm>>
    %dma_start3A_91 = arith.constant 768 : i32
    %dma_start3A_92 = tpu.memref_slice %arg6[%dma_start3A_91] : memref<3072xi32, #tpu.memory_space<vmem>> -> memref<256xi32, #tpu.memory_space<vmem>>
    %dma_start3A_93 = tpu.memref_slice %arg4[%select_n3A, %dma_start3A_86, %add3A_36] : memref<4x2x12288xi32, #tpu.memory_space<hbm>> -> memref<1x1x256xi32, #tpu.memory_space<hbm>>
    %dma_start3A_94 = tpu.memref_squeeze %dma_start3A_93 : memref<1x1x256xi32, #tpu.memory_space<hbm>> -> memref<256xi32, #tpu.memory_space<hbm>>
    tpu.enqueue_dma source(%dma_start3A_94 : memref<256xi32, #tpu.memory_space<hbm>>) target(%dma_start3A_92 : memref<256xi32, #tpu.memory_space<vmem>>) target_semaphore(%arg12 : memref<!tpu.dma_semaphore, #tpu.memory_space<semaphore_mem>>)
    %dma_start3A_95 = arith.constant 1 : i32
    %dma_start3A_96 = arith.constant 1024 : i32
    %dma_start3A_97 = tpu.memref_slice %arg6[%dma_start3A_96] : memref<3072xi32, #tpu.memory_space<vmem>> -> memref<256xi32, #tpu.memory_space<vmem>>
    %dma_start3A_98 = tpu.memref_slice %arg4[%select_n3A, %dma_start3A_95, %add3A_38] : memref<4x2x12288xi32, #tpu.memory_space<hbm>> -> memref<1x1x256xi32, #tpu.memory_space<hbm>>
    %dma_start3A_99 = tpu.memref_squeeze %dma_start3A_98 : memref<1x1x256xi32, #tpu.memory_space<hbm>> -> memref<256xi32, #tpu.memory_space<hbm>>
    %dma_start3A_100 = arith.constant 1024 : i32
    %dma_start3A_101 = tpu.memref_slice %arg6[%dma_start3A_100] : memref<3072xi32, #tpu.memory_space<vmem>> -> memref<256xi32, #tpu.memory_space<vmem>>
    %dma_start3A_102 = tpu.memref_slice %arg4[%select_n3A, %dma_start3A_95, %add3A_38] : memref<4x2x12288xi32, #tpu.memory_space<hbm>> -> memref<1x1x256xi32, #tpu.memory_space<hbm>>
    %dma_start3A_103 = tpu.memref_squeeze %dma_start3A_102 : memref<1x1x256xi32, #tpu.memory_space<hbm>> -> memref<256xi32, #tpu.memory_space<hbm>>
    tpu.enqueue_dma source(%dma_start3A_103 : memref<256xi32, #tpu.memory_space<hbm>>) target(%dma_start3A_101 : memref<256xi32, #tpu.memory_space<vmem>>) target_semaphore(%arg12 : memref<!tpu.dma_semaphore, #tpu.memory_space<semaphore_mem>>)
    %dma_start3A_104 = arith.constant 1 : i32
    %dma_start3A_105 = arith.constant 1280 : i32
    %dma_start3A_106 = tpu.memref_slice %arg6[%dma_start3A_105] : memref<3072xi32, #tpu.memory_space<vmem>> -> memref<128xi32, #tpu.memory_space<vmem>>
    %dma_start3A_107 = tpu.memref_slice %arg4[%select_n3A, %dma_start3A_104, %add3A_40] : memref<4x2x12288xi32, #tpu.memory_space<hbm>> -> memref<1x1x128xi32, #tpu.memory_space<hbm>>
    %dma_start3A_108 = tpu.memref_squeeze %dma_start3A_107 : memref<1x1x128xi32, #tpu.memory_space<hbm>> -> memref<128xi32, #tpu.memory_space<hbm>>
    %dma_start3A_109 = arith.constant 1280 : i32
    %dma_start3A_110 = tpu.memref_slice %arg6[%dma_start3A_109] : memref<3072xi32, #tpu.memory_space<vmem>> -> memref<128xi32, #tpu.memory_space<vmem>>
    %dma_start3A_111 = tpu.memref_slice %arg4[%select_n3A, %dma_start3A_104, %add3A_40] : memref<4x2x12288xi32, #tpu.memory_space<hbm>> -> memref<1x1x128xi32, #tpu.memory_space<hbm>>
    %dma_start3A_112 = tpu.memref_squeeze %dma_start3A_111 : memref<1x1x128xi32, #tpu.memory_space<hbm>> -> memref<128xi32, #tpu.memory_space<hbm>>
    tpu.enqueue_dma source(%dma_start3A_112 : memref<128xi32, #tpu.memory_space<hbm>>) target(%dma_start3A_110 : memref<128xi32, #tpu.memory_space<vmem>>) target_semaphore(%arg12 : memref<!tpu.dma_semaphore, #tpu.memory_space<semaphore_mem>>)
    %dma_start3A_113 = arith.constant 1 : i32
    %dma_start3A_114 = arith.constant 1408 : i32
    %dma_start3A_115 = tpu.memref_slice %arg6[%dma_start3A_114] : memref<3072xi32, #tpu.memory_space<vmem>> -> memref<128xi32, #tpu.memory_space<vmem>>
    %dma_start3A_116 = tpu.memref_slice %arg4[%select_n3A, %dma_start3A_113, %add3A_42] : memref<4x2x12288xi32, #tpu.memory_space<hbm>> -> memref<1x1x128xi32, #tpu.memory_space<hbm>>
    %dma_start3A_117 = tpu.memref_squeeze %dma_start3A_116 : memref<1x1x128xi32, #tpu.memory_space<hbm>> -> memref<128xi32, #tpu.memory_space<hbm>>
    %dma_start3A_118 = arith.constant 1408 : i32
    %dma_start3A_119 = tpu.memref_slice %arg6[%dma_start3A_118] : memref<3072xi32, #tpu.memory_space<vmem>> -> memref<128xi32, #tpu.memory_space<vmem>>
    %dma_start3A_120 = tpu.memref_slice %arg4[%select_n3A, %dma_start3A_113, %add3A_42] : memref<4x2x12288xi32, #tpu.memory_space<hbm>> -> memref<1x1x128xi32, #tpu.memory_space<hbm>>
    %dma_start3A_121 = tpu.memref_squeeze %dma_start3A_120 : memref<1x1x128xi32, #tpu.memory_space<hbm>> -> memref<128xi32, #tpu.memory_space<hbm>>
    tpu.enqueue_dma source(%dma_start3A_121 : memref<128xi32, #tpu.memory_space<hbm>>) target(%dma_start3A_119 : memref<128xi32, #tpu.memory_space<vmem>>) target_semaphore(%arg12 : memref<!tpu.dma_semaphore, #tpu.memory_space<semaphore_mem>>)
    %dma_start3A_122 = arith.constant 0 : i32
    %dma_start3A_123 = arith.constant 1536 : i32
    %dma_start3A_124 = tpu.memref_slice %arg6[%dma_start3A_123] : memref<3072xi32, #tpu.memory_space<vmem>> -> memref<256xi32, #tpu.memory_space<vmem>>
    %dma_start3A_125 = tpu.memref_slice %arg4[%select_n3A, %dma_start3A_122, %add3A_44] : memref<4x2x12288xi32, #tpu.memory_space<hbm>> -> memref<1x1x256xi32, #tpu.memory_space<hbm>>
    %dma_start3A_126 = tpu.memref_squeeze %dma_start3A_125 : memref<1x1x256xi32, #tpu.memory_space<hbm>> -> memref<256xi32, #tpu.memory_space<hbm>>
    %dma_start3A_127 = arith.constant 1536 : i32
    %dma_start3A_128 = tpu.memref_slice %arg6[%dma_start3A_127] : memref<3072xi32, #tpu.memory_space<vmem>> -> memref<256xi32, #tpu.memory_space<vmem>>
    %dma_start3A_129 = tpu.memref_slice %arg4[%select_n3A, %dma_start3A_122, %add3A_44] : memref<4x2x12288xi32, #tpu.memory_space<hbm>> -> memref<1x1x256xi32, #tpu.memory_space<hbm>>
    %dma_start3A_130 = tpu.memref_squeeze %dma_start3A_129 : memref<1x1x256xi32, #tpu.memory_space<hbm>> -> memref<256xi32, #tpu.memory_space<hbm>>
    tpu.enqueue_dma source(%dma_start3A_130 : memref<256xi32, #tpu.memory_space<hbm>>) target(%dma_start3A_128 : memref<256xi32, #tpu.memory_space<vmem>>) target_semaphore(%arg12 : memref<!tpu.dma_semaphore, #tpu.memory_space<semaphore_mem>>)
    %dma_start3A_131 = arith.constant 0 : i32
    %dma_start3A_132 = arith.constant 1792 : i32
    %dma_start3A_133 = tpu.memref_slice %arg6[%dma_start3A_132] : memref<3072xi32, #tpu.memory_space<vmem>> -> memref<256xi32, #tpu.memory_space<vmem>>
    %dma_start3A_134 = tpu.memref_slice %arg4[%select_n3A, %dma_start3A_131, %add3A_46] : memref<4x2x12288xi32, #tpu.memory_space<hbm>> -> memref<1x1x256xi32, #tpu.memory_space<hbm>>
    %dma_start3A_135 = tpu.memref_squeeze %dma_start3A_134 : memref<1x1x256xi32, #tpu.memory_space<hbm>> -> memref<256xi32, #tpu.memory_space<hbm>>
    %dma_start3A_136 = arith.constant 1792 : i32
    %dma_start3A_137 = tpu.memref_slice %arg6[%dma_start3A_136] : memref<3072xi32, #tpu.memory_space<vmem>> -> memref<256xi32, #tpu.memory_space<vmem>>
    %dma_start3A_138 = tpu.memref_slice %arg4[%select_n3A, %dma_start3A_131, %add3A_46] : memref<4x2x12288xi32, #tpu.memory_space<hbm>> -> memref<1x1x256xi32, #tpu.memory_space<hbm>>
    %dma_start3A_139 = tpu.memref_squeeze %dma_start3A_138 : memref<1x1x256xi32, #tpu.memory_space<hbm>> -> memref<256xi32, #tpu.memory_space<hbm>>
    tpu.enqueue_dma source(%dma_start3A_139 : memref<256xi32, #tpu.memory_space<hbm>>) target(%dma_start3A_137 : memref<256xi32, #tpu.memory_space<vmem>>) target_semaphore(%arg12 : memref<!tpu.dma_semaphore, #tpu.memory_space<semaphore_mem>>)
    %dma_start3A_140 = arith.constant 0 : i32
    %dma_start3A_141 = arith.constant 2048 : i32
    %dma_start3A_142 = tpu.memref_slice %arg6[%dma_start3A_141] : memref<3072xi32, #tpu.memory_space<vmem>> -> memref<128xi32, #tpu.memory_space<vmem>>
    %dma_start3A_143 = tpu.memref_slice %arg4[%select_n3A, %dma_start3A_140, %add3A_48] : memref<4x2x12288xi32, #tpu.memory_space<hbm>> -> memref<1x1x128xi32, #tpu.memory_space<hbm>>
    %dma_start3A_144 = tpu.memref_squeeze %dma_start3A_143 : memref<1x1x128xi32, #tpu.memory_space<hbm>> -> memref<128xi32, #tpu.memory_space<hbm>>
    %dma_start3A_145 = arith.constant 2048 : i32
    %dma_start3A_146 = tpu.memref_slice %arg6[%dma_start3A_145] : memref<3072xi32, #tpu.memory_space<vmem>> -> memref<128xi32, #tpu.memory_space<vmem>>
    %dma_start3A_147 = tpu.memref_slice %arg4[%select_n3A, %dma_start3A_140, %add3A_48] : memref<4x2x12288xi32, #tpu.memory_space<hbm>> -> memref<1x1x128xi32, #tpu.memory_space<hbm>>
    %dma_start3A_148 = tpu.memref_squeeze %dma_start3A_147 : memref<1x1x128xi32, #tpu.memory_space<hbm>> -> memref<128xi32, #tpu.memory_space<hbm>>
    tpu.enqueue_dma source(%dma_start3A_148 : memref<128xi32, #tpu.memory_space<hbm>>) target(%dma_start3A_146 : memref<128xi32, #tpu.memory_space<vmem>>) target_semaphore(%arg12 : memref<!tpu.dma_semaphore, #tpu.memory_space<semaphore_mem>>)
    %dma_start3A_149 = arith.constant 0 : i32
    %dma_start3A_150 = arith.constant 2176 : i32
    %dma_start3A_151 = tpu.memref_slice %arg6[%dma_start3A_150] : memref<3072xi32, #tpu.memory_space<vmem>> -> memref<128xi32, #tpu.memory_space<vmem>>
    %dma_start3A_152 = tpu.memref_slice %arg4[%select_n3A, %dma_start3A_149, %add3A_50] : memref<4x2x12288xi32, #tpu.memory_space<hbm>> -> memref<1x1x128xi32, #tpu.memory_space<hbm>>
    %dma_start3A_153 = tpu.memref_squeeze %dma_start3A_152 : memref<1x1x128xi32, #tpu.memory_space<hbm>> -> memref<128xi32, #tpu.memory_space<hbm>>
    %dma_start3A_154 = arith.constant 2176 : i32
    %dma_start3A_155 = tpu.memref_slice %arg6[%dma_start3A_154] : memref<3072xi32, #tpu.memory_space<vmem>> -> memref<128xi32, #tpu.memory_space<vmem>>
    %dma_start3A_156 = tpu.memref_slice %arg4[%select_n3A, %dma_start3A_149, %add3A_50] : memref<4x2x12288xi32, #tpu.memory_space<hbm>> -> memref<1x1x128xi32, #tpu.memory_space<hbm>>
    %dma_start3A_157 = tpu.memref_squeeze %dma_start3A_156 : memref<1x1x128xi32, #tpu.memory_space<hbm>> -> memref<128xi32, #tpu.memory_space<hbm>>
    tpu.enqueue_dma source(%dma_start3A_157 : memref<128xi32, #tpu.memory_space<hbm>>) target(%dma_start3A_155 : memref<128xi32, #tpu.memory_space<vmem>>) target_semaphore(%arg12 : memref<!tpu.dma_semaphore, #tpu.memory_space<semaphore_mem>>)
    %dma_start3A_158 = arith.constant 1 : i32
    %dma_start3A_159 = arith.constant 2304 : i32
    %dma_start3A_160 = tpu.memref_slice %arg6[%dma_start3A_159] : memref<3072xi32, #tpu.memory_space<vmem>> -> memref<256xi32, #tpu.memory_space<vmem>>
    %dma_start3A_161 = tpu.memref_slice %arg4[%select_n3A, %dma_start3A_158, %add3A_44] : memref<4x2x12288xi32, #tpu.memory_space<hbm>> -> memref<1x1x256xi32, #tpu.memory_space<hbm>>
    %dma_start3A_162 = tpu.memref_squeeze %dma_start3A_161 : memref<1x1x256xi32, #tpu.memory_space<hbm>> -> memref<256xi32, #tpu.memory_space<hbm>>
    %dma_start3A_163 = arith.constant 2304 : i32
    %dma_start3A_164 = tpu.memref_slice %arg6[%dma_start3A_163] : memref<3072xi32, #tpu.memory_space<vmem>> -> memref<256xi32, #tpu.memory_space<vmem>>
    %dma_start3A_165 = tpu.memref_slice %arg4[%select_n3A, %dma_start3A_158, %add3A_44] : memref<4x2x12288xi32, #tpu.memory_space<hbm>> -> memref<1x1x256xi32, #tpu.memory_space<hbm>>
    %dma_start3A_166 = tpu.memref_squeeze %dma_start3A_165 : memref<1x1x256xi32, #tpu.memory_space<hbm>> -> memref<256xi32, #tpu.memory_space<hbm>>
    tpu.enqueue_dma source(%dma_start3A_166 : memref<256xi32, #tpu.memory_space<hbm>>) target(%dma_start3A_164 : memref<256xi32, #tpu.memory_space<vmem>>) target_semaphore(%arg12 : memref<!tpu.dma_semaphore, #tpu.memory_space<semaphore_mem>>)
    %dma_start3A_167 = arith.constant 1 : i32
    %dma_start3A_168 = arith.constant 2560 : i32
    %dma_start3A_169 = tpu.memref_slice %arg6[%dma_start3A_168] : memref<3072xi32, #tpu.memory_space<vmem>> -> memref<256xi32, #tpu.memory_space<vmem>>
    %dma_start3A_170 = tpu.memref_slice %arg4[%select_n3A, %dma_start3A_167, %add3A_46] : memref<4x2x12288xi32, #tpu.memory_space<hbm>> -> memref<1x1x256xi32, #tpu.memory_space<hbm>>
    %dma_start3A_171 = tpu.memref_squeeze %dma_start3A_170 : memref<1x1x256xi32, #tpu.memory_space<hbm>> -> memref<256xi32, #tpu.memory_space<hbm>>
    %dma_start3A_172 = arith.constant 2560 : i32
    %dma_start3A_173 = tpu.memref_slice %arg6[%dma_start3A_172] : memref<3072xi32, #tpu.memory_space<vmem>> -> memref<256xi32, #tpu.memory_space<vmem>>
    %dma_start3A_174 = tpu.memref_slice %arg4[%select_n3A, %dma_start3A_167, %add3A_46] : memref<4x2x12288xi32, #tpu.memory_space<hbm>> -> memref<1x1x256xi32, #tpu.memory_space<hbm>>
    %dma_start3A_175 = tpu.memref_squeeze %dma_start3A_174 : memref<1x1x256xi32, #tpu.memory_space<hbm>> -> memref<256xi32, #tpu.memory_space<hbm>>
    tpu.enqueue_dma source(%dma_start3A_175 : memref<256xi32, #tpu.memory_space<hbm>>) target(%dma_start3A_173 : memref<256xi32, #tpu.memory_space<vmem>>) target_semaphore(%arg12 : memref<!tpu.dma_semaphore, #tpu.memory_space<semaphore_mem>>)
    %dma_start3A_176 = arith.constant 1 : i32
    %dma_start3A_177 = arith.constant 2816 : i32
    %dma_start3A_178 = tpu.memref_slice %arg6[%dma_start3A_177] : memref<3072xi32, #tpu.memory_space<vmem>> -> memref<128xi32, #tpu.memory_space<vmem>>
    %dma_start3A_179 = tpu.memref_slice %arg4[%select_n3A, %dma_start3A_176, %add3A_48] : memref<4x2x12288xi32, #tpu.memory_space<hbm>> -> memref<1x1x128xi32, #tpu.memory_space<hbm>>
    %dma_start3A_180 = tpu.memref_squeeze %dma_start3A_179 : memref<1x1x128xi32, #tpu.memory_space<hbm>> -> memref<128xi32, #tpu.memory_space<hbm>>
    %dma_start3A_181 = arith.constant 2816 : i32
    %dma_start3A_182 = tpu.memref_slice %arg6[%dma_start3A_181] : memref<3072xi32, #tpu.memory_space<vmem>> -> memref<128xi32, #tpu.memory_space<vmem>>
    %dma_start3A_183 = tpu.memref_slice %arg4[%select_n3A, %dma_start3A_176, %add3A_48] : memref<4x2x12288xi32, #tpu.memory_space<hbm>> -> memref<1x1x128xi32, #tpu.memory_space<hbm>>
    %dma_start3A_184 = tpu.memref_squeeze %dma_start3A_183 : memref<1x1x128xi32, #tpu.memory_space<hbm>> -> memref<128xi32, #tpu.memory_space<hbm>>
    tpu.enqueue_dma source(%dma_start3A_184 : memref<128xi32, #tpu.memory_space<hbm>>) target(%dma_start3A_182 : memref<128xi32, #tpu.memory_space<vmem>>) target_semaphore(%arg12 : memref<!tpu.dma_semaphore, #tpu.memory_space<semaphore_mem>>)
    %dma_start3A_185 = arith.constant 1 : i32
    %dma_start3A_186 = arith.constant 2944 : i32
    %dma_start3A_187 = tpu.memref_slice %arg6[%dma_start3A_186] : memref<3072xi32, #tpu.memory_space<vmem>> -> memref<128xi32, #tpu.memory_space<vmem>>
    %dma_start3A_188 = tpu.memref_slice %arg4[%select_n3A, %dma_start3A_185, %add3A_50] : memref<4x2x12288xi32, #tpu.memory_space<hbm>> -> memref<1x1x128xi32, #tpu.memory_space<hbm>>
    %dma_start3A_189 = tpu.memref_squeeze %dma_start3A_188 : memref<1x1x128xi32, #tpu.memory_space<hbm>> -> memref<128xi32, #tpu.memory_space<hbm>>
    %dma_start3A_190 = arith.constant 2944 : i32
    %dma_start3A_191 = tpu.memref_slice %arg6[%dma_start3A_190] : memref<3072xi32, #tpu.memory_space<vmem>> -> memref<128xi32, #tpu.memory_space<vmem>>
    %dma_start3A_192 = tpu.memref_slice %arg4[%select_n3A, %dma_start3A_185, %add3A_50] : memref<4x2x12288xi32, #tpu.memory_space<hbm>> -> memref<1x1x128xi32, #tpu.memory_space<hbm>>
    %dma_start3A_193 = tpu.memref_squeeze %dma_start3A_192 : memref<1x1x128xi32, #tpu.memory_space<hbm>> -> memref<128xi32, #tpu.memory_space<hbm>>
    tpu.enqueue_dma source(%dma_start3A_193 : memref<128xi32, #tpu.memory_space<hbm>>) target(%dma_start3A_191 : memref<128xi32, #tpu.memory_space<vmem>>) target_semaphore(%arg12 : memref<!tpu.dma_semaphore, #tpu.memory_space<semaphore_mem>>)
    %dma_wait3A = arith.constant 0 : i32
    %dma_wait3A_194 = arith.constant 0 : i32
    %dma_wait3A_195 = tpu.memref_slice %arg6[%dma_wait3A_194] : memref<3072xi32, #tpu.memory_space<vmem>> -> memref<256xi32, #tpu.memory_space<vmem>>
    %dma_wait3A_196 = tpu.memref_slice %arg4[%select_n3A, %dma_wait3A, %add3A_36] : memref<4x2x12288xi32, #tpu.memory_space<hbm>> -> memref<1x1x256xi32, #tpu.memory_space<hbm>>
    %dma_wait3A_197 = tpu.memref_squeeze %dma_wait3A_196 : memref<1x1x256xi32, #tpu.memory_space<hbm>> -> memref<256xi32, #tpu.memory_space<hbm>>
    %dma_wait3A_198 = arith.constant 0 : i32
    %dma_wait3A_199 = tpu.memref_slice %arg6[%dma_wait3A_198] : memref<3072xi32, #tpu.memory_space<vmem>> -> memref<256xi32, #tpu.memory_space<vmem>>
    %dma_wait3A_200 = tpu.memref_slice %arg4[%select_n3A, %dma_wait3A, %add3A_36] : memref<4x2x12288xi32, #tpu.memory_space<hbm>> -> memref<1x1x256xi32, #tpu.memory_space<hbm>>
    %dma_wait3A_201 = tpu.memref_squeeze %dma_wait3A_200 : memref<1x1x256xi32, #tpu.memory_space<hbm>> -> memref<256xi32, #tpu.memory_space<hbm>>
    tpu.wait_dma2 semaphore(%arg12 : memref<!tpu.dma_semaphore, #tpu.memory_space<semaphore_mem>>) src(%dma_wait3A_201 : memref<256xi32, #tpu.memory_space<hbm>>) dst(%dma_wait3A_199 : memref<256xi32, #tpu.memory_space<vmem>>)
    %dma_wait3A_202 = arith.constant 0 : i32
    %dma_wait3A_203 = arith.constant 256 : i32
    %dma_wait3A_204 = tpu.memref_slice %arg6[%dma_wait3A_203] : memref<3072xi32, #tpu.memory_space<vmem>> -> memref<256xi32, #tpu.memory_space<vmem>>
    %dma_wait3A_205 = tpu.memref_slice %arg4[%select_n3A, %dma_wait3A_202, %add3A_38] : memref<4x2x12288xi32, #tpu.memory_space<hbm>> -> memref<1x1x256xi32, #tpu.memory_space<hbm>>
    %dma_wait3A_206 = tpu.memref_squeeze %dma_wait3A_205 : memref<1x1x256xi32, #tpu.memory_space<hbm>> -> memref<256xi32, #tpu.memory_space<hbm>>
    %dma_wait3A_207 = arith.constant 256 : i32
    %dma_wait3A_208 = tpu.memref_slice %arg6[%dma_wait3A_207] : memref<3072xi32, #tpu.memory_space<vmem>> -> memref<256xi32, #tpu.memory_space<vmem>>
    %dma_wait3A_209 = tpu.memref_slice %arg4[%select_n3A, %dma_wait3A_202, %add3A_38] : memref<4x2x12288xi32, #tpu.memory_space<hbm>> -> memref<1x1x256xi32, #tpu.memory_space<hbm>>
    %dma_wait3A_210 = tpu.memref_squeeze %dma_wait3A_209 : memref<1x1x256xi32, #tpu.memory_space<hbm>> -> memref<256xi32, #tpu.memory_space<hbm>>
    tpu.wait_dma2 semaphore(%arg12 : memref<!tpu.dma_semaphore, #tpu.memory_space<semaphore_mem>>) src(%dma_wait3A_210 : memref<256xi32, #tpu.memory_space<hbm>>) dst(%dma_wait3A_208 : memref<256xi32, #tpu.memory_space<vmem>>)
    %dma_wait3A_211 = arith.constant 0 : i32
    %dma_wait3A_212 = arith.constant 512 : i32
    %dma_wait3A_213 = tpu.memref_slice %arg6[%dma_wait3A_212] : memref<3072xi32, #tpu.memory_space<vmem>> -> memref<128xi32, #tpu.memory_space<vmem>>
    %dma_wait3A_214 = tpu.memref_slice %arg4[%select_n3A, %dma_wait3A_211, %add3A_40] : memref<4x2x12288xi32, #tpu.memory_space<hbm>> -> memref<1x1x128xi32, #tpu.memory_space<hbm>>
    %dma_wait3A_215 = tpu.memref_squeeze %dma_wait3A_214 : memref<1x1x128xi32, #tpu.memory_space<hbm>> -> memref<128xi32, #tpu.memory_space<hbm>>
    %dma_wait3A_216 = arith.constant 512 : i32
    %dma_wait3A_217 = tpu.memref_slice %arg6[%dma_wait3A_216] : memref<3072xi32, #tpu.memory_space<vmem>> -> memref<128xi32, #tpu.memory_space<vmem>>
    %dma_wait3A_218 = tpu.memref_slice %arg4[%select_n3A, %dma_wait3A_211, %add3A_40] : memref<4x2x12288xi32, #tpu.memory_space<hbm>> -> memref<1x1x128xi32, #tpu.memory_space<hbm>>
    %dma_wait3A_219 = tpu.memref_squeeze %dma_wait3A_218 : memref<1x1x128xi32, #tpu.memory_space<hbm>> -> memref<128xi32, #tpu.memory_space<hbm>>
    tpu.wait_dma2 semaphore(%arg12 : memref<!tpu.dma_semaphore, #tpu.memory_space<semaphore_mem>>) src(%dma_wait3A_219 : memref<128xi32, #tpu.memory_space<hbm>>) dst(%dma_wait3A_217 : memref<128xi32, #tpu.memory_space<vmem>>)
    %dma_wait3A_220 = arith.constant 0 : i32
    %dma_wait3A_221 = arith.constant 640 : i32
    %dma_wait3A_222 = tpu.memref_slice %arg6[%dma_wait3A_221] : memref<3072xi32, #tpu.memory_space<vmem>> -> memref<128xi32, #tpu.memory_space<vmem>>
    %dma_wait3A_223 = tpu.memref_slice %arg4[%select_n3A, %dma_wait3A_220, %add3A_42] : memref<4x2x12288xi32, #tpu.memory_space<hbm>> -> memref<1x1x128xi32, #tpu.memory_space<hbm>>
    %dma_wait3A_224 = tpu.memref_squeeze %dma_wait3A_223 : memref<1x1x128xi32, #tpu.memory_space<hbm>> -> memref<128xi32, #tpu.memory_space<hbm>>
    %dma_wait3A_225 = arith.constant 640 : i32
    %dma_wait3A_226 = tpu.memref_slice %arg6[%dma_wait3A_225] : memref<3072xi32, #tpu.memory_space<vmem>> -> memref<128xi32, #tpu.memory_space<vmem>>
    %dma_wait3A_227 = tpu.memref_slice %arg4[%select_n3A, %dma_wait3A_220, %add3A_42] : memref<4x2x12288xi32, #tpu.memory_space<hbm>> -> memref<1x1x128xi32, #tpu.memory_space<hbm>>
    %dma_wait3A_228 = tpu.memref_squeeze %dma_wait3A_227 : memref<1x1x128xi32, #tpu.memory_space<hbm>> -> memref<128xi32, #tpu.memory_space<hbm>>
    tpu.wait_dma2 semaphore(%arg12 : memref<!tpu.dma_semaphore, #tpu.memory_space<semaphore_mem>>) src(%dma_wait3A_228 : memref<128xi32, #tpu.memory_space<hbm>>) dst(%dma_wait3A_226 : memref<128xi32, #tpu.memory_space<vmem>>)
    %dma_wait3A_229 = arith.constant 1 : i32
    %dma_wait3A_230 = arith.constant 768 : i32
    %dma_wait3A_231 = tpu.memref_slice %arg6[%dma_wait3A_230] : memref<3072xi32, #tpu.memory_space<vmem>> -> memref<256xi32, #tpu.memory_space<vmem>>
    %dma_wait3A_232 = tpu.memref_slice %arg4[%select_n3A, %dma_wait3A_229, %add3A_36] : memref<4x2x12288xi32, #tpu.memory_space<hbm>> -> memref<1x1x256xi32, #tpu.memory_space<hbm>>
    %dma_wait3A_233 = tpu.memref_squeeze %dma_wait3A_232 : memref<1x1x256xi32, #tpu.memory_space<hbm>> -> memref<256xi32, #tpu.memory_space<hbm>>
    %dma_wait3A_234 = arith.constant 768 : i32
    %dma_wait3A_235 = tpu.memref_slice %arg6[%dma_wait3A_234] : memref<3072xi32, #tpu.memory_space<vmem>> -> memref<256xi32, #tpu.memory_space<vmem>>
    %dma_wait3A_236 = tpu.memref_slice %arg4[%select_n3A, %dma_wait3A_229, %add3A_36] : memref<4x2x12288xi32, #tpu.memory_space<hbm>> -> memref<1x1x256xi32, #tpu.memory_space<hbm>>
    %dma_wait3A_237 = tpu.memref_squeeze %dma_wait3A_236 : memref<1x1x256xi32, #tpu.memory_space<hbm>> -> memref<256xi32, #tpu.memory_space<hbm>>
    tpu.wait_dma2 semaphore(%arg12 : memref<!tpu.dma_semaphore, #tpu.memory_space<semaphore_mem>>) src(%dma_wait3A_237 : memref<256xi32, #tpu.memory_space<hbm>>) dst(%dma_wait3A_235 : memref<256xi32, #tpu.memory_space<vmem>>)
    %dma_wait3A_238 = arith.constant 1 : i32
    %dma_wait3A_239 = arith.constant 1024 : i32
    %dma_wait3A_240 = tpu.memref_slice %arg6[%dma_wait3A_239] : memref<3072xi32, #tpu.memory_space<vmem>> -> memref<256xi32, #tpu.memory_space<vmem>>
    %dma_wait3A_241 = tpu.memref_slice %arg4[%select_n3A, %dma_wait3A_238, %add3A_38] : memref<4x2x12288xi32, #tpu.memory_space<hbm>> -> memref<1x1x256xi32, #tpu.memory_space<hbm>>
    %dma_wait3A_242 = tpu.memref_squeeze %dma_wait3A_241 : memref<1x1x256xi32, #tpu.memory_space<hbm>> -> memref<256xi32, #tpu.memory_space<hbm>>
    %dma_wait3A_243 = arith.constant 1024 : i32
    %dma_wait3A_244 = tpu.memref_slice %arg6[%dma_wait3A_243] : memref<3072xi32, #tpu.memory_space<vmem>> -> memref<256xi32, #tpu.memory_space<vmem>>
    %dma_wait3A_245 = tpu.memref_slice %arg4[%select_n3A, %dma_wait3A_238, %add3A_38] : memref<4x2x12288xi32, #tpu.memory_space<hbm>> -> memref<1x1x256xi32, #tpu.memory_space<hbm>>
    %dma_wait3A_246 = tpu.memref_squeeze %dma_wait3A_245 : memref<1x1x256xi32, #tpu.memory_space<hbm>> -> memref<256xi32, #tpu.memory_space<hbm>>
    tpu.wait_dma2 semaphore(%arg12 : memref<!tpu.dma_semaphore, #tpu.memory_space<semaphore_mem>>) src(%dma_wait3A_246 : memref<256xi32, #tpu.memory_space<hbm>>) dst(%dma_wait3A_244 : memref<256xi32, #tpu.memory_space<vmem>>)
    %dma_wait3A_247 = arith.constant 1 : i32
    %dma_wait3A_248 = arith.constant 1280 : i32
    %dma_wait3A_249 = tpu.memref_slice %arg6[%dma_wait3A_248] : memref<3072xi32, #tpu.memory_space<vmem>> -> memref<128xi32, #tpu.memory_space<vmem>>
    %dma_wait3A_250 = tpu.memref_slice %arg4[%select_n3A, %dma_wait3A_247, %add3A_40] : memref<4x2x12288xi32, #tpu.memory_space<hbm>> -> memref<1x1x128xi32, #tpu.memory_space<hbm>>
    %dma_wait3A_251 = tpu.memref_squeeze %dma_wait3A_250 : memref<1x1x128xi32, #tpu.memory_space<hbm>> -> memref<128xi32, #tpu.memory_space<hbm>>
    %dma_wait3A_252 = arith.constant 1280 : i32
    %dma_wait3A_253 = tpu.memref_slice %arg6[%dma_wait3A_252] : memref<3072xi32, #tpu.memory_space<vmem>> -> memref<128xi32, #tpu.memory_space<vmem>>
    %dma_wait3A_254 = tpu.memref_slice %arg4[%select_n3A, %dma_wait3A_247, %add3A_40] : memref<4x2x12288xi32, #tpu.memory_space<hbm>> -> memref<1x1x128xi32, #tpu.memory_space<hbm>>
    %dma_wait3A_255 = tpu.memref_squeeze %dma_wait3A_254 : memref<1x1x128xi32, #tpu.memory_space<hbm>> -> memref<128xi32, #tpu.memory_space<hbm>>
    tpu.wait_dma2 semaphore(%arg12 : memref<!tpu.dma_semaphore, #tpu.memory_space<semaphore_mem>>) src(%dma_wait3A_255 : memref<128xi32, #tpu.memory_space<hbm>>) dst(%dma_wait3A_253 : memref<128xi32, #tpu.memory_space<vmem>>)
    %dma_wait3A_256 = arith.constant 1 : i32
    %dma_wait3A_257 = arith.constant 1408 : i32
    %dma_wait3A_258 = tpu.memref_slice %arg6[%dma_wait3A_257] : memref<3072xi32, #tpu.memory_space<vmem>> -> memref<128xi32, #tpu.memory_space<vmem>>
    %dma_wait3A_259 = tpu.memref_slice %arg4[%select_n3A, %dma_wait3A_256, %add3A_42] : memref<4x2x12288xi32, #tpu.memory_space<hbm>> -> memref<1x1x128xi32, #tpu.memory_space<hbm>>
    %dma_wait3A_260 = tpu.memref_squeeze %dma_wait3A_259 : memref<1x1x128xi32, #tpu.memory_space<hbm>> -> memref<128xi32, #tpu.memory_space<hbm>>
    %dma_wait3A_261 = arith.constant 1408 : i32
    %dma_wait3A_262 = tpu.memref_slice %arg6[%dma_wait3A_261] : memref<3072xi32, #tpu.memory_space<vmem>> -> memref<128xi32, #tpu.memory_space<vmem>>
    %dma_wait3A_263 = tpu.memref_slice %arg4[%select_n3A, %dma_wait3A_256, %add3A_42] : memref<4x2x12288xi32, #tpu.memory_space<hbm>> -> memref<1x1x128xi32, #tpu.memory_space<hbm>>
    %dma_wait3A_264 = tpu.memref_squeeze %dma_wait3A_263 : memref<1x1x128xi32, #tpu.memory_space<hbm>> -> memref<128xi32, #tpu.memory_space<hbm>>
    tpu.wait_dma2 semaphore(%arg12 : memref<!tpu.dma_semaphore, #tpu.memory_space<semaphore_mem>>) src(%dma_wait3A_264 : memref<128xi32, #tpu.memory_space<hbm>>) dst(%dma_wait3A_262 : memref<128xi32, #tpu.memory_space<vmem>>)
    %dma_wait3A_265 = arith.constant 0 : i32
    %dma_wait3A_266 = arith.constant 1536 : i32
    %dma_wait3A_267 = tpu.memref_slice %arg6[%dma_wait3A_266] : memref<3072xi32, #tpu.memory_space<vmem>> -> memref<256xi32, #tpu.memory_space<vmem>>
    %dma_wait3A_268 = tpu.memref_slice %arg4[%select_n3A, %dma_wait3A_265, %add3A_44] : memref<4x2x12288xi32, #tpu.memory_space<hbm>> -> memref<1x1x256xi32, #tpu.memory_space<hbm>>
    %dma_wait3A_269 = tpu.memref_squeeze %dma_wait3A_268 : memref<1x1x256xi32, #tpu.memory_space<hbm>> -> memref<256xi32, #tpu.memory_space<hbm>>
    %dma_wait3A_270 = arith.constant 1536 : i32
    %dma_wait3A_271 = tpu.memref_slice %arg6[%dma_wait3A_270] : memref<3072xi32, #tpu.memory_space<vmem>> -> memref<256xi32, #tpu.memory_space<vmem>>
    %dma_wait3A_272 = tpu.memref_slice %arg4[%select_n3A, %dma_wait3A_265, %add3A_44] : memref<4x2x12288xi32, #tpu.memory_space<hbm>> -> memref<1x1x256xi32, #tpu.memory_space<hbm>>
    %dma_wait3A_273 = tpu.memref_squeeze %dma_wait3A_272 : memref<1x1x256xi32, #tpu.memory_space<hbm>> -> memref<256xi32, #tpu.memory_space<hbm>>
    tpu.wait_dma2 semaphore(%arg12 : memref<!tpu.dma_semaphore, #tpu.memory_space<semaphore_mem>>) src(%dma_wait3A_273 : memref<256xi32, #tpu.memory_space<hbm>>) dst(%dma_wait3A_271 : memref<256xi32, #tpu.memory_space<vmem>>)
    %dma_wait3A_274 = arith.constant 0 : i32
    %dma_wait3A_275 = arith.constant 1792 : i32
    %dma_wait3A_276 = tpu.memref_slice %arg6[%dma_wait3A_275] : memref<3072xi32, #tpu.memory_space<vmem>> -> memref<256xi32, #tpu.memory_space<vmem>>
    %dma_wait3A_277 = tpu.memref_slice %arg4[%select_n3A, %dma_wait3A_274, %add3A_46] : memref<4x2x12288xi32, #tpu.memory_space<hbm>> -> memref<1x1x256xi32, #tpu.memory_space<hbm>>
    %dma_wait3A_278 = tpu.memref_squeeze %dma_wait3A_277 : memref<1x1x256xi32, #tpu.memory_space<hbm>> -> memref<256xi32, #tpu.memory_space<hbm>>
    %dma_wait3A_279 = arith.constant 1792 : i32
    %dma_wait3A_280 = tpu.memref_slice %arg6[%dma_wait3A_279] : memref<3072xi32, #tpu.memory_space<vmem>> -> memref<256xi32, #tpu.memory_space<vmem>>
    %dma_wait3A_281 = tpu.memref_slice %arg4[%select_n3A, %dma_wait3A_274, %add3A_46] : memref<4x2x12288xi32, #tpu.memory_space<hbm>> -> memref<1x1x256xi32, #tpu.memory_space<hbm>>
    %dma_wait3A_282 = tpu.memref_squeeze %dma_wait3A_281 : memref<1x1x256xi32, #tpu.memory_space<hbm>> -> memref<256xi32, #tpu.memory_space<hbm>>
    tpu.wait_dma2 semaphore(%arg12 : memref<!tpu.dma_semaphore, #tpu.memory_space<semaphore_mem>>) src(%dma_wait3A_282 : memref<256xi32, #tpu.memory_space<hbm>>) dst(%dma_wait3A_280 : memref<256xi32, #tpu.memory_space<vmem>>)
    %dma_wait3A_283 = arith.constant 0 : i32
    %dma_wait3A_284 = arith.constant 2048 : i32
    %dma_wait3A_285 = tpu.memref_slice %arg6[%dma_wait3A_284] : memref<3072xi32, #tpu.memory_space<vmem>> -> memref<128xi32, #tpu.memory_space<vmem>>
    %dma_wait3A_286 = tpu.memref_slice %arg4[%select_n3A, %dma_wait3A_283, %add3A_48] : memref<4x2x12288xi32, #tpu.memory_space<hbm>> -> memref<1x1x128xi32, #tpu.memory_space<hbm>>
    %dma_wait3A_287 = tpu.memref_squeeze %dma_wait3A_286 : memref<1x1x128xi32, #tpu.memory_space<hbm>> -> memref<128xi32, #tpu.memory_space<hbm>>
    %dma_wait3A_288 = arith.constant 2048 : i32
    %dma_wait3A_289 = tpu.memref_slice %arg6[%dma_wait3A_288] : memref<3072xi32, #tpu.memory_space<vmem>> -> memref<128xi32, #tpu.memory_space<vmem>>
    %dma_wait3A_290 = tpu.memref_slice %arg4[%select_n3A, %dma_wait3A_283, %add3A_48] : memref<4x2x12288xi32, #tpu.memory_space<hbm>> -> memref<1x1x128xi32, #tpu.memory_space<hbm>>
    %dma_wait3A_291 = tpu.memref_squeeze %dma_wait3A_290 : memref<1x1x128xi32, #tpu.memory_space<hbm>> -> memref<128xi32, #tpu.memory_space<hbm>>
    tpu.wait_dma2 semaphore(%arg12 : memref<!tpu.dma_semaphore, #tpu.memory_space<semaphore_mem>>) src(%dma_wait3A_291 : memref<128xi32, #tpu.memory_space<hbm>>) dst(%dma_wait3A_289 : memref<128xi32, #tpu.memory_space<vmem>>)
    %dma_wait3A_292 = arith.constant 0 : i32
    %dma_wait3A_293 = arith.constant 2176 : i32
    %dma_wait3A_294 = tpu.memref_slice %arg6[%dma_wait3A_293] : memref<3072xi32, #tpu.memory_space<vmem>> -> memref<128xi32, #tpu.memory_space<vmem>>
    %dma_wait3A_295 = tpu.memref_slice %arg4[%select_n3A, %dma_wait3A_292, %add3A_50] : memref<4x2x12288xi32, #tpu.memory_space<hbm>> -> memref<1x1x128xi32, #tpu.memory_space<hbm>>
    %dma_wait3A_296 = tpu.memref_squeeze %dma_wait3A_295 : memref<1x1x128xi32, #tpu.memory_space<hbm>> -> memref<128xi32, #tpu.memory_space<hbm>>
    %dma_wait3A_297 = arith.constant 2176 : i32
    %dma_wait3A_298 = tpu.memref_slice %arg6[%dma_wait3A_297] : memref<3072xi32, #tpu.memory_space<vmem>> -> memref<128xi32, #tpu.memory_space<vmem>>
    %dma_wait3A_299 = tpu.memref_slice %arg4[%select_n3A, %dma_wait3A_292, %add3A_50] : memref<4x2x12288xi32, #tpu.memory_space<hbm>> -> memref<1x1x128xi32, #tpu.memory_space<hbm>>
    %dma_wait3A_300 = tpu.memref_squeeze %dma_wait3A_299 : memref<1x1x128xi32, #tpu.memory_space<hbm>> -> memref<128xi32, #tpu.memory_space<hbm>>
    tpu.wait_dma2 semaphore(%arg12 : memref<!tpu.dma_semaphore, #tpu.memory_space<semaphore_mem>>) src(%dma_wait3A_300 : memref<128xi32, #tpu.memory_space<hbm>>) dst(%dma_wait3A_298 : memref<128xi32, #tpu.memory_space<vmem>>)
    %dma_wait3A_301 = arith.constant 1 : i32
    %dma_wait3A_302 = arith.constant 2304 : i32
    %dma_wait3A_303 = tpu.memref_slice %arg6[%dma_wait3A_302] : memref<3072xi32, #tpu.memory_space<vmem>> -> memref<256xi32, #tpu.memory_space<vmem>>
    %dma_wait3A_304 = tpu.memref_slice %arg4[%select_n3A, %dma_wait3A_301, %add3A_44] : memref<4x2x12288xi32, #tpu.memory_space<hbm>> -> memref<1x1x256xi32, #tpu.memory_space<hbm>>
    %dma_wait3A_305 = tpu.memref_squeeze %dma_wait3A_304 : memref<1x1x256xi32, #tpu.memory_space<hbm>> -> memref<256xi32, #tpu.memory_space<hbm>>
    %dma_wait3A_306 = arith.constant 2304 : i32
    %dma_wait3A_307 = tpu.memref_slice %arg6[%dma_wait3A_306] : memref<3072xi32, #tpu.memory_space<vmem>> -> memref<256xi32, #tpu.memory_space<vmem>>
    %dma_wait3A_308 = tpu.memref_slice %arg4[%select_n3A, %dma_wait3A_301, %add3A_44] : memref<4x2x12288xi32, #tpu.memory_space<hbm>> -> memref<1x1x256xi32, #tpu.memory_space<hbm>>
    %dma_wait3A_309 = tpu.memref_squeeze %dma_wait3A_308 : memref<1x1x256xi32, #tpu.memory_space<hbm>> -> memref<256xi32, #tpu.memory_space<hbm>>
    tpu.wait_dma2 semaphore(%arg12 : memref<!tpu.dma_semaphore, #tpu.memory_space<semaphore_mem>>) src(%dma_wait3A_309 : memref<256xi32, #tpu.memory_space<hbm>>) dst(%dma_wait3A_307 : memref<256xi32, #tpu.memory_space<vmem>>)
    %dma_wait3A_310 = arith.constant 1 : i32
    %dma_wait3A_311 = arith.constant 2560 : i32
    %dma_wait3A_312 = tpu.memref_slice %arg6[%dma_wait3A_311] : memref<3072xi32, #tpu.memory_space<vmem>> -> memref<256xi32, #tpu.memory_space<vmem>>
    %dma_wait3A_313 = tpu.memref_slice %arg4[%select_n3A, %dma_wait3A_310, %add3A_46] : memref<4x2x12288xi32, #tpu.memory_space<hbm>> -> memref<1x1x256xi32, #tpu.memory_space<hbm>>
    %dma_wait3A_314 = tpu.memref_squeeze %dma_wait3A_313 : memref<1x1x256xi32, #tpu.memory_space<hbm>> -> memref<256xi32, #tpu.memory_space<hbm>>
    %dma_wait3A_315 = arith.constant 2560 : i32
    %dma_wait3A_316 = tpu.memref_slice %arg6[%dma_wait3A_315] : memref<3072xi32, #tpu.memory_space<vmem>> -> memref<256xi32, #tpu.memory_space<vmem>>
    %dma_wait3A_317 = tpu.memref_slice %arg4[%select_n3A, %dma_wait3A_310, %add3A_46] : memref<4x2x12288xi32, #tpu.memory_space<hbm>> -> memref<1x1x256xi32, #tpu.memory_space<hbm>>
    %dma_wait3A_318 = tpu.memref_squeeze %dma_wait3A_317 : memref<1x1x256xi32, #tpu.memory_space<hbm>> -> memref<256xi32, #tpu.memory_space<hbm>>
    tpu.wait_dma2 semaphore(%arg12 : memref<!tpu.dma_semaphore, #tpu.memory_space<semaphore_mem>>) src(%dma_wait3A_318 : memref<256xi32, #tpu.memory_space<hbm>>) dst(%dma_wait3A_316 : memref<256xi32, #tpu.memory_space<vmem>>)
    %dma_wait3A_319 = arith.constant 1 : i32
    %dma_wait3A_320 = arith.constant 2816 : i32
    %dma_wait3A_321 = tpu.memref_slice %arg6[%dma_wait3A_320] : memref<3072xi32, #tpu.memory_space<vmem>> -> memref<128xi32, #tpu.memory_space<vmem>>
    %dma_wait3A_322 = tpu.memref_slice %arg4[%select_n3A, %dma_wait3A_319, %add3A_48] : memref<4x2x12288xi32, #tpu.memory_space<hbm>> -> memref<1x1x128xi32, #tpu.memory_space<hbm>>
    %dma_wait3A_323 = tpu.memref_squeeze %dma_wait3A_322 : memref<1x1x128xi32, #tpu.memory_space<hbm>> -> memref<128xi32, #tpu.memory_space<hbm>>
    %dma_wait3A_324 = arith.constant 2816 : i32
    %dma_wait3A_325 = tpu.memref_slice %arg6[%dma_wait3A_324] : memref<3072xi32, #tpu.memory_space<vmem>> -> memref<128xi32, #tpu.memory_space<vmem>>
    %dma_wait3A_326 = tpu.memref_slice %arg4[%select_n3A, %dma_wait3A_319, %add3A_48] : memref<4x2x12288xi32, #tpu.memory_space<hbm>> -> memref<1x1x128xi32, #tpu.memory_space<hbm>>
    %dma_wait3A_327 = tpu.memref_squeeze %dma_wait3A_326 : memref<1x1x128xi32, #tpu.memory_space<hbm>> -> memref<128xi32, #tpu.memory_space<hbm>>
    tpu.wait_dma2 semaphore(%arg12 : memref<!tpu.dma_semaphore, #tpu.memory_space<semaphore_mem>>) src(%dma_wait3A_327 : memref<128xi32, #tpu.memory_space<hbm>>) dst(%dma_wait3A_325 : memref<128xi32, #tpu.memory_space<vmem>>)
    %dma_wait3A_328 = arith.constant 1 : i32
    %dma_wait3A_329 = arith.constant 2944 : i32
    %dma_wait3A_330 = tpu.memref_slice %arg6[%dma_wait3A_329] : memref<3072xi32, #tpu.memory_space<vmem>> -> memref<128xi32, #tpu.memory_space<vmem>>
    %dma_wait3A_331 = tpu.memref_slice %arg4[%select_n3A, %dma_wait3A_328, %add3A_50] : memref<4x2x12288xi32, #tpu.memory_space<hbm>> -> memref<1x1x128xi32, #tpu.memory_space<hbm>>
    %dma_wait3A_332 = tpu.memref_squeeze %dma_wait3A_331 : memref<1x1x128xi32, #tpu.memory_space<hbm>> -> memref<128xi32, #tpu.memory_space<hbm>>
    %dma_wait3A_333 = arith.constant 2944 : i32
    %dma_wait3A_334 = tpu.memref_slice %arg6[%dma_wait3A_333] : memref<3072xi32, #tpu.memory_space<vmem>> -> memref<128xi32, #tpu.memory_space<vmem>>
    %dma_wait3A_335 = tpu.memref_slice %arg4[%select_n3A, %dma_wait3A_328, %add3A_50] : memref<4x2x12288xi32, #tpu.memory_space<hbm>> -> memref<1x1x128xi32, #tpu.memory_space<hbm>>
    %dma_wait3A_336 = tpu.memref_squeeze %dma_wait3A_335 : memref<1x1x128xi32, #tpu.memory_space<hbm>> -> memref<128xi32, #tpu.memory_space<hbm>>
    tpu.wait_dma2 semaphore(%arg12 : memref<!tpu.dma_semaphore, #tpu.memory_space<semaphore_mem>>) src(%dma_wait3A_336 : memref<128xi32, #tpu.memory_space<hbm>>) dst(%dma_wait3A_334 : memref<128xi32, #tpu.memory_space<vmem>>)
    %mul3A_337 = arith.constant 262144 : i32
    %mul3A_338 = arith.muli %select_n3A, %mul3A_337 : i32
    %get3A = arith.constant 0 : index
    %get3A_339 = tpu.vector_load %arg6[%get3A] {strides = array<i32>} : memref<3072xi32, #tpu.memory_space<vmem>>, vector<16xi32>,
    %get3A_340 = vector.shape_cast %get3A_339 : vector<16xi32> to vector<16xi32>
    %mul3A_341 = arith.constant 512 : i32
    %mul3A_342 = vector.broadcast %mul3A_341 : i32 to vector<16xi32>
    %mul3A_343 = arith.muli %get3A_340, %mul3A_342 : vector<16xi32>
    %add3A_344 = vector.broadcast %mul3A_338 : i32 to vector<16xi32>
    %add3A_345 = arith.addi %add3A_344, %mul3A_343 : vector<16xi32>
    %get3A_346 = arith.constant 768 : index
    %get3A_347 = tpu.vector_load %arg6[%get3A_346] {strides = array<i32>} : memref<3072xi32, #tpu.memory_space<vmem>>, vector<16xi32>,
    %get3A_348 = vector.shape_cast %get3A_347 : vector<16xi32> to vector<16xi32>
    %add3A_349 = arith.addi %add3A_345, %get3A_348 : vector<16xi32>
    %swap3A = arith.constant 0 : index
    %swap3A_350 = tpu.vector_load %arg7[%swap3A] {strides = array<i32>} : memref<768xi32, #tpu.memory_space<vmem>>, vector<16xi32>,
    %swap3A_351 = vector.shape_cast %swap3A_350 : vector<16xi32> to vector<16xi32>
    %swap3A_352 = vector.shape_cast %add3A_349 : vector<16xi32> to vector<16xi32>
    tpu.vector_store %arg7[%swap3A], %swap3A_352 {strides = array<i32>} : memref<768xi32, #tpu.memory_space<vmem>>, vector<16xi32>,
    %get3A_353 = arith.constant 1536 : index
    %get3A_354 = tpu.vector_load %arg6[%get3A_353] {strides = array<i32>} : memref<3072xi32, #tpu.memory_space<vmem>>, vector<16xi32>,
    %get3A_355 = vector.shape_cast %get3A_354 : vector<16xi32> to vector<16xi32>
    %mul3A_356 = arith.constant 512 : i32
    %mul3A_357 = vector.broadcast %mul3A_356 : i32 to vector<16xi32>
    %mul3A_358 = arith.muli %get3A_355, %mul3A_357 : vector<16xi32>
    %add3A_359 = vector.broadcast %mul3A_338 : i32 to vector<16xi32>
    %add3A_360 = arith.addi %add3A_359, %mul3A_358 : vector<16xi32>
    %get3A_361 = arith.constant 2304 : index
    %get3A_362 = tpu.vector_load %arg6[%get3A_361] {strides = array<i32>} : memref<3072xi32, #tpu.memory_space<vmem>>, vector<16xi32>,
    %get3A_363 = vector.shape_cast %get3A_362 : vector<16xi32> to vector<16xi32>
    %add3A_364 = arith.addi %add3A_360, %get3A_363 : vector<16xi32>
    %swap3A_365 = arith.constant 0 : index
    %swap3A_366 = tpu.vector_load %arg8[%swap3A_365] {strides = array<i32>} : memref<768xi32, #tpu.memory_space<vmem>>, vector<16xi32>,
    %swap3A_367 = vector.shape_cast %swap3A_366 : vector<16xi32> to vector<16xi32>
    %swap3A_368 = vector.shape_cast %add3A_364 : vector<16xi32> to vector<16xi32>
    tpu.vector_store %arg8[%swap3A_365], %swap3A_368 {strides = array<i32>} : memref<768xi32, #tpu.memory_space<vmem>>, vector<16xi32>,
    %get3A_369 = arith.constant 16 : index
    %get3A_370 = tpu.vector_load %arg6[%get3A_369] {strides = array<i32>} : memref<3072xi32, #tpu.memory_space<vmem>>, vector<16xi32>,
    %get3A_371 = vector.shape_cast %get3A_370 : vector<16xi32> to vector<16xi32>
    %mul3A_372 = arith.constant 512 : i32
    %mul3A_373 = vector.broadcast %mul3A_372 : i32 to vector<16xi32>
    %mul3A_374 = arith.muli %get3A_371, %mul3A_373 : vector<16xi32>
    %add3A_375 = vector.broadcast %mul3A_338 : i32 to vector<16xi32>
    %add3A_376 = arith.addi %add3A_375, %mul3A_374 : vector<16xi32>
    %get3A_377 = arith.constant 784 : index
    %get3A_378 = tpu.vector_load %arg6[%get3A_377] {strides = array<i32>} : memref<3072xi32, #tpu.memory_space<vmem>>, vector<16xi32>,
    %get3A_379 = vector.shape_cast %get3A_378 : vector<16xi32> to vector<16xi32>
    %add3A_380 = arith.addi %add3A_376, %get3A_379 : vector<16xi32>
    %swap3A_381 = arith.constant 16 : index
    %swap3A_382 = tpu.vector_load %arg7[%swap3A_381] {strides = array<i32>} : memref<768xi32, #tpu.memory_space<vmem>>, vector<16xi32>,
    %swap3A_383 = vector.shape_cast %swap3A_382 : vector<16xi32> to vector<16xi32>
    %swap3A_384 = vector.shape_cast %add3A_380 : vector<16xi32> to vector<16xi32>
    tpu.vector_store %arg7[%swap3A_381], %swap3A_384 {strides = array<i32>} : memref<768xi32, #tpu.memory_space<vmem>>, vector<16xi32>,
    %get3A_385 = arith.constant 1552 : index
    %get3A_386 = tpu.vector_load %arg6[%get3A_385] {strides = array<i32>} : memref<3072xi32, #tpu.memory_space<vmem>>, vector<16xi32>,
    %get3A_387 = vector.shape_cast %get3A_386 : vector<16xi32> to vector<16xi32>
    %mul3A_388 = arith.constant 512 : i32
    %mul3A_389 = vector.broadcast %mul3A_388 : i32 to vector<16xi32>
    %mul3A_390 = arith.muli %get3A_387, %mul3A_389 : vector<16xi32>
    %add3A_391 = vector.broadcast %mul3A_338 : i32 to vector<16xi32>
    %add3A_392 = arith.addi %add3A_391, %mul3A_390 : vector<16xi32>
    %get3A_393 = arith.constant 2320 : index
    %get3A_394 = tpu.vector_load %arg6[%get3A_393] {strides = array<i32>} : memref<3072xi32, #tpu.memory_space<vmem>>, vector<16xi32>,
    %get3A_395 = vector.shape_cast %get3A_394 : vector<16xi32> to vector<16xi32>
    %add3A_396 = arith.addi %add3A_392, %get3A_395 : vector<16xi32>
    %swap3A_397 = arith.constant 16 : index
    %swap3A_398 = tpu.vector_load %arg8[%swap3A_397] {strides = array<i32>} : memref<768xi32, #tpu.memory_space<vmem>>, vector<16xi32>,
    %swap3A_399 = vector.shape_cast %swap3A_398 : vector<16xi32> to vector<16xi32>
    %swap3A_400 = vector.shape_cast %add3A_396 : vector<16xi32> to vector<16xi32>
    tpu.vector_store %arg8[%swap3A_397], %swap3A_400 {strides = array<i32>} : memref<768xi32, #tpu.memory_space<vmem>>, vector<16xi32>,
    %get3A_401 = arith.constant 32 : index
    %get3A_402 = tpu.vector_load %arg6[%get3A_401] {strides = array<i32>} : memref<3072xi32, #tpu.memory_space<vmem>>, vector<16xi32>,
    %get3A_403 = vector.shape_cast %get3A_402 : vector<16xi32> to vector<16xi32>
    %mul3A_404 = arith.constant 512 : i32
    %mul3A_405 = vector.broadcast %mul3A_404 : i32 to vector<16xi32>
    %mul3A_406 = arith.muli %get3A_403, %mul3A_405 : vector<16xi32>
    %add3A_407 = vector.broadcast %mul3A_338 : i32 to vector<16xi32>
    %add3A_408 = arith.addi %add3A_407, %mul3A_406 : vector<16xi32>
    %get3A_409 = arith.constant 800 : index
    %get3A_410 = tpu.vector_load %arg6[%get3A_409] {strides = array<i32>} : memref<3072xi32, #tpu.memory_space<vmem>>, vector<16xi32>,
    %get3A_411 = vector.shape_cast %get3A_410 : vector<16xi32> to vector<16xi32>
    %add3A_412 = arith.addi %add3A_408, %get3A_411 : vector<16xi32>
    %swap3A_413 = arith.constant 32 : index
    %swap3A_414 = tpu.vector_load %arg7[%swap3A_413] {strides = array<i32>} : memref<768xi32, #tpu.memory_space<vmem>>, vector<16xi32>,
    %swap3A_415 = vector.shape_cast %swap3A_414 : vector<16xi32> to vector<16xi32>
    %swap3A_416 = vector.shape_cast %add3A_412 : vector<16xi32> to vector<16xi32>
    tpu.vector_store %arg7[%swap3A_413], %swap3A_416 {strides = array<i32>} : memref<768xi32, #tpu.memory_space<vmem>>, vector<16xi32>,
    %get3A_417 = arith.constant 1568 : index
    %get3A_418 = tpu.vector_load %arg6[%get3A_417] {strides = array<i32>} : memref<3072xi32, #tpu.memory_space<vmem>>, vector<16xi32>,
    %get3A_419 = vector.shape_cast %get3A_418 : vector<16xi32> to vector<16xi32>
    %mul3A_420 = arith.constant 512 : i32
    %mul3A_421 = vector.broadcast %mul3A_420 : i32 to vector<16xi32>
    %mul3A_422 = arith.muli %get3A_419, %mul3A_421 : vector<16xi32>
    %add3A_423 = vector.broadcast %mul3A_338 : i32 to vector<16xi32>
    %add3A_424 = arith.addi %add3A_423, %mul3A_422 : vector<16xi32>
    %get3A_425 = arith.constant 2336 : index
    %get3A_426 = tpu.vector_load %arg6[%get3A_425] {strides = array<i32>} : memref<3072xi32, #tpu.memory_space<vmem>>, vector<16xi32>,
    %get3A_427 = vector.shape_cast %get3A_426 : vector<16xi32> to vector<16xi32>
    %add3A_428 = arith.addi %add3A_424, %get3A_427 : vector<16xi32>
    %swap3A_429 = arith.constant 32 : index
    %swap3A_430 = tpu.vector_load %arg8[%swap3A_429] {strides = array<i32>} : memref<768xi32, #tpu.memory_space<vmem>>, vector<16xi32>,
    %swap3A_431 = vector.shape_cast %swap3A_430 : vector<16xi32> to vector<16xi32>
    %swap3A_432 = vector.shape_cast %add3A_428 : vector<16xi32> to vector<16xi32>
    tpu.vector_store %arg8[%swap3A_429], %swap3A_432 {strides = array<i32>} : memref<768xi32, #tpu.memory_space<vmem>>, vector<16xi32>,
    %get3A_433 = arith.constant 48 : index
    %get3A_434 = tpu.vector_load %arg6[%get3A_433] {strides = array<i32>} : memref<3072xi32, #tpu.memory_space<vmem>>, vector<16xi32>,
    %get3A_435 = vector.shape_cast %get3A_434 : vector<16xi32> to vector<16xi32>
    %mul3A_436 = arith.constant 512 : i32
    %mul3A_437 = vector.broadcast %mul3A_436 : i32 to vector<16xi32>
    %mul3A_438 = arith.muli %get3A_435, %mul3A_437 : vector<16xi32>
    %add3A_439 = vector.broadcast %mul3A_338 : i32 to vector<16xi32>
    %add3A_440 = arith.addi %add3A_439, %mul3A_438 : vector<16xi32>
    %get3A_441 = arith.constant 816 : index
    %get3A_442 = tpu.vector_load %arg6[%get3A_441] {strides = array<i32>} : memref<3072xi32, #tpu.memory_space<vmem>>, vector<16xi32>,
    %get3A_443 = vector.shape_cast %get3A_442 : vector<16xi32> to vector<16xi32>
    %add3A_444 = arith.addi %add3A_440, %get3A_443 : vector<16xi32>
    %swap3A_445 = arith.constant 48 : index
    %swap3A_446 = tpu.vector_load %arg7[%swap3A_445] {strides = array<i32>} : memref<768xi32, #tpu.memory_space<vmem>>, vector<16xi32>,
    %swap3A_447 = vector.shape_cast %swap3A_446 : vector<16xi32> to vector<16xi32>
    %swap3A_448 = vector.shape_cast %add3A_444 : vector<16xi32> to vector<16xi32>
    tpu.vector_store %arg7[%swap3A_445], %swap3A_448 {strides = array<i32>} : memref<768xi32, #tpu.memory_space<vmem>>, vector<16xi32>,
    %get3A_449 = arith.constant 1584 : index
    %get3A_450 = tpu.vector_load %arg6[%get3A_449] {strides = array<i32>} : memref<3072xi32, #tpu.memory_space<vmem>>, vector<16xi32>,
    %get3A_451 = vector.shape_cast %get3A_450 : vector<16xi32> to vector<16xi32>
    %mul3A_452 = arith.constant 512 : i32
    %mul3A_453 = vector.broadcast %mul3A_452 : i32 to vector<16xi32>
    %mul3A_454 = arith.muli %get3A_451, %mul3A_453 : vector<16xi32>
    %add3A_455 = vector.broadcast %mul3A_338 : i32 to vector<16xi32>
    %add3A_456 = arith.addi %add3A_455, %mul3A_454 : vector<16xi32>
    %get3A_457 = arith.constant 2352 : index
    %get3A_458 = tpu.vector_load %arg6[%get3A_457] {strides = array<i32>} : memref<3072xi32, #tpu.memory_space<vmem>>, vector<16xi32>,
    %get3A_459 = vector.shape_cast %get3A_458 : vector<16xi32> to vector<16xi32>
    %add3A_460 = arith.addi %add3A_456, %get3A_459 : vector<16xi32>
    %swap3A_461 = arith.constant 48 : index
    %swap3A_462 = tpu.vector_load %arg8[%swap3A_461] {strides = array<i32>} : memref<768xi32, #tpu.memory_space<vmem>>, vector<16xi32>,
    %swap3A_463 = vector.shape_cast %swap3A_462 : vector<16xi32> to vector<16xi32>
    %swap3A_464 = vector.shape_cast %add3A_460 : vector<16xi32> to vector<16xi32>
    tpu.vector_store %arg8[%swap3A_461], %swap3A_464 {strides = array<i32>} : memref<768xi32, #tpu.memory_space<vmem>>, vector<16xi32>,
    %get3A_465 = arith.constant 64 : index
    %get3A_466 = tpu.vector_load %arg6[%get3A_465] {strides = array<i32>} : memref<3072xi32, #tpu.memory_space<vmem>>, vector<16xi32>,
    %get3A_467 = vector.shape_cast %get3A_466 : vector<16xi32> to vector<16xi32>
    %mul3A_468 = arith.constant 512 : i32
    %mul3A_469 = vector.broadcast %mul3A_468 : i32 to vector<16xi32>
    %mul3A_470 = arith.muli %get3A_467, %mul3A_469 : vector<16xi32>
    %add3A_471 = vector.broadcast %mul3A_338 : i32 to vector<16xi32>
    %add3A_472 = arith.addi %add3A_471, %mul3A_470 : vector<16xi32>
    %get3A_473 = arith.constant 832 : index
    %get3A_474 = tpu.vector_load %arg6[%get3A_473] {strides = array<i32>} : memref<3072xi32, #tpu.memory_space<vmem>>, vector<16xi32>,
    %get3A_475 = vector.shape_cast %get3A_474 : vector<16xi32> to vector<16xi32>
    %add3A_476 = arith.addi %add3A_472, %get3A_475 : vector<16xi32>
    %swap3A_477 = arith.constant 64 : index
    %swap3A_478 = tpu.vector_load %arg7[%swap3A_477] {strides = array<i32>} : memref<768xi32, #tpu.memory_space<vmem>>, vector<16xi32>,
    %swap3A_479 = vector.shape_cast %swap3A_478 : vector<16xi32> to vector<16xi32>
    %swap3A_480 = vector.shape_cast %add3A_476 : vector<16xi32> to vector<16xi32>
    tpu.vector_store %arg7[%swap3A_477], %swap3A_480 {strides = array<i32>} : memref<768xi32, #tpu.memory_space<vmem>>, vector<16xi32>,
    %get3A_481 = arith.constant 1600 : index
    %get3A_482 = tpu.vector_load %arg6[%get3A_481] {strides = array<i32>} : memref<3072xi32, #tpu.memory_space<vmem>>, vector<16xi32>,
    %get3A_483 = vector.shape_cast %get3A_482 : vector<16xi32> to vector<16xi32>
    %mul3A_484 = arith.constant 512 : i32
    %mul3A_485 = vector.broadcast %mul3A_484 : i32 to vector<16xi32>
    %mul3A_486 = arith.muli %get3A_483, %mul3A_485 : vector<16xi32>
    %add3A_487 = vector.broadcast %mul3A_338 : i32 to vector<16xi32>
    %add3A_488 = arith.addi %add3A_487, %mul3A_486 : vector<16xi32>
    %get3A_489 = arith.constant 2368 : index
    %get3A_490 = tpu.vector_load %arg6[%get3A_489] {strides = array<i32>} : memref<3072xi32, #tpu.memory_space<vmem>>, vector<16xi32>,
    %get3A_491 = vector.shape_cast %get3A_490 : vector<16xi32> to vector<16xi32>
    %add3A_492 = arith.addi %add3A_488, %get3A_491 : vector<16xi32>
    %swap3A_493 = arith.constant 64 : index
    %swap3A_494 = tpu.vector_load %arg8[%swap3A_493] {strides = array<i32>} : memref<768xi32, #tpu.memory_space<vmem>>, vector<16xi32>,
    %swap3A_495 = vector.shape_cast %swap3A_494 : vector<16xi32> to vector<16xi32>
    %swap3A_496 = vector.shape_cast %add3A_492 : vector<16xi32> to vector<16xi32>
    tpu.vector_store %arg8[%swap3A_493], %swap3A_496 {strides = array<i32>} : memref<768xi32, #tpu.memory_space<vmem>>, vector<16xi32>,
    %get3A_497 = arith.constant 80 : index
    %get3A_498 = tpu.vector_load %arg6[%get3A_497] {strides = array<i32>} : memref<3072xi32, #tpu.memory_space<vmem>>, vector<16xi32>,
    %get3A_499 = vector.shape_cast %get3A_498 : vector<16xi32> to vector<16xi32>
    %mul3A_500 = arith.constant 512 : i32
    %mul3A_501 = vector.broadcast %mul3A_500 : i32 to vector<16xi32>
    %mul3A_502 = arith.muli %get3A_499, %mul3A_501 : vector<16xi32>
    %add3A_503 = vector.broadcast %mul3A_338 : i32 to vector<16xi32>
    %add3A_504 = arith.addi %add3A_503, %mul3A_502 : vector<16xi32>
    %get3A_505 = arith.constant 848 : index
    %get3A_506 = tpu.vector_load %arg6[%get3A_505] {strides = array<i32>} : memref<3072xi32, #tpu.memory_space<vmem>>, vector<16xi32>,
    %get3A_507 = vector.shape_cast %get3A_506 : vector<16xi32> to vector<16xi32>
    %add3A_508 = arith.addi %add3A_504, %get3A_507 : vector<16xi32>
    %swap3A_509 = arith.constant 80 : index
    %swap3A_510 = tpu.vector_load %arg7[%swap3A_509] {strides = array<i32>} : memref<768xi32, #tpu.memory_space<vmem>>, vector<16xi32>,
    %swap3A_511 = vector.shape_cast %swap3A_510 : vector<16xi32> to vector<16xi32>
    %swap3A_512 = vector.shape_cast %add3A_508 : vector<16xi32> to vector<16xi32>
    tpu.vector_store %arg7[%swap3A_509], %swap3A_512 {strides = array<i32>} : memref<768xi32, #tpu.memory_space<vmem>>, vector<16xi32>,
    %get3A_513 = arith.constant 1616 : index
    %get3A_514 = tpu.vector_load %arg6[%get3A_513] {strides = array<i32>} : memref<3072xi32, #tpu.memory_space<vmem>>, vector<16xi32>,
    %get3A_515 = vector.shape_cast %get3A_514 : vector<16xi32> to vector<16xi32>
    %mul3A_516 = arith.constant 512 : i32
    %mul3A_517 = vector.broadcast %mul3A_516 : i32 to vector<16xi32>
    %mul3A_518 = arith.muli %get3A_515, %mul3A_517 : vector<16xi32>
    %add3A_519 = vector.broadcast %mul3A_338 : i32 to vector<16xi32>
    %add3A_520 = arith.addi %add3A_519, %mul3A_518 : vector<16xi32>
    %get3A_521 = arith.constant 2384 : index
    %get3A_522 = tpu.vector_load %arg6[%get3A_521] {strides = array<i32>} : memref<3072xi32, #tpu.memory_space<vmem>>, vector<16xi32>,
    %get3A_523 = vector.shape_cast %get3A_522 : vector<16xi32> to vector<16xi32>
    %add3A_524 = arith.addi %add3A_520, %get3A_523 : vector<16xi32>
    %swap3A_525 = arith.constant 80 : index
    %swap3A_526 = tpu.vector_load %arg8[%swap3A_525] {strides = array<i32>} : memref<768xi32, #tpu.memory_space<vmem>>, vector<16xi32>,
    %swap3A_527 = vector.shape_cast %swap3A_526 : vector<16xi32> to vector<16xi32>
    %swap3A_528 = vector.shape_cast %add3A_524 : vector<16xi32> to vector<16xi32>
    tpu.vector_store %arg8[%swap3A_525], %swap3A_528 {strides = array<i32>} : memref<768xi32, #tpu.memory_space<vmem>>, vector<16xi32>,
    %get3A_529 = arith.constant 96 : index
    %get3A_530 = tpu.vector_load %arg6[%get3A_529] {strides = array<i32>} : memref<3072xi32, #tpu.memory_space<vmem>>, vector<16xi32>,
    %get3A_531 = vector.shape_cast %get3A_530 : vector<16xi32> to vector<16xi32>
    %mul3A_532 = arith.constant 512 : i32
    %mul3A_533 = vector.broadcast %mul3A_532 : i32 to vector<16xi32>
    %mul3A_534 = arith.muli %get3A_531, %mul3A_533 : vector<16xi32>
    %add3A_535 = vector.broadcast %mul3A_338 : i32 to vector<16xi32>
    %add3A_536 = arith.addi %add3A_535, %mul3A_534 : vector<16xi32>
    %get3A_537 = arith.constant 864 : index
    %get3A_538 = tpu.vector_load %arg6[%get3A_537] {strides = array<i32>} : memref<3072xi32, #tpu.memory_space<vmem>>, vector<16xi32>,
    %get3A_539 = vector.shape_cast %get3A_538 : vector<16xi32> to vector<16xi32>
    %add3A_540 = arith.addi %add3A_536, %get3A_539 : vector<16xi32>
    %swap3A_541 = arith.constant 96 : index
    %swap3A_542 = tpu.vector_load %arg7[%swap3A_541] {strides = array<i32>} : memref<768xi32, #tpu.memory_space<vmem>>, vector<16xi32>,
    %swap3A_543 = vector.shape_cast %swap3A_542 : vector<16xi32> to vector<16xi32>
    %swap3A_544 = vector.shape_cast %add3A_540 : vector<16xi32> to vector<16xi32>
    tpu.vector_store %arg7[%swap3A_541], %swap3A_544 {strides = array<i32>} : memref<768xi32, #tpu.memory_space<vmem>>, vector<16xi32>,
    %get3A_545 = arith.constant 1632 : index
    %get3A_546 = tpu.vector_load %arg6[%get3A_545] {strides = array<i32>} : memref<3072xi32, #tpu.memory_space<vmem>>, vector<16xi32>,
    %get3A_547 = vector.shape_cast %get3A_546 : vector<16xi32> to vector<16xi32>
    %mul3A_548 = arith.constant 512 : i32
    %mul3A_549 = vector.broadcast %mul3A_548 : i32 to vector<16xi32>
    %mul3A_550 = arith.muli %get3A_547, %mul3A_549 : vector<16xi32>
    %add3A_551 = vector.broadcast %mul3A_338 : i32 to vector<16xi32>
    %add3A_552 = arith.addi %add3A_551, %mul3A_550 : vector<16xi32>
    %get3A_553 = arith.constant 2400 : index
    %get3A_554 = tpu.vector_load %arg6[%get3A_553] {strides = array<i32>} : memref<3072xi32, #tpu.memory_space<vmem>>, vector<16xi32>,
    %get3A_555 = vector.shape_cast %get3A_554 : vector<16xi32> to vector<16xi32>
    %add3A_556 = arith.addi %add3A_552, %get3A_555 : vector<16xi32>
    %swap3A_557 = arith.constant 96 : index
    %swap3A_558 = tpu.vector_load %arg8[%swap3A_557] {strides = array<i32>} : memref<768xi32, #tpu.memory_space<vmem>>, vector<16xi32>,
    %swap3A_559 = vector.shape_cast %swap3A_558 : vector<16xi32> to vector<16xi32>
    %swap3A_560 = vector.shape_cast %add3A_556 : vector<16xi32> to vector<16xi32>
    tpu.vector_store %arg8[%swap3A_557], %swap3A_560 {strides = array<i32>} : memref<768xi32, #tpu.memory_space<vmem>>, vector<16xi32>,
    %get3A_561 = arith.constant 112 : index
    %get3A_562 = tpu.vector_load %arg6[%get3A_561] {strides = array<i32>} : memref<3072xi32, #tpu.memory_space<vmem>>, vector<16xi32>,
    %get3A_563 = vector.shape_cast %get3A_562 : vector<16xi32> to vector<16xi32>
    %mul3A_564 = arith.constant 512 : i32
    %mul3A_565 = vector.broadcast %mul3A_564 : i32 to vector<16xi32>
    %mul3A_566 = arith.muli %get3A_563, %mul3A_565 : vector<16xi32>
    %add3A_567 = vector.broadcast %mul3A_338 : i32 to vector<16xi32>
    %add3A_568 = arith.addi %add3A_567, %mul3A_566 : vector<16xi32>
    %get3A_569 = arith.constant 880 : index
    %get3A_570 = tpu.vector_load %arg6[%get3A_569] {strides = array<i32>} : memref<3072xi32, #tpu.memory_space<vmem>>, vector<16xi32>,
    %get3A_571 = vector.shape_cast %get3A_570 : vector<16xi32> to vector<16xi32>
    %add3A_572 = arith.addi %add3A_568, %get3A_571 : vector<16xi32>
    %swap3A_573 = arith.constant 112 : index
    %swap3A_574 = tpu.vector_load %arg7[%swap3A_573] {strides = array<i32>} : memref<768xi32, #tpu.memory_space<vmem>>, vector<16xi32>,
    %swap3A_575 = vector.shape_cast %swap3A_574 : vector<16xi32> to vector<16xi32>
    %swap3A_576 = vector.shape_cast %add3A_572 : vector<16xi32> to vector<16xi32>
    tpu.vector_store %arg7[%swap3A_573], %swap3A_576 {strides = array<i32>} : memref<768xi32, #tpu.memory_space<vmem>>, vector<16xi32>,
    %get3A_577 = arith.constant 1648 : index
    %get3A_578 = tpu.vector_load %arg6[%get3A_577] {strides = array<i32>} : memref<3072xi32, #tpu.memory_space<vmem>>, vector<16xi32>,
    %get3A_579 = vector.shape_cast %get3A_578 : vector<16xi32> to vector<16xi32>
    %mul3A_580 = arith.constant 512 : i32
    %mul3A_581 = vector.broadcast %mul3A_580 : i32 to vector<16xi32>
    %mul3A_582 = arith.muli %get3A_579, %mul3A_581 : vector<16xi32>
    %add3A_583 = vector.broadcast %mul3A_338 : i32 to vector<16xi32>
    %add3A_584 = arith.addi %add3A_583, %mul3A_582 : vector<16xi32>
    %get3A_585 = arith.constant 2416 : index
    %get3A_586 = tpu.vector_load %arg6[%get3A_585] {strides = array<i32>} : memref<3072xi32, #tpu.memory_space<vmem>>, vector<16xi32>,
    %get3A_587 = vector.shape_cast %get3A_586 : vector<16xi32> to vector<16xi32>
    %add3A_588 = arith.addi %add3A_584, %get3A_587 : vector<16xi32>
    %swap3A_589 = arith.constant 112 : index
    %swap3A_590 = tpu.vector_load %arg8[%swap3A_589] {strides = array<i32>} : memref<768xi32, #tpu.memory_space<vmem>>, vector<16xi32>,
    %swap3A_591 = vector.shape_cast %swap3A_590 : vector<16xi32> to vector<16xi32>
    %swap3A_592 = vector.shape_cast %add3A_588 : vector<16xi32> to vector<16xi32>
    tpu.vector_store %arg8[%swap3A_589], %swap3A_592 {strides = array<i32>} : memref<768xi32, #tpu.memory_space<vmem>>, vector<16xi32>,
    %get3A_593 = arith.constant 128 : index
    %get3A_594 = tpu.vector_load %arg6[%get3A_593] {strides = array<i32>} : memref<3072xi32, #tpu.memory_space<vmem>>, vector<16xi32>,
    %get3A_595 = vector.shape_cast %get3A_594 : vector<16xi32> to vector<16xi32>
    %mul3A_596 = arith.constant 512 : i32
    %mul3A_597 = vector.broadcast %mul3A_596 : i32 to vector<16xi32>
    %mul3A_598 = arith.muli %get3A_595, %mul3A_597 : vector<16xi32>
    %add3A_599 = vector.broadcast %mul3A_338 : i32 to vector<16xi32>
    %add3A_600 = arith.addi %add3A_599, %mul3A_598 : vector<16xi32>
    %get3A_601 = arith.constant 896 : index
    %get3A_602 = tpu.vector_load %arg6[%get3A_601] {strides = array<i32>} : memref<3072xi32, #tpu.memory_space<vmem>>, vector<16xi32>,
    %get3A_603 = vector.shape_cast %get3A_602 : vector<16xi32> to vector<16xi32>
    %add3A_604 = arith.addi %add3A_600, %get3A_603 : vector<16xi32>
    %swap3A_605 = arith.constant 128 : index
    %swap3A_606 = tpu.vector_load %arg7[%swap3A_605] {strides = array<i32>} : memref<768xi32, #tpu.memory_space<vmem>>, vector<16xi32>,
    %swap3A_607 = vector.shape_cast %swap3A_606 : vector<16xi32> to vector<16xi32>
    %swap3A_608 = vector.shape_cast %add3A_604 : vector<16xi32> to vector<16xi32>
    tpu.vector_store %arg7[%swap3A_605], %swap3A_608 {strides = array<i32>} : memref<768xi32, #tpu.memory_space<vmem>>, vector<16xi32>,
    %get3A_609 = arith.constant 1664 : index
    %get3A_610 = tpu.vector_load %arg6[%get3A_609] {strides = array<i32>} : memref<3072xi32, #tpu.memory_space<vmem>>, vector<16xi32>,
    %get3A_611 = vector.shape_cast %get3A_610 : vector<16xi32> to vector<16xi32>
    %mul3A_612 = arith.constant 512 : i32
    %mul3A_613 = vector.broadcast %mul3A_612 : i32 to vector<16xi32>
    %mul3A_614 = arith.muli %get3A_611, %mul3A_613 : vector<16xi32>
    %add3A_615 = vector.broadcast %mul3A_338 : i32 to vector<16xi32>
    %add3A_616 = arith.addi %add3A_615, %mul3A_614 : vector<16xi32>
    %get3A_617 = arith.constant 2432 : index
    %get3A_618 = tpu.vector_load %arg6[%get3A_617] {strides = array<i32>} : memref<3072xi32, #tpu.memory_space<vmem>>, vector<16xi32>,
    %get3A_619 = vector.shape_cast %get3A_618 : vector<16xi32> to vector<16xi32>
    %add3A_620 = arith.addi %add3A_616, %get3A_619 : vector<16xi32>
    %swap3A_621 = arith.constant 128 : index
    %swap3A_622 = tpu.vector_load %arg8[%swap3A_621] {strides = array<i32>} : memref<768xi32, #tpu.memory_space<vmem>>, vector<16xi32>,
    %swap3A_623 = vector.shape_cast %swap3A_622 : vector<16xi32> to vector<16xi32>
    %swap3A_624 = vector.shape_cast %add3A_620 : vector<16xi32> to vector<16xi32>
    tpu.vector_store %arg8[%swap3A_621], %swap3A_624 {strides = array<i32>} : memref<768xi32, #tpu.memory_space<vmem>>, vector<16xi32>,
    %get3A_625 = arith.constant 144 : index
    %get3A_626 = tpu.vector_load %arg6[%get3A_625] {strides = array<i32>} : memref<3072xi32, #tpu.memory_space<vmem>>, vector<16xi32>,
    %get3A_627 = vector.shape_cast %get3A_626 : vector<16xi32> to vector<16xi32>
    %mul3A_628 = arith.constant 512 : i32
    %mul3A_629 = vector.broadcast %mul3A_628 : i32 to vector<16xi32>
    %mul3A_630 = arith.muli %get3A_627, %mul3A_629 : vector<16xi32>
    %add3A_631 = vector.broadcast %mul3A_338 : i32 to vector<16xi32>
    %add3A_632 = arith.addi %add3A_631, %mul3A_630 : vector<16xi32>
    %get3A_633 = arith.constant 912 : index
    %get3A_634 = tpu.vector_load %arg6[%get3A_633] {strides = array<i32>} : memref<3072xi32, #tpu.memory_space<vmem>>, vector<16xi32>,
    %get3A_635 = vector.shape_cast %get3A_634 : vector<16xi32> to vector<16xi32>
    %add3A_636 = arith.addi %add3A_632, %get3A_635 : vector<16xi32>
    %swap3A_637 = arith.constant 144 : index
    %swap3A_638 = tpu.vector_load %arg7[%swap3A_637] {strides = array<i32>} : memref<768xi32, #tpu.memory_space<vmem>>, vector<16xi32>,
    %swap3A_639 = vector.shape_cast %swap3A_638 : vector<16xi32> to vector<16xi32>
    %swap3A_640 = vector.shape_cast %add3A_636 : vector<16xi32> to vector<16xi32>
    tpu.vector_store %arg7[%swap3A_637], %swap3A_640 {strides = array<i32>} : memref<768xi32, #tpu.memory_space<vmem>>, vector<16xi32>,
    %get3A_641 = arith.constant 1680 : index
    %get3A_642 = tpu.vector_load %arg6[%get3A_641] {strides = array<i32>} : memref<3072xi32, #tpu.memory_space<vmem>>, vector<16xi32>,
    %get3A_643 = vector.shape_cast %get3A_642 : vector<16xi32> to vector<16xi32>
    %mul3A_644 = arith.constant 512 : i32
    %mul3A_645 = vector.broadcast %mul3A_644 : i32 to vector<16xi32>
    %mul3A_646 = arith.muli %get3A_643, %mul3A_645 : vector<16xi32>
    %add3A_647 = vector.broadcast %mul3A_338 : i32 to vector<16xi32>
    %add3A_648 = arith.addi %add3A_647, %mul3A_646 : vector<16xi32>
    %get3A_649 = arith.constant 2448 : index
    %get3A_650 = tpu.vector_load %arg6[%get3A_649] {strides = array<i32>} : memref<3072xi32, #tpu.memory_space<vmem>>, vector<16xi32>,
    %get3A_651 = vector.shape_cast %get3A_650 : vector<16xi32> to vector<16xi32>
    %add3A_652 = arith.addi %add3A_648, %get3A_651 : vector<16xi32>
    %swap3A_653 = arith.constant 144 : index
    %swap3A_654 = tpu.vector_load %arg8[%swap3A_653] {strides = array<i32>} : memref<768xi32, #tpu.memory_space<vmem>>, vector<16xi32>,
    %swap3A_655 = vector.shape_cast %swap3A_654 : vector<16xi32> to vector<16xi32>
    %swap3A_656 = vector.shape_cast %add3A_652 : vector<16xi32> to vector<16xi32>
    tpu.vector_store %arg8[%swap3A_653], %swap3A_656 {strides = array<i32>} : memref<768xi32, #tpu.memory_space<vmem>>, vector<16xi32>,
    %get3A_657 = arith.constant 160 : index
    %get3A_658 = tpu.vector_load %arg6[%get3A_657] {strides = array<i32>} : memref<3072xi32, #tpu.memory_space<vmem>>, vector<16xi32>,
    %get3A_659 = vector.shape_cast %get3A_658 : vector<16xi32> to vector<16xi32>
    %mul3A_660 = arith.constant 512 : i32
    %mul3A_661 = vector.broadcast %mul3A_660 : i32 to vector<16xi32>
    %mul3A_662 = arith.muli %get3A_659, %mul3A_661 : vector<16xi32>
    %add3A_663 = vector.broadcast %mul3A_338 : i32 to vector<16xi32>
    %add3A_664 = arith.addi %add3A_663, %mul3A_662 : vector<16xi32>
    %get3A_665 = arith.constant 928 : index
    %get3A_666 = tpu.vector_load %arg6[%get3A_665] {strides = array<i32>} : memref<3072xi32, #tpu.memory_space<vmem>>, vector<16xi32>,
    %get3A_667 = vector.shape_cast %get3A_666 : vector<16xi32> to vector<16xi32>
    %add3A_668 = arith.addi %add3A_664, %get3A_667 : vector<16xi32>
    %swap3A_669 = arith.constant 160 : index
    %swap3A_670 = tpu.vector_load %arg7[%swap3A_669] {strides = array<i32>} : memref<768xi32, #tpu.memory_space<vmem>>, vector<16xi32>,
    %swap3A_671 = vector.shape_cast %swap3A_670 : vector<16xi32> to vector<16xi32>
    %swap3A_672 = vector.shape_cast %add3A_668 : vector<16xi32> to vector<16xi32>
    tpu.vector_store %arg7[%swap3A_669], %swap3A_672 {strides = array<i32>} : memref<768xi32, #tpu.memory_space<vmem>>, vector<16xi32>,
    %get3A_673 = arith.constant 1696 : index
    %get3A_674 = tpu.vector_load %arg6[%get3A_673] {strides = array<i32>} : memref<3072xi32, #tpu.memory_space<vmem>>, vector<16xi32>,
    %get3A_675 = vector.shape_cast %get3A_674 : vector<16xi32> to vector<16xi32>
    %mul3A_676 = arith.constant 512 : i32
    %mul3A_677 = vector.broadcast %mul3A_676 : i32 to vector<16xi32>
    %mul3A_678 = arith.muli %get3A_675, %mul3A_677 : vector<16xi32>
    %add3A_679 = vector.broadcast %mul3A_338 : i32 to vector<16xi32>
    %add3A_680 = arith.addi %add3A_679, %mul3A_678 : vector<16xi32>
    %get3A_681 = arith.constant 2464 : index
    %get3A_682 = tpu.vector_load %arg6[%get3A_681] {strides = array<i32>} : memref<3072xi32, #tpu.memory_space<vmem>>, vector<16xi32>,
    %get3A_683 = vector.shape_cast %get3A_682 : vector<16xi32> to vector<16xi32>
    %add3A_684 = arith.addi %add3A_680, %get3A_683 : vector<16xi32>
    %swap3A_685 = arith.constant 160 : index
    %swap3A_686 = tpu.vector_load %arg8[%swap3A_685] {strides = array<i32>} : memref<768xi32, #tpu.memory_space<vmem>>, vector<16xi32>,
    %swap3A_687 = vector.shape_cast %swap3A_686 : vector<16xi32> to vector<16xi32>
    %swap3A_688 = vector.shape_cast %add3A_684 : vector<16xi32> to vector<16xi32>
    tpu.vector_store %arg8[%swap3A_685], %swap3A_688 {strides = array<i32>} : memref<768xi32, #tpu.memory_space<vmem>>, vector<16xi32>,
    %get3A_689 = arith.constant 176 : index
    %get3A_690 = tpu.vector_load %arg6[%get3A_689] {strides = array<i32>} : memref<3072xi32, #tpu.memory_space<vmem>>, vector<16xi32>,
    %get3A_691 = vector.shape_cast %get3A_690 : vector<16xi32> to vector<16xi32>
    %mul3A_692 = arith.constant 512 : i32
    %mul3A_693 = vector.broadcast %mul3A_692 : i32 to vector<16xi32>
    %mul3A_694 = arith.muli %get3A_691, %mul3A_693 : vector<16xi32>
    %add3A_695 = vector.broadcast %mul3A_338 : i32 to vector<16xi32>
    %add3A_696 = arith.addi %add3A_695, %mul3A_694 : vector<16xi32>
    %get3A_697 = arith.constant 944 : index
    %get3A_698 = tpu.vector_load %arg6[%get3A_697] {strides = array<i32>} : memref<3072xi32, #tpu.memory_space<vmem>>, vector<16xi32>,
    %get3A_699 = vector.shape_cast %get3A_698 : vector<16xi32> to vector<16xi32>
    %add3A_700 = arith.addi %add3A_696, %get3A_699 : vector<16xi32>
    %swap3A_701 = arith.constant 176 : index
    %swap3A_702 = tpu.vector_load %arg7[%swap3A_701] {strides = array<i32>} : memref<768xi32, #tpu.memory_space<vmem>>, vector<16xi32>,
    %swap3A_703 = vector.shape_cast %swap3A_702 : vector<16xi32> to vector<16xi32>
    %swap3A_704 = vector.shape_cast %add3A_700 : vector<16xi32> to vector<16xi32>
    tpu.vector_store %arg7[%swap3A_701], %swap3A_704 {strides = array<i32>} : memref<768xi32, #tpu.memory_space<vmem>>, vector<16xi32>,
    %get3A_705 = arith.constant 1712 : index
    %get3A_706 = tpu.vector_load %arg6[%get3A_705] {strides = array<i32>} : memref<3072xi32, #tpu.memory_space<vmem>>, vector<16xi32>,
    %get3A_707 = vector.shape_cast %get3A_706 : vector<16xi32> to vector<16xi32>
    %mul3A_708 = arith.constant 512 : i32
    %mul3A_709 = vector.broadcast %mul3A_708 : i32 to vector<16xi32>
    %mul3A_710 = arith.muli %get3A_707, %mul3A_709 : vector<16xi32>
    %add3A_711 = vector.broadcast %mul3A_338 : i32 to vector<16xi32>
    %add3A_712 = arith.addi %add3A_711, %mul3A_710 : vector<16xi32>
    %get3A_713 = arith.constant 2480 : index
    %get3A_714 = tpu.vector_load %arg6[%get3A_713] {strides = array<i32>} : memref<3072xi32, #tpu.memory_space<vmem>>, vector<16xi32>,
    %get3A_715 = vector.shape_cast %get3A_714 : vector<16xi32> to vector<16xi32>
    %add3A_716 = arith.addi %add3A_712, %get3A_715 : vector<16xi32>
    %swap3A_717 = arith.constant 176 : index
    %swap3A_718 = tpu.vector_load %arg8[%swap3A_717] {strides = array<i32>} : memref<768xi32, #tpu.memory_space<vmem>>, vector<16xi32>,
    %swap3A_719 = vector.shape_cast %swap3A_718 : vector<16xi32> to vector<16xi32>
    %swap3A_720 = vector.shape_cast %add3A_716 : vector<16xi32> to vector<16xi32>
    tpu.vector_store %arg8[%swap3A_717], %swap3A_720 {strides = array<i32>} : memref<768xi32, #tpu.memory_space<vmem>>, vector<16xi32>,
    %get3A_721 = arith.constant 192 : index
    %get3A_722 = tpu.vector_load %arg6[%get3A_721] {strides = array<i32>} : memref<3072xi32, #tpu.memory_space<vmem>>, vector<16xi32>,
    %get3A_723 = vector.shape_cast %get3A_722 : vector<16xi32> to vector<16xi32>
    %mul3A_724 = arith.constant 512 : i32
    %mul3A_725 = vector.broadcast %mul3A_724 : i32 to vector<16xi32>
    %mul3A_726 = arith.muli %get3A_723, %mul3A_725 : vector<16xi32>
    %add3A_727 = vector.broadcast %mul3A_338 : i32 to vector<16xi32>
    %add3A_728 = arith.addi %add3A_727, %mul3A_726 : vector<16xi32>
    %get3A_729 = arith.constant 960 : index
    %get3A_730 = tpu.vector_load %arg6[%get3A_729] {strides = array<i32>} : memref<3072xi32, #tpu.memory_space<vmem>>, vector<16xi32>,
    %get3A_731 = vector.shape_cast %get3A_730 : vector<16xi32> to vector<16xi32>
    %add3A_732 = arith.addi %add3A_728, %get3A_731 : vector<16xi32>
    %swap3A_733 = arith.constant 192 : index
    %swap3A_734 = tpu.vector_load %arg7[%swap3A_733] {strides = array<i32>} : memref<768xi32, #tpu.memory_space<vmem>>, vector<16xi32>,
    %swap3A_735 = vector.shape_cast %swap3A_734 : vector<16xi32> to vector<16xi32>
    %swap3A_736 = vector.shape_cast %add3A_732 : vector<16xi32> to vector<16xi32>
    tpu.vector_store %arg7[%swap3A_733], %swap3A_736 {strides = array<i32>} : memref<768xi32, #tpu.memory_space<vmem>>, vector<16xi32>,
    %get3A_737 = arith.constant 1728 : index
    %get3A_738 = tpu.vector_load %arg6[%get3A_737] {strides = array<i32>} : memref<3072xi32, #tpu.memory_space<vmem>>, vector<16xi32>,
    %get3A_739 = vector.shape_cast %get3A_738 : vector<16xi32> to vector<16xi32>
    %mul3A_740 = arith.constant 512 : i32
    %mul3A_741 = vector.broadcast %mul3A_740 : i32 to vector<16xi32>
    %mul3A_742 = arith.muli %get3A_739, %mul3A_741 : vector<16xi32>
    %add3A_743 = vector.broadcast %mul3A_338 : i32 to vector<16xi32>
    %add3A_744 = arith.addi %add3A_743, %mul3A_742 : vector<16xi32>
    %get3A_745 = arith.constant 2496 : index
    %get3A_746 = tpu.vector_load %arg6[%get3A_745] {strides = array<i32>} : memref<3072xi32, #tpu.memory_space<vmem>>, vector<16xi32>,
    %get3A_747 = vector.shape_cast %get3A_746 : vector<16xi32> to vector<16xi32>
    %add3A_748 = arith.addi %add3A_744, %get3A_747 : vector<16xi32>
    %swap3A_749 = arith.constant 192 : index
    %swap3A_750 = tpu.vector_load %arg8[%swap3A_749] {strides = array<i32>} : memref<768xi32, #tpu.memory_space<vmem>>, vector<16xi32>,
    %swap3A_751 = vector.shape_cast %swap3A_750 : vector<16xi32> to vector<16xi32>
    %swap3A_752 = vector.shape_cast %add3A_748 : vector<16xi32> to vector<16xi32>
    tpu.vector_store %arg8[%swap3A_749], %swap3A_752 {strides = array<i32>} : memref<768xi32, #tpu.memory_space<vmem>>, vector<16xi32>,
    %get3A_753 = arith.constant 208 : index
    %get3A_754 = tpu.vector_load %arg6[%get3A_753] {strides = array<i32>} : memref<3072xi32, #tpu.memory_space<vmem>>, vector<16xi32>,
    %get3A_755 = vector.shape_cast %get3A_754 : vector<16xi32> to vector<16xi32>
    %mul3A_756 = arith.constant 512 : i32
    %mul3A_757 = vector.broadcast %mul3A_756 : i32 to vector<16xi32>
    %mul3A_758 = arith.muli %get3A_755, %mul3A_757 : vector<16xi32>
    %add3A_759 = vector.broadcast %mul3A_338 : i32 to vector<16xi32>
    %add3A_760 = arith.addi %add3A_759, %mul3A_758 : vector<16xi32>
    %get3A_761 = arith.constant 976 : index
    %get3A_762 = tpu.vector_load %arg6[%get3A_761] {strides = array<i32>} : memref<3072xi32, #tpu.memory_space<vmem>>, vector<16xi32>,
    %get3A_763 = vector.shape_cast %get3A_762 : vector<16xi32> to vector<16xi32>
    %add3A_764 = arith.addi %add3A_760, %get3A_763 : vector<16xi32>
    %swap3A_765 = arith.constant 208 : index
    %swap3A_766 = tpu.vector_load %arg7[%swap3A_765] {strides = array<i32>} : memref<768xi32, #tpu.memory_space<vmem>>, vector<16xi32>,
    %swap3A_767 = vector.shape_cast %swap3A_766 : vector<16xi32> to vector<16xi32>
    %swap3A_768 = vector.shape_cast %add3A_764 : vector<16xi32> to vector<16xi32>
    tpu.vector_store %arg7[%swap3A_765], %swap3A_768 {strides = array<i32>} : memref<768xi32, #tpu.memory_space<vmem>>, vector<16xi32>,
    %get3A_769 = arith.constant 1744 : index
    %get3A_770 = tpu.vector_load %arg6[%get3A_769] {strides = array<i32>} : memref<3072xi32, #tpu.memory_space<vmem>>, vector<16xi32>,
    %get3A_771 = vector.shape_cast %get3A_770 : vector<16xi32> to vector<16xi32>
    %mul3A_772 = arith.constant 512 : i32
    %mul3A_773 = vector.broadcast %mul3A_772 : i32 to vector<16xi32>
    %mul3A_774 = arith.muli %get3A_771, %mul3A_773 : vector<16xi32>
    %add3A_775 = vector.broadcast %mul3A_338 : i32 to vector<16xi32>
    %add3A_776 = arith.addi %add3A_775, %mul3A_774 : vector<16xi32>
    %get3A_777 = arith.constant 2512 : index
    %get3A_778 = tpu.vector_load %arg6[%get3A_777] {strides = array<i32>} : memref<3072xi32, #tpu.memory_space<vmem>>, vector<16xi32>,
    %get3A_779 = vector.shape_cast %get3A_778 : vector<16xi32> to vector<16xi32>
    %add3A_780 = arith.addi %add3A_776, %get3A_779 : vector<16xi32>
    %swap3A_781 = arith.constant 208 : index
    %swap3A_782 = tpu.vector_load %arg8[%swap3A_781] {strides = array<i32>} : memref<768xi32, #tpu.memory_space<vmem>>, vector<16xi32>,
    %swap3A_783 = vector.shape_cast %swap3A_782 : vector<16xi32> to vector<16xi32>
    %swap3A_784 = vector.shape_cast %add3A_780 : vector<16xi32> to vector<16xi32>
    tpu.vector_store %arg8[%swap3A_781], %swap3A_784 {strides = array<i32>} : memref<768xi32, #tpu.memory_space<vmem>>, vector<16xi32>,
    %get3A_785 = arith.constant 224 : index
    %get3A_786 = tpu.vector_load %arg6[%get3A_785] {strides = array<i32>} : memref<3072xi32, #tpu.memory_space<vmem>>, vector<16xi32>,
    %get3A_787 = vector.shape_cast %get3A_786 : vector<16xi32> to vector<16xi32>
    %mul3A_788 = arith.constant 512 : i32
    %mul3A_789 = vector.broadcast %mul3A_788 : i32 to vector<16xi32>
    %mul3A_790 = arith.muli %get3A_787, %mul3A_789 : vector<16xi32>
    %add3A_791 = vector.broadcast %mul3A_338 : i32 to vector<16xi32>
    %add3A_792 = arith.addi %add3A_791, %mul3A_790 : vector<16xi32>
    %get3A_793 = arith.constant 992 : index
    %get3A_794 = tpu.vector_load %arg6[%get3A_793] {strides = array<i32>} : memref<3072xi32, #tpu.memory_space<vmem>>, vector<16xi32>,
    %get3A_795 = vector.shape_cast %get3A_794 : vector<16xi32> to vector<16xi32>
    %add3A_796 = arith.addi %add3A_792, %get3A_795 : vector<16xi32>
    %swap3A_797 = arith.constant 224 : index
    %swap3A_798 = tpu.vector_load %arg7[%swap3A_797] {strides = array<i32>} : memref<768xi32, #tpu.memory_space<vmem>>, vector<16xi32>,
    %swap3A_799 = vector.shape_cast %swap3A_798 : vector<16xi32> to vector<16xi32>
    %swap3A_800 = vector.shape_cast %add3A_796 : vector<16xi32> to vector<16xi32>
    tpu.vector_store %arg7[%swap3A_797], %swap3A_800 {strides = array<i32>} : memref<768xi32, #tpu.memory_space<vmem>>, vector<16xi32>,
    %get3A_801 = arith.constant 1760 : index
    %get3A_802 = tpu.vector_load %arg6[%get3A_801] {strides = array<i32>} : memref<3072xi32, #tpu.memory_space<vmem>>, vector<16xi32>,
    %get3A_803 = vector.shape_cast %get3A_802 : vector<16xi32> to vector<16xi32>
    %mul3A_804 = arith.constant 512 : i32
    %mul3A_805 = vector.broadcast %mul3A_804 : i32 to vector<16xi32>
    %mul3A_806 = arith.muli %get3A_803, %mul3A_805 : vector<16xi32>
    %add3A_807 = vector.broadcast %mul3A_338 : i32 to vector<16xi32>
    %add3A_808 = arith.addi %add3A_807, %mul3A_806 : vector<16xi32>
    %get3A_809 = arith.constant 2528 : index
    %get3A_810 = tpu.vector_load %arg6[%get3A_809] {strides = array<i32>} : memref<3072xi32, #tpu.memory_space<vmem>>, vector<16xi32>,
    %get3A_811 = vector.shape_cast %get3A_810 : vector<16xi32> to vector<16xi32>
    %add3A_812 = arith.addi %add3A_808, %get3A_811 : vector<16xi32>
    %swap3A_813 = arith.constant 224 : index
    %swap3A_814 = tpu.vector_load %arg8[%swap3A_813] {strides = array<i32>} : memref<768xi32, #tpu.memory_space<vmem>>, vector<16xi32>,
    %swap3A_815 = vector.shape_cast %swap3A_814 : vector<16xi32> to vector<16xi32>
    %swap3A_816 = vector.shape_cast %add3A_812 : vector<16xi32> to vector<16xi32>
    tpu.vector_store %arg8[%swap3A_813], %swap3A_816 {strides = array<i32>} : memref<768xi32, #tpu.memory_space<vmem>>, vector<16xi32>,
    %get3A_817 = arith.constant 240 : index
    %get3A_818 = tpu.vector_load %arg6[%get3A_817] {strides = array<i32>} : memref<3072xi32, #tpu.memory_space<vmem>>, vector<16xi32>,
    %get3A_819 = vector.shape_cast %get3A_818 : vector<16xi32> to vector<16xi32>
    %mul3A_820 = arith.constant 512 : i32
    %mul3A_821 = vector.broadcast %mul3A_820 : i32 to vector<16xi32>
    %mul3A_822 = arith.muli %get3A_819, %mul3A_821 : vector<16xi32>
    %add3A_823 = vector.broadcast %mul3A_338 : i32 to vector<16xi32>
    %add3A_824 = arith.addi %add3A_823, %mul3A_822 : vector<16xi32>
    %get3A_825 = arith.constant 1008 : index
    %get3A_826 = tpu.vector_load %arg6[%get3A_825] {strides = array<i32>} : memref<3072xi32, #tpu.memory_space<vmem>>, vector<16xi32>,
    %get3A_827 = vector.shape_cast %get3A_826 : vector<16xi32> to vector<16xi32>
    %add3A_828 = arith.addi %add3A_824, %get3A_827 : vector<16xi32>
    %swap3A_829 = arith.constant 240 : index
    %swap3A_830 = tpu.vector_load %arg7[%swap3A_829] {strides = array<i32>} : memref<768xi32, #tpu.memory_space<vmem>>, vector<16xi32>,
    %swap3A_831 = vector.shape_cast %swap3A_830 : vector<16xi32> to vector<16xi32>
    %swap3A_832 = vector.shape_cast %add3A_828 : vector<16xi32> to vector<16xi32>
    tpu.vector_store %arg7[%swap3A_829], %swap3A_832 {strides = array<i32>} : memref<768xi32, #tpu.memory_space<vmem>>, vector<16xi32>,
    %get3A_833 = arith.constant 1776 : index
    %get3A_834 = tpu.vector_load %arg6[%get3A_833] {strides = array<i32>} : memref<3072xi32, #tpu.memory_space<vmem>>, vector<16xi32>,
    %get3A_835 = vector.shape_cast %get3A_834 : vector<16xi32> to vector<16xi32>
    %mul3A_836 = arith.constant 512 : i32
    %mul3A_837 = vector.broadcast %mul3A_836 : i32 to vector<16xi32>
    %mul3A_838 = arith.muli %get3A_835, %mul3A_837 : vector<16xi32>
    %add3A_839 = vector.broadcast %mul3A_338 : i32 to vector<16xi32>
    %add3A_840 = arith.addi %add3A_839, %mul3A_838 : vector<16xi32>
    %get3A_841 = arith.constant 2544 : index
    %get3A_842 = tpu.vector_load %arg6[%get3A_841] {strides = array<i32>} : memref<3072xi32, #tpu.memory_space<vmem>>, vector<16xi32>,
    %get3A_843 = vector.shape_cast %get3A_842 : vector<16xi32> to vector<16xi32>
    %add3A_844 = arith.addi %add3A_840, %get3A_843 : vector<16xi32>
    %swap3A_845 = arith.constant 240 : index
    %swap3A_846 = tpu.vector_load %arg8[%swap3A_845] {strides = array<i32>} : memref<768xi32, #tpu.memory_space<vmem>>, vector<16xi32>,
    %swap3A_847 = vector.shape_cast %swap3A_846 : vector<16xi32> to vector<16xi32>
    %swap3A_848 = vector.shape_cast %add3A_844 : vector<16xi32> to vector<16xi32>
    tpu.vector_store %arg8[%swap3A_845], %swap3A_848 {strides = array<i32>} : memref<768xi32, #tpu.memory_space<vmem>>, vector<16xi32>,
    %get3A_849 = arith.constant 256 : index
    %get3A_850 = tpu.vector_load %arg6[%get3A_849] {strides = array<i32>} : memref<3072xi32, #tpu.memory_space<vmem>>, vector<16xi32>,
    %get3A_851 = vector.shape_cast %get3A_850 : vector<16xi32> to vector<16xi32>
    %mul3A_852 = arith.constant 512 : i32
    %mul3A_853 = vector.broadcast %mul3A_852 : i32 to vector<16xi32>
    %mul3A_854 = arith.muli %get3A_851, %mul3A_853 : vector<16xi32>
    %add3A_855 = vector.broadcast %mul3A_338 : i32 to vector<16xi32>
    %add3A_856 = arith.addi %add3A_855, %mul3A_854 : vector<16xi32>
    %get3A_857 = arith.constant 1024 : index
    %get3A_858 = tpu.vector_load %arg6[%get3A_857] {strides = array<i32>} : memref<3072xi32, #tpu.memory_space<vmem>>, vector<16xi32>,
    %get3A_859 = vector.shape_cast %get3A_858 : vector<16xi32> to vector<16xi32>
    %add3A_860 = arith.addi %add3A_856, %get3A_859 : vector<16xi32>
    %swap3A_861 = arith.constant 256 : index
    %swap3A_862 = tpu.vector_load %arg7[%swap3A_861] {strides = array<i32>} : memref<768xi32, #tpu.memory_space<vmem>>, vector<16xi32>,
    %swap3A_863 = vector.shape_cast %swap3A_862 : vector<16xi32> to vector<16xi32>
    %swap3A_864 = vector.shape_cast %add3A_860 : vector<16xi32> to vector<16xi32>
    tpu.vector_store %arg7[%swap3A_861], %swap3A_864 {strides = array<i32>} : memref<768xi32, #tpu.memory_space<vmem>>, vector<16xi32>,
    %get3A_865 = arith.constant 1792 : index
    %get3A_866 = tpu.vector_load %arg6[%get3A_865] {strides = array<i32>} : memref<3072xi32, #tpu.memory_space<vmem>>, vector<16xi32>,
    %get3A_867 = vector.shape_cast %get3A_866 : vector<16xi32> to vector<16xi32>
    %mul3A_868 = arith.constant 512 : i32
    %mul3A_869 = vector.broadcast %mul3A_868 : i32 to vector<16xi32>
    %mul3A_870 = arith.muli %get3A_867, %mul3A_869 : vector<16xi32>
    %add3A_871 = vector.broadcast %mul3A_338 : i32 to vector<16xi32>
    %add3A_872 = arith.addi %add3A_871, %mul3A_870 : vector<16xi32>
    %get3A_873 = arith.constant 2560 : index
    %get3A_874 = tpu.vector_load %arg6[%get3A_873] {strides = array<i32>} : memref<3072xi32, #tpu.memory_space<vmem>>, vector<16xi32>,
    %get3A_875 = vector.shape_cast %get3A_874 : vector<16xi32> to vector<16xi32>
    %add3A_876 = arith.addi %add3A_872, %get3A_875 : vector<16xi32>
    %swap3A_877 = arith.constant 256 : index
    %swap3A_878 = tpu.vector_load %arg8[%swap3A_877] {strides = array<i32>} : memref<768xi32, #tpu.memory_space<vmem>>, vector<16xi32>,
    %swap3A_879 = vector.shape_cast %swap3A_878 : vector<16xi32> to vector<16xi32>
    %swap3A_880 = vector.shape_cast %add3A_876 : vector<16xi32> to vector<16xi32>
    tpu.vector_store %arg8[%swap3A_877], %swap3A_880 {strides = array<i32>} : memref<768xi32, #tpu.memory_space<vmem>>, vector<16xi32>,
    %get3A_881 = arith.constant 272 : index
    %get3A_882 = tpu.vector_load %arg6[%get3A_881] {strides = array<i32>} : memref<3072xi32, #tpu.memory_space<vmem>>, vector<16xi32>,
    %get3A_883 = vector.shape_cast %get3A_882 : vector<16xi32> to vector<16xi32>
    %mul3A_884 = arith.constant 512 : i32
    %mul3A_885 = vector.broadcast %mul3A_884 : i32 to vector<16xi32>
    %mul3A_886 = arith.muli %get3A_883, %mul3A_885 : vector<16xi32>
    %add3A_887 = vector.broadcast %mul3A_338 : i32 to vector<16xi32>
    %add3A_888 = arith.addi %add3A_887, %mul3A_886 : vector<16xi32>
    %get3A_889 = arith.constant 1040 : index
    %get3A_890 = tpu.vector_load %arg6[%get3A_889] {strides = array<i32>} : memref<3072xi32, #tpu.memory_space<vmem>>, vector<16xi32>,
    %get3A_891 = vector.shape_cast %get3A_890 : vector<16xi32> to vector<16xi32>
    %add3A_892 = arith.addi %add3A_888, %get3A_891 : vector<16xi32>
    %swap3A_893 = arith.constant 272 : index
    %swap3A_894 = tpu.vector_load %arg7[%swap3A_893] {strides = array<i32>} : memref<768xi32, #tpu.memory_space<vmem>>, vector<16xi32>,
    %swap3A_895 = vector.shape_cast %swap3A_894 : vector<16xi32> to vector<16xi32>
    %swap3A_896 = vector.shape_cast %add3A_892 : vector<16xi32> to vector<16xi32>
    tpu.vector_store %arg7[%swap3A_893], %swap3A_896 {strides = array<i32>} : memref<768xi32, #tpu.memory_space<vmem>>, vector<16xi32>,
    %get3A_897 = arith.constant 1808 : index
    %get3A_898 = tpu.vector_load %arg6[%get3A_897] {strides = array<i32>} : memref<3072xi32, #tpu.memory_space<vmem>>, vector<16xi32>,
    %get3A_899 = vector.shape_cast %get3A_898 : vector<16xi32> to vector<16xi32>
    %mul3A_900 = arith.constant 512 : i32
    %mul3A_901 = vector.broadcast %mul3A_900 : i32 to vector<16xi32>
    %mul3A_902 = arith.muli %get3A_899, %mul3A_901 : vector<16xi32>
    %add3A_903 = vector.broadcast %mul3A_338 : i32 to vector<16xi32>
    %add3A_904 = arith.addi %add3A_903, %mul3A_902 : vector<16xi32>
    %get3A_905 = arith.constant 2576 : index
    %get3A_906 = tpu.vector_load %arg6[%get3A_905] {strides = array<i32>} : memref<3072xi32, #tpu.memory_space<vmem>>, vector<16xi32>,
    %get3A_907 = vector.shape_cast %get3A_906 : vector<16xi32> to vector<16xi32>
    %add3A_908 = arith.addi %add3A_904, %get3A_907 : vector<16xi32>
    %swap3A_909 = arith.constant 272 : index
    %swap3A_910 = tpu.vector_load %arg8[%swap3A_909] {strides = array<i32>} : memref<768xi32, #tpu.memory_space<vmem>>, vector<16xi32>,
    %swap3A_911 = vector.shape_cast %swap3A_910 : vector<16xi32> to vector<16xi32>
    %swap3A_912 = vector.shape_cast %add3A_908 : vector<16xi32> to vector<16xi32>
    tpu.vector_store %arg8[%swap3A_909], %swap3A_912 {strides = array<i32>} : memref<768xi32, #tpu.memory_space<vmem>>, vector<16xi32>,
    %get3A_913 = arith.constant 288 : index
    %get3A_914 = tpu.vector_load %arg6[%get3A_913] {strides = array<i32>} : memref<3072xi32, #tpu.memory_space<vmem>>, vector<16xi32>,
    %get3A_915 = vector.shape_cast %get3A_914 : vector<16xi32> to vector<16xi32>
    %mul3A_916 = arith.constant 512 : i32
    %mul3A_917 = vector.broadcast %mul3A_916 : i32 to vector<16xi32>
    %mul3A_918 = arith.muli %get3A_915, %mul3A_917 : vector<16xi32>
    %add3A_919 = vector.broadcast %mul3A_338 : i32 to vector<16xi32>
    %add3A_920 = arith.addi %add3A_919, %mul3A_918 : vector<16xi32>
    %get3A_921 = arith.constant 1056 : index
    %get3A_922 = tpu.vector_load %arg6[%get3A_921] {strides = array<i32>} : memref<3072xi32, #tpu.memory_space<vmem>>, vector<16xi32>,
    %get3A_923 = vector.shape_cast %get3A_922 : vector<16xi32> to vector<16xi32>
    %add3A_924 = arith.addi %add3A_920, %get3A_923 : vector<16xi32>
    %swap3A_925 = arith.constant 288 : index
    %swap3A_926 = tpu.vector_load %arg7[%swap3A_925] {strides = array<i32>} : memref<768xi32, #tpu.memory_space<vmem>>, vector<16xi32>,
    %swap3A_927 = vector.shape_cast %swap3A_926 : vector<16xi32> to vector<16xi32>
    %swap3A_928 = vector.shape_cast %add3A_924 : vector<16xi32> to vector<16xi32>
    tpu.vector_store %arg7[%swap3A_925], %swap3A_928 {strides = array<i32>} : memref<768xi32, #tpu.memory_space<vmem>>, vector<16xi32>,
    %get3A_929 = arith.constant 1824 : index
    %get3A_930 = tpu.vector_load %arg6[%get3A_929] {strides = array<i32>} : memref<3072xi32, #tpu.memory_space<vmem>>, vector<16xi32>,
    %get3A_931 = vector.shape_cast %get3A_930 : vector<16xi32> to vector<16xi32>
    %mul3A_932 = arith.constant 512 : i32
    %mul3A_933 = vector.broadcast %mul3A_932 : i32 to vector<16xi32>
    %mul3A_934 = arith.muli %get3A_931, %mul3A_933 : vector<16xi32>
    %add3A_935 = vector.broadcast %mul3A_338 : i32 to vector<16xi32>
    %add3A_936 = arith.addi %add3A_935, %mul3A_934 : vector<16xi32>
    %get3A_937 = arith.constant 2592 : index
    %get3A_938 = tpu.vector_load %arg6[%get3A_937] {strides = array<i32>} : memref<3072xi32, #tpu.memory_space<vmem>>, vector<16xi32>,
    %get3A_939 = vector.shape_cast %get3A_938 : vector<16xi32> to vector<16xi32>
    %add3A_940 = arith.addi %add3A_936, %get3A_939 : vector<16xi32>
    %swap3A_941 = arith.constant 288 : index
    %swap3A_942 = tpu.vector_load %arg8[%swap3A_941] {strides = array<i32>} : memref<768xi32, #tpu.memory_space<vmem>>, vector<16xi32>,
    %swap3A_943 = vector.shape_cast %swap3A_942 : vector<16xi32> to vector<16xi32>
    %swap3A_944 = vector.shape_cast %add3A_940 : vector<16xi32> to vector<16xi32>
    tpu.vector_store %arg8[%swap3A_941], %swap3A_944 {strides = array<i32>} : memref<768xi32, #tpu.memory_space<vmem>>, vector<16xi32>,
    %get3A_945 = arith.constant 304 : index
    %get3A_946 = tpu.vector_load %arg6[%get3A_945] {strides = array<i32>} : memref<3072xi32, #tpu.memory_space<vmem>>, vector<16xi32>,
    %get3A_947 = vector.shape_cast %get3A_946 : vector<16xi32> to vector<16xi32>
    %mul3A_948 = arith.constant 512 : i32
    %mul3A_949 = vector.broadcast %mul3A_948 : i32 to vector<16xi32>
    %mul3A_950 = arith.muli %get3A_947, %mul3A_949 : vector<16xi32>
    %add3A_951 = vector.broadcast %mul3A_338 : i32 to vector<16xi32>
    %add3A_952 = arith.addi %add3A_951, %mul3A_950 : vector<16xi32>
    %get3A_953 = arith.constant 1072 : index
    %get3A_954 = tpu.vector_load %arg6[%get3A_953] {strides = array<i32>} : memref<3072xi32, #tpu.memory_space<vmem>>, vector<16xi32>,
    %get3A_955 = vector.shape_cast %get3A_954 : vector<16xi32> to vector<16xi32>
    %add3A_956 = arith.addi %add3A_952, %get3A_955 : vector<16xi32>
    %swap3A_957 = arith.constant 304 : index
    %swap3A_958 = tpu.vector_load %arg7[%swap3A_957] {strides = array<i32>} : memref<768xi32, #tpu.memory_space<vmem>>, vector<16xi32>,
    %swap3A_959 = vector.shape_cast %swap3A_958 : vector<16xi32> to vector<16xi32>
    %swap3A_960 = vector.shape_cast %add3A_956 : vector<16xi32> to vector<16xi32>
    tpu.vector_store %arg7[%swap3A_957], %swap3A_960 {strides = array<i32>} : memref<768xi32, #tpu.memory_space<vmem>>, vector<16xi32>,
    %get3A_961 = arith.constant 1840 : index
    %get3A_962 = tpu.vector_load %arg6[%get3A_961] {strides = array<i32>} : memref<3072xi32, #tpu.memory_space<vmem>>, vector<16xi32>,
    %get3A_963 = vector.shape_cast %get3A_962 : vector<16xi32> to vector<16xi32>
    %mul3A_964 = arith.constant 512 : i32
    %mul3A_965 = vector.broadcast %mul3A_964 : i32 to vector<16xi32>
    %mul3A_966 = arith.muli %get3A_963, %mul3A_965 : vector<16xi32>
    %add3A_967 = vector.broadcast %mul3A_338 : i32 to vector<16xi32>
    %add3A_968 = arith.addi %add3A_967, %mul3A_966 : vector<16xi32>
    %get3A_969 = arith.constant 2608 : index
    %get3A_970 = tpu.vector_load %arg6[%get3A_969] {strides = array<i32>} : memref<3072xi32, #tpu.memory_space<vmem>>, vector<16xi32>,
    %get3A_971 = vector.shape_cast %get3A_970 : vector<16xi32> to vector<16xi32>
    %add3A_972 = arith.addi %add3A_968, %get3A_971 : vector<16xi32>
    %swap3A_973 = arith.constant 304 : index
    %swap3A_974 = tpu.vector_load %arg8[%swap3A_973] {strides = array<i32>} : memref<768xi32, #tpu.memory_space<vmem>>, vector<16xi32>,
    %swap3A_975 = vector.shape_cast %swap3A_974 : vector<16xi32> to vector<16xi32>
    %swap3A_976 = vector.shape_cast %add3A_972 : vector<16xi32> to vector<16xi32>
    tpu.vector_store %arg8[%swap3A_973], %swap3A_976 {strides = array<i32>} : memref<768xi32, #tpu.memory_space<vmem>>, vector<16xi32>,
    %get3A_977 = arith.constant 320 : index
    %get3A_978 = tpu.vector_load %arg6[%get3A_977] {strides = array<i32>} : memref<3072xi32, #tpu.memory_space<vmem>>, vector<16xi32>,
    %get3A_979 = vector.shape_cast %get3A_978 : vector<16xi32> to vector<16xi32>
    %mul3A_980 = arith.constant 512 : i32
    %mul3A_981 = vector.broadcast %mul3A_980 : i32 to vector<16xi32>
    %mul3A_982 = arith.muli %get3A_979, %mul3A_981 : vector<16xi32>
    %add3A_983 = vector.broadcast %mul3A_338 : i32 to vector<16xi32>
    %add3A_984 = arith.addi %add3A_983, %mul3A_982 : vector<16xi32>
    %get3A_985 = arith.constant 1088 : index
    %get3A_986 = tpu.vector_load %arg6[%get3A_985] {strides = array<i32>} : memref<3072xi32, #tpu.memory_space<vmem>>, vector<16xi32>,
    %get3A_987 = vector.shape_cast %get3A_986 : vector<16xi32> to vector<16xi32>
    %add3A_988 = arith.addi %add3A_984, %get3A_987 : vector<16xi32>
    %swap3A_989 = arith.constant 320 : index
    %swap3A_990 = tpu.vector_load %arg7[%swap3A_989] {strides = array<i32>} : memref<768xi32, #tpu.memory_space<vmem>>, vector<16xi32>,
    %swap3A_991 = vector.shape_cast %swap3A_990 : vector<16xi32> to vector<16xi32>
    %swap3A_992 = vector.shape_cast %add3A_988 : vector<16xi32> to vector<16xi32>
    tpu.vector_store %arg7[%swap3A_989], %swap3A_992 {strides = array<i32>} : memref<768xi32, #tpu.memory_space<vmem>>, vector<16xi32>,
    %get3A_993 = arith.constant 1856 : index
    %get3A_994 = tpu.vector_load %arg6[%get3A_993] {strides = array<i32>} : memref<3072xi32, #tpu.memory_space<vmem>>, vector<16xi32>,
    %get3A_995 = vector.shape_cast %get3A_994 : vector<16xi32> to vector<16xi32>
    %mul3A_996 = arith.constant 512 : i32
    %mul3A_997 = vector.broadcast %mul3A_996 : i32 to vector<16xi32>
    %mul3A_998 = arith.muli %get3A_995, %mul3A_997 : vector<16xi32>
    %add3A_999 = vector.broadcast %mul3A_338 : i32 to vector<16xi32>
    %add3A_1000 = arith.addi %add3A_999, %mul3A_998 : vector<16xi32>
    %get3A_1001 = arith.constant 2624 : index
    %get3A_1002 = tpu.vector_load %arg6[%get3A_1001] {strides = array<i32>} : memref<3072xi32, #tpu.memory_space<vmem>>, vector<16xi32>,
    %get3A_1003 = vector.shape_cast %get3A_1002 : vector<16xi32> to vector<16xi32>
    %add3A_1004 = arith.addi %add3A_1000, %get3A_1003 : vector<16xi32>
    %swap3A_1005 = arith.constant 320 : index
    %swap3A_1006 = tpu.vector_load %arg8[%swap3A_1005] {strides = array<i32>} : memref<768xi32, #tpu.memory_space<vmem>>, vector<16xi32>,
    %swap3A_1007 = vector.shape_cast %swap3A_1006 : vector<16xi32> to vector<16xi32>
    %swap3A_1008 = vector.shape_cast %add3A_1004 : vector<16xi32> to vector<16xi32>
    tpu.vector_store %arg8[%swap3A_1005], %swap3A_1008 {strides = array<i32>} : memref<768xi32, #tpu.memory_space<vmem>>, vector<16xi32>,
    %get3A_1009 = arith.constant 336 : index
    %get3A_1010 = tpu.vector_load %arg6[%get3A_1009] {strides = array<i32>} : memref<3072xi32, #tpu.memory_space<vmem>>, vector<16xi32>,
    %get3A_1011 = vector.shape_cast %get3A_1010 : vector<16xi32> to vector<16xi32>
    %mul3A_1012 = arith.constant 512 : i32
    %mul3A_1013 = vector.broadcast %mul3A_1012 : i32 to vector<16xi32>
    %mul3A_1014 = arith.muli %get3A_1011, %mul3A_1013 : vector<16xi32>
    %add3A_1015 = vector.broadcast %mul3A_338 : i32 to vector<16xi32>
    %add3A_1016 = arith.addi %add3A_1015, %mul3A_1014 : vector<16xi32>
    %get3A_1017 = arith.constant 1104 : index
    %get3A_1018 = tpu.vector_load %arg6[%get3A_1017] {strides = array<i32>} : memref<3072xi32, #tpu.memory_space<vmem>>, vector<16xi32>,
    %get3A_1019 = vector.shape_cast %get3A_1018 : vector<16xi32> to vector<16xi32>
    %add3A_1020 = arith.addi %add3A_1016, %get3A_1019 : vector<16xi32>
    %swap3A_1021 = arith.constant 336 : index
    %swap3A_1022 = tpu.vector_load %arg7[%swap3A_1021] {strides = array<i32>} : memref<768xi32, #tpu.memory_space<vmem>>, vector<16xi32>,
    %swap3A_1023 = vector.shape_cast %swap3A_1022 : vector<16xi32> to vector<16xi32>
    %swap3A_1024 = vector.shape_cast %add3A_1020 : vector<16xi32> to vector<16xi32>
    tpu.vector_store %arg7[%swap3A_1021], %swap3A_1024 {strides = array<i32>} : memref<768xi32, #tpu.memory_space<vmem>>, vector<16xi32>,
    %get3A_1025 = arith.constant 1872 : index
    %get3A_1026 = tpu.vector_load %arg6[%get3A_1025] {strides = array<i32>} : memref<3072xi32, #tpu.memory_space<vmem>>, vector<16xi32>,
    %get3A_1027 = vector.shape_cast %get3A_1026 : vector<16xi32> to vector<16xi32>
    %mul3A_1028 = arith.constant 512 : i32
    %mul3A_1029 = vector.broadcast %mul3A_1028 : i32 to vector<16xi32>
    %mul3A_1030 = arith.muli %get3A_1027, %mul3A_1029 : vector<16xi32>
    %add3A_1031 = vector.broadcast %mul3A_338 : i32 to vector<16xi32>
    %add3A_1032 = arith.addi %add3A_1031, %mul3A_1030 : vector<16xi32>
    %get3A_1033 = arith.constant 2640 : index
    %get3A_1034 = tpu.vector_load %arg6[%get3A_1033] {strides = array<i32>} : memref<3072xi32, #tpu.memory_space<vmem>>, vector<16xi32>,
    %get3A_1035 = vector.shape_cast %get3A_1034 : vector<16xi32> to vector<16xi32>
    %add3A_1036 = arith.addi %add3A_1032, %get3A_1035 : vector<16xi32>
    %swap3A_1037 = arith.constant 336 : index
    %swap3A_1038 = tpu.vector_load %arg8[%swap3A_1037] {strides = array<i32>} : memref<768xi32, #tpu.memory_space<vmem>>, vector<16xi32>,
    %swap3A_1039 = vector.shape_cast %swap3A_1038 : vector<16xi32> to vector<16xi32>
    %swap3A_1040 = vector.shape_cast %add3A_1036 : vector<16xi32> to vector<16xi32>
    tpu.vector_store %arg8[%swap3A_1037], %swap3A_1040 {strides = array<i32>} : memref<768xi32, #tpu.memory_space<vmem>>, vector<16xi32>,
    %get3A_1041 = arith.constant 352 : index
    %get3A_1042 = tpu.vector_load %arg6[%get3A_1041] {strides = array<i32>} : memref<3072xi32, #tpu.memory_space<vmem>>, vector<16xi32>,
    %get3A_1043 = vector.shape_cast %get3A_1042 : vector<16xi32> to vector<16xi32>
    %mul3A_1044 = arith.constant 512 : i32
    %mul3A_1045 = vector.broadcast %mul3A_1044 : i32 to vector<16xi32>
    %mul3A_1046 = arith.muli %get3A_1043, %mul3A_1045 : vector<16xi32>
    %add3A_1047 = vector.broadcast %mul3A_338 : i32 to vector<16xi32>
    %add3A_1048 = arith.addi %add3A_1047, %mul3A_1046 : vector<16xi32>
    %get3A_1049 = arith.constant 1120 : index
    %get3A_1050 = tpu.vector_load %arg6[%get3A_1049] {strides = array<i32>} : memref<3072xi32, #tpu.memory_space<vmem>>, vector<16xi32>,
    %get3A_1051 = vector.shape_cast %get3A_1050 : vector<16xi32> to vector<16xi32>
    %add3A_1052 = arith.addi %add3A_1048, %get3A_1051 : vector<16xi32>
    %swap3A_1053 = arith.constant 352 : index
    %swap3A_1054 = tpu.vector_load %arg7[%swap3A_1053] {strides = array<i32>} : memref<768xi32, #tpu.memory_space<vmem>>, vector<16xi32>,
    %swap3A_1055 = vector.shape_cast %swap3A_1054 : vector<16xi32> to vector<16xi32>
    %swap3A_1056 = vector.shape_cast %add3A_1052 : vector<16xi32> to vector<16xi32>
    tpu.vector_store %arg7[%swap3A_1053], %swap3A_1056 {strides = array<i32>} : memref<768xi32, #tpu.memory_space<vmem>>, vector<16xi32>,
    %get3A_1057 = arith.constant 1888 : index
    %get3A_1058 = tpu.vector_load %arg6[%get3A_1057] {strides = array<i32>} : memref<3072xi32, #tpu.memory_space<vmem>>, vector<16xi32>,
    %get3A_1059 = vector.shape_cast %get3A_1058 : vector<16xi32> to vector<16xi32>
    %mul3A_1060 = arith.constant 512 : i32
    %mul3A_1061 = vector.broadcast %mul3A_1060 : i32 to vector<16xi32>
    %mul3A_1062 = arith.muli %get3A_1059, %mul3A_1061 : vector<16xi32>
    %add3A_1063 = vector.broadcast %mul3A_338 : i32 to vector<16xi32>
    %add3A_1064 = arith.addi %add3A_1063, %mul3A_1062 : vector<16xi32>
    %get3A_1065 = arith.constant 2656 : index
    %get3A_1066 = tpu.vector_load %arg6[%get3A_1065] {strides = array<i32>} : memref<3072xi32, #tpu.memory_space<vmem>>, vector<16xi32>,
    %get3A_1067 = vector.shape_cast %get3A_1066 : vector<16xi32> to vector<16xi32>
    %add3A_1068 = arith.addi %add3A_1064, %get3A_1067 : vector<16xi32>
    %swap3A_1069 = arith.constant 352 : index
    %swap3A_1070 = tpu.vector_load %arg8[%swap3A_1069] {strides = array<i32>} : memref<768xi32, #tpu.memory_space<vmem>>, vector<16xi32>,
    %swap3A_1071 = vector.shape_cast %swap3A_1070 : vector<16xi32> to vector<16xi32>
    %swap3A_1072 = vector.shape_cast %add3A_1068 : vector<16xi32> to vector<16xi32>
    tpu.vector_store %arg8[%swap3A_1069], %swap3A_1072 {strides = array<i32>} : memref<768xi32, #tpu.memory_space<vmem>>, vector<16xi32>,
    %get3A_1073 = arith.constant 368 : index
    %get3A_1074 = tpu.vector_load %arg6[%get3A_1073] {strides = array<i32>} : memref<3072xi32, #tpu.memory_space<vmem>>, vector<16xi32>,
    %get3A_1075 = vector.shape_cast %get3A_1074 : vector<16xi32> to vector<16xi32>
    %mul3A_1076 = arith.constant 512 : i32
    %mul3A_1077 = vector.broadcast %mul3A_1076 : i32 to vector<16xi32>
    %mul3A_1078 = arith.muli %get3A_1075, %mul3A_1077 : vector<16xi32>
    %add3A_1079 = vector.broadcast %mul3A_338 : i32 to vector<16xi32>
    %add3A_1080 = arith.addi %add3A_1079, %mul3A_1078 : vector<16xi32>
    %get3A_1081 = arith.constant 1136 : index
    %get3A_1082 = tpu.vector_load %arg6[%get3A_1081] {strides = array<i32>} : memref<3072xi32, #tpu.memory_space<vmem>>, vector<16xi32>,
    %get3A_1083 = vector.shape_cast %get3A_1082 : vector<16xi32> to vector<16xi32>
    %add3A_1084 = arith.addi %add3A_1080, %get3A_1083 : vector<16xi32>
    %swap3A_1085 = arith.constant 368 : index
    %swap3A_1086 = tpu.vector_load %arg7[%swap3A_1085] {strides = array<i32>} : memref<768xi32, #tpu.memory_space<vmem>>, vector<16xi32>,
    %swap3A_1087 = vector.shape_cast %swap3A_1086 : vector<16xi32> to vector<16xi32>
    %swap3A_1088 = vector.shape_cast %add3A_1084 : vector<16xi32> to vector<16xi32>
    tpu.vector_store %arg7[%swap3A_1085], %swap3A_1088 {strides = array<i32>} : memref<768xi32, #tpu.memory_space<vmem>>, vector<16xi32>,
    %get3A_1089 = arith.constant 1904 : index
    %get3A_1090 = tpu.vector_load %arg6[%get3A_1089] {strides = array<i32>} : memref<3072xi32, #tpu.memory_space<vmem>>, vector<16xi32>,
    %get3A_1091 = vector.shape_cast %get3A_1090 : vector<16xi32> to vector<16xi32>
    %mul3A_1092 = arith.constant 512 : i32
    %mul3A_1093 = vector.broadcast %mul3A_1092 : i32 to vector<16xi32>
    %mul3A_1094 = arith.muli %get3A_1091, %mul3A_1093 : vector<16xi32>
    %add3A_1095 = vector.broadcast %mul3A_338 : i32 to vector<16xi32>
    %add3A_1096 = arith.addi %add3A_1095, %mul3A_1094 : vector<16xi32>
    %get3A_1097 = arith.constant 2672 : index
    %get3A_1098 = tpu.vector_load %arg6[%get3A_1097] {strides = array<i32>} : memref<3072xi32, #tpu.memory_space<vmem>>, vector<16xi32>,
    %get3A_1099 = vector.shape_cast %get3A_1098 : vector<16xi32> to vector<16xi32>
    %add3A_1100 = arith.addi %add3A_1096, %get3A_1099 : vector<16xi32>
    %swap3A_1101 = arith.constant 368 : index
    %swap3A_1102 = tpu.vector_load %arg8[%swap3A_1101] {strides = array<i32>} : memref<768xi32, #tpu.memory_space<vmem>>, vector<16xi32>,
    %swap3A_1103 = vector.shape_cast %swap3A_1102 : vector<16xi32> to vector<16xi32>
    %swap3A_1104 = vector.shape_cast %add3A_1100 : vector<16xi32> to vector<16xi32>
    tpu.vector_store %arg8[%swap3A_1101], %swap3A_1104 {strides = array<i32>} : memref<768xi32, #tpu.memory_space<vmem>>, vector<16xi32>,
    %get3A_1105 = arith.constant 384 : index
    %get3A_1106 = tpu.vector_load %arg6[%get3A_1105] {strides = array<i32>} : memref<3072xi32, #tpu.memory_space<vmem>>, vector<16xi32>,
    %get3A_1107 = vector.shape_cast %get3A_1106 : vector<16xi32> to vector<16xi32>
    %mul3A_1108 = arith.constant 512 : i32
    %mul3A_1109 = vector.broadcast %mul3A_1108 : i32 to vector<16xi32>
    %mul3A_1110 = arith.muli %get3A_1107, %mul3A_1109 : vector<16xi32>
    %add3A_1111 = vector.broadcast %mul3A_338 : i32 to vector<16xi32>
    %add3A_1112 = arith.addi %add3A_1111, %mul3A_1110 : vector<16xi32>
    %get3A_1113 = arith.constant 1152 : index
    %get3A_1114 = tpu.vector_load %arg6[%get3A_1113] {strides = array<i32>} : memref<3072xi32, #tpu.memory_space<vmem>>, vector<16xi32>,
    %get3A_1115 = vector.shape_cast %get3A_1114 : vector<16xi32> to vector<16xi32>
    %add3A_1116 = arith.addi %add3A_1112, %get3A_1115 : vector<16xi32>
    %swap3A_1117 = arith.constant 384 : index
    %swap3A_1118 = tpu.vector_load %arg7[%swap3A_1117] {strides = array<i32>} : memref<768xi32, #tpu.memory_space<vmem>>, vector<16xi32>,
    %swap3A_1119 = vector.shape_cast %swap3A_1118 : vector<16xi32> to vector<16xi32>
    %swap3A_1120 = vector.shape_cast %add3A_1116 : vector<16xi32> to vector<16xi32>
    tpu.vector_store %arg7[%swap3A_1117], %swap3A_1120 {strides = array<i32>} : memref<768xi32, #tpu.memory_space<vmem>>, vector<16xi32>,
    %get3A_1121 = arith.constant 1920 : index
    %get3A_1122 = tpu.vector_load %arg6[%get3A_1121] {strides = array<i32>} : memref<3072xi32, #tpu.memory_space<vmem>>, vector<16xi32>,
    %get3A_1123 = vector.shape_cast %get3A_1122 : vector<16xi32> to vector<16xi32>
    %mul3A_1124 = arith.constant 512 : i32
    %mul3A_1125 = vector.broadcast %mul3A_1124 : i32 to vector<16xi32>
    %mul3A_1126 = arith.muli %get3A_1123, %mul3A_1125 : vector<16xi32>
    %add3A_1127 = vector.broadcast %mul3A_338 : i32 to vector<16xi32>
    %add3A_1128 = arith.addi %add3A_1127, %mul3A_1126 : vector<16xi32>
    %get3A_1129 = arith.constant 2688 : index
    %get3A_1130 = tpu.vector_load %arg6[%get3A_1129] {strides = array<i32>} : memref<3072xi32, #tpu.memory_space<vmem>>, vector<16xi32>,
    %get3A_1131 = vector.shape_cast %get3A_1130 : vector<16xi32> to vector<16xi32>
    %add3A_1132 = arith.addi %add3A_1128, %get3A_1131 : vector<16xi32>
    %swap3A_1133 = arith.constant 384 : index
    %swap3A_1134 = tpu.vector_load %arg8[%swap3A_1133] {strides = array<i32>} : memref<768xi32, #tpu.memory_space<vmem>>, vector<16xi32>,
    %swap3A_1135 = vector.shape_cast %swap3A_1134 : vector<16xi32> to vector<16xi32>
    %swap3A_1136 = vector.shape_cast %add3A_1132 : vector<16xi32> to vector<16xi32>
    tpu.vector_store %arg8[%swap3A_1133], %swap3A_1136 {strides = array<i32>} : memref<768xi32, #tpu.memory_space<vmem>>, vector<16xi32>,
    %get3A_1137 = arith.constant 400 : index
    %get3A_1138 = tpu.vector_load %arg6[%get3A_1137] {strides = array<i32>} : memref<3072xi32, #tpu.memory_space<vmem>>, vector<16xi32>,
    %get3A_1139 = vector.shape_cast %get3A_1138 : vector<16xi32> to vector<16xi32>
    %mul3A_1140 = arith.constant 512 : i32
    %mul3A_1141 = vector.broadcast %mul3A_1140 : i32 to vector<16xi32>
    %mul3A_1142 = arith.muli %get3A_1139, %mul3A_1141 : vector<16xi32>
    %add3A_1143 = vector.broadcast %mul3A_338 : i32 to vector<16xi32>
    %add3A_1144 = arith.addi %add3A_1143, %mul3A_1142 : vector<16xi32>
    %get3A_1145 = arith.constant 1168 : index
    %get3A_1146 = tpu.vector_load %arg6[%get3A_1145] {strides = array<i32>} : memref<3072xi32, #tpu.memory_space<vmem>>, vector<16xi32>,
    %get3A_1147 = vector.shape_cast %get3A_1146 : vector<16xi32> to vector<16xi32>
    %add3A_1148 = arith.addi %add3A_1144, %get3A_1147 : vector<16xi32>
    %swap3A_1149 = arith.constant 400 : index
    %swap3A_1150 = tpu.vector_load %arg7[%swap3A_1149] {strides = array<i32>} : memref<768xi32, #tpu.memory_space<vmem>>, vector<16xi32>,
    %swap3A_1151 = vector.shape_cast %swap3A_1150 : vector<16xi32> to vector<16xi32>
    %swap3A_1152 = vector.shape_cast %add3A_1148 : vector<16xi32> to vector<16xi32>
    tpu.vector_store %arg7[%swap3A_1149], %swap3A_1152 {strides = array<i32>} : memref<768xi32, #tpu.memory_space<vmem>>, vector<16xi32>,
    %get3A_1153 = arith.constant 1936 : index
    %get3A_1154 = tpu.vector_load %arg6[%get3A_1153] {strides = array<i32>} : memref<3072xi32, #tpu.memory_space<vmem>>, vector<16xi32>,
    %get3A_1155 = vector.shape_cast %get3A_1154 : vector<16xi32> to vector<16xi32>
    %mul3A_1156 = arith.constant 512 : i32
    %mul3A_1157 = vector.broadcast %mul3A_1156 : i32 to vector<16xi32>
    %mul3A_1158 = arith.muli %get3A_1155, %mul3A_1157 : vector<16xi32>
    %add3A_1159 = vector.broadcast %mul3A_338 : i32 to vector<16xi32>
    %add3A_1160 = arith.addi %add3A_1159, %mul3A_1158 : vector<16xi32>
    %get3A_1161 = arith.constant 2704 : index
    %get3A_1162 = tpu.vector_load %arg6[%get3A_1161] {strides = array<i32>} : memref<3072xi32, #tpu.memory_space<vmem>>, vector<16xi32>,
    %get3A_1163 = vector.shape_cast %get3A_1162 : vector<16xi32> to vector<16xi32>
    %add3A_1164 = arith.addi %add3A_1160, %get3A_1163 : vector<16xi32>
    %swap3A_1165 = arith.constant 400 : index
    %swap3A_1166 = tpu.vector_load %arg8[%swap3A_1165] {strides = array<i32>} : memref<768xi32, #tpu.memory_space<vmem>>, vector<16xi32>,
    %swap3A_1167 = vector.shape_cast %swap3A_1166 : vector<16xi32> to vector<16xi32>
    %swap3A_1168 = vector.shape_cast %add3A_1164 : vector<16xi32> to vector<16xi32>
    tpu.vector_store %arg8[%swap3A_1165], %swap3A_1168 {strides = array<i32>} : memref<768xi32, #tpu.memory_space<vmem>>, vector<16xi32>,
    %get3A_1169 = arith.constant 416 : index
    %get3A_1170 = tpu.vector_load %arg6[%get3A_1169] {strides = array<i32>} : memref<3072xi32, #tpu.memory_space<vmem>>, vector<16xi32>,
    %get3A_1171 = vector.shape_cast %get3A_1170 : vector<16xi32> to vector<16xi32>
    %mul3A_1172 = arith.constant 512 : i32
    %mul3A_1173 = vector.broadcast %mul3A_1172 : i32 to vector<16xi32>
    %mul3A_1174 = arith.muli %get3A_1171, %mul3A_1173 : vector<16xi32>
    %add3A_1175 = vector.broadcast %mul3A_338 : i32 to vector<16xi32>
    %add3A_1176 = arith.addi %add3A_1175, %mul3A_1174 : vector<16xi32>
    %get3A_1177 = arith.constant 1184 : index
    %get3A_1178 = tpu.vector_load %arg6[%get3A_1177] {strides = array<i32>} : memref<3072xi32, #tpu.memory_space<vmem>>, vector<16xi32>,
    %get3A_1179 = vector.shape_cast %get3A_1178 : vector<16xi32> to vector<16xi32>
    %add3A_1180 = arith.addi %add3A_1176, %get3A_1179 : vector<16xi32>
    %swap3A_1181 = arith.constant 416 : index
    %swap3A_1182 = tpu.vector_load %arg7[%swap3A_1181] {strides = array<i32>} : memref<768xi32, #tpu.memory_space<vmem>>, vector<16xi32>,
    %swap3A_1183 = vector.shape_cast %swap3A_1182 : vector<16xi32> to vector<16xi32>
    %swap3A_1184 = vector.shape_cast %add3A_1180 : vector<16xi32> to vector<16xi32>
    tpu.vector_store %arg7[%swap3A_1181], %swap3A_1184 {strides = array<i32>} : memref<768xi32, #tpu.memory_space<vmem>>, vector<16xi32>,
    %get3A_1185 = arith.constant 1952 : index
    %get3A_1186 = tpu.vector_load %arg6[%get3A_1185] {strides = array<i32>} : memref<3072xi32, #tpu.memory_space<vmem>>, vector<16xi32>,
    %get3A_1187 = vector.shape_cast %get3A_1186 : vector<16xi32> to vector<16xi32>
    %mul3A_1188 = arith.constant 512 : i32
    %mul3A_1189 = vector.broadcast %mul3A_1188 : i32 to vector<16xi32>
    %mul3A_1190 = arith.muli %get3A_1187, %mul3A_1189 : vector<16xi32>
    %add3A_1191 = vector.broadcast %mul3A_338 : i32 to vector<16xi32>
    %add3A_1192 = arith.addi %add3A_1191, %mul3A_1190 : vector<16xi32>
    %get3A_1193 = arith.constant 2720 : index
    %get3A_1194 = tpu.vector_load %arg6[%get3A_1193] {strides = array<i32>} : memref<3072xi32, #tpu.memory_space<vmem>>, vector<16xi32>,
    %get3A_1195 = vector.shape_cast %get3A_1194 : vector<16xi32> to vector<16xi32>
    %add3A_1196 = arith.addi %add3A_1192, %get3A_1195 : vector<16xi32>
    %swap3A_1197 = arith.constant 416 : index
    %swap3A_1198 = tpu.vector_load %arg8[%swap3A_1197] {strides = array<i32>} : memref<768xi32, #tpu.memory_space<vmem>>, vector<16xi32>,
    %swap3A_1199 = vector.shape_cast %swap3A_1198 : vector<16xi32> to vector<16xi32>
    %swap3A_1200 = vector.shape_cast %add3A_1196 : vector<16xi32> to vector<16xi32>
    tpu.vector_store %arg8[%swap3A_1197], %swap3A_1200 {strides = array<i32>} : memref<768xi32, #tpu.memory_space<vmem>>, vector<16xi32>,
    %get3A_1201 = arith.constant 432 : index
    %get3A_1202 = tpu.vector_load %arg6[%get3A_1201] {strides = array<i32>} : memref<3072xi32, #tpu.memory_space<vmem>>, vector<16xi32>,
    %get3A_1203 = vector.shape_cast %get3A_1202 : vector<16xi32> to vector<16xi32>
    %mul3A_1204 = arith.constant 512 : i32
    %mul3A_1205 = vector.broadcast %mul3A_1204 : i32 to vector<16xi32>
    %mul3A_1206 = arith.muli %get3A_1203, %mul3A_1205 : vector<16xi32>
    %add3A_1207 = vector.broadcast %mul3A_338 : i32 to vector<16xi32>
    %add3A_1208 = arith.addi %add3A_1207, %mul3A_1206 : vector<16xi32>
    %get3A_1209 = arith.constant 1200 : index
    %get3A_1210 = tpu.vector_load %arg6[%get3A_1209] {strides = array<i32>} : memref<3072xi32, #tpu.memory_space<vmem>>, vector<16xi32>,
    %get3A_1211 = vector.shape_cast %get3A_1210 : vector<16xi32> to vector<16xi32>
    %add3A_1212 = arith.addi %add3A_1208, %get3A_1211 : vector<16xi32>
    %swap3A_1213 = arith.constant 432 : index
    %swap3A_1214 = tpu.vector_load %arg7[%swap3A_1213] {strides = array<i32>} : memref<768xi32, #tpu.memory_space<vmem>>, vector<16xi32>,
    %swap3A_1215 = vector.shape_cast %swap3A_1214 : vector<16xi32> to vector<16xi32>
    %swap3A_1216 = vector.shape_cast %add3A_1212 : vector<16xi32> to vector<16xi32>
    tpu.vector_store %arg7[%swap3A_1213], %swap3A_1216 {strides = array<i32>} : memref<768xi32, #tpu.memory_space<vmem>>, vector<16xi32>,
    %get3A_1217 = arith.constant 1968 : index
    %get3A_1218 = tpu.vector_load %arg6[%get3A_1217] {strides = array<i32>} : memref<3072xi32, #tpu.memory_space<vmem>>, vector<16xi32>,
    %get3A_1219 = vector.shape_cast %get3A_1218 : vector<16xi32> to vector<16xi32>
    %mul3A_1220 = arith.constant 512 : i32
    %mul3A_1221 = vector.broadcast %mul3A_1220 : i32 to vector<16xi32>
    %mul3A_1222 = arith.muli %get3A_1219, %mul3A_1221 : vector<16xi32>
    %add3A_1223 = vector.broadcast %mul3A_338 : i32 to vector<16xi32>
    %add3A_1224 = arith.addi %add3A_1223, %mul3A_1222 : vector<16xi32>
    %get3A_1225 = arith.constant 2736 : index
    %get3A_1226 = tpu.vector_load %arg6[%get3A_1225] {strides = array<i32>} : memref<3072xi32, #tpu.memory_space<vmem>>, vector<16xi32>,
    %get3A_1227 = vector.shape_cast %get3A_1226 : vector<16xi32> to vector<16xi32>
    %add3A_1228 = arith.addi %add3A_1224, %get3A_1227 : vector<16xi32>
    %swap3A_1229 = arith.constant 432 : index
    %swap3A_1230 = tpu.vector_load %arg8[%swap3A_1229] {strides = array<i32>} : memref<768xi32, #tpu.memory_space<vmem>>, vector<16xi32>,
    %swap3A_1231 = vector.shape_cast %swap3A_1230 : vector<16xi32> to vector<16xi32>
    %swap3A_1232 = vector.shape_cast %add3A_1228 : vector<16xi32> to vector<16xi32>
    tpu.vector_store %arg8[%swap3A_1229], %swap3A_1232 {strides = array<i32>} : memref<768xi32, #tpu.memory_space<vmem>>, vector<16xi32>,
    %get3A_1233 = arith.constant 448 : index
    %get3A_1234 = tpu.vector_load %arg6[%get3A_1233] {strides = array<i32>} : memref<3072xi32, #tpu.memory_space<vmem>>, vector<16xi32>,
    %get3A_1235 = vector.shape_cast %get3A_1234 : vector<16xi32> to vector<16xi32>
    %mul3A_1236 = arith.constant 512 : i32
    %mul3A_1237 = vector.broadcast %mul3A_1236 : i32 to vector<16xi32>
    %mul3A_1238 = arith.muli %get3A_1235, %mul3A_1237 : vector<16xi32>
    %add3A_1239 = vector.broadcast %mul3A_338 : i32 to vector<16xi32>
    %add3A_1240 = arith.addi %add3A_1239, %mul3A_1238 : vector<16xi32>
    %get3A_1241 = arith.constant 1216 : index
    %get3A_1242 = tpu.vector_load %arg6[%get3A_1241] {strides = array<i32>} : memref<3072xi32, #tpu.memory_space<vmem>>, vector<16xi32>,
    %get3A_1243 = vector.shape_cast %get3A_1242 : vector<16xi32> to vector<16xi32>
    %add3A_1244 = arith.addi %add3A_1240, %get3A_1243 : vector<16xi32>
    %swap3A_1245 = arith.constant 448 : index
    %swap3A_1246 = tpu.vector_load %arg7[%swap3A_1245] {strides = array<i32>} : memref<768xi32, #tpu.memory_space<vmem>>, vector<16xi32>,
    %swap3A_1247 = vector.shape_cast %swap3A_1246 : vector<16xi32> to vector<16xi32>
    %swap3A_1248 = vector.shape_cast %add3A_1244 : vector<16xi32> to vector<16xi32>
    tpu.vector_store %arg7[%swap3A_1245], %swap3A_1248 {strides = array<i32>} : memref<768xi32, #tpu.memory_space<vmem>>, vector<16xi32>,
    %get3A_1249 = arith.constant 1984 : index
    %get3A_1250 = tpu.vector_load %arg6[%get3A_1249] {strides = array<i32>} : memref<3072xi32, #tpu.memory_space<vmem>>, vector<16xi32>,
    %get3A_1251 = vector.shape_cast %get3A_1250 : vector<16xi32> to vector<16xi32>
    %mul3A_1252 = arith.constant 512 : i32
    %mul3A_1253 = vector.broadcast %mul3A_1252 : i32 to vector<16xi32>
    %mul3A_1254 = arith.muli %get3A_1251, %mul3A_1253 : vector<16xi32>
    %add3A_1255 = vector.broadcast %mul3A_338 : i32 to vector<16xi32>
    %add3A_1256 = arith.addi %add3A_1255, %mul3A_1254 : vector<16xi32>
    %get3A_1257 = arith.constant 2752 : index
    %get3A_1258 = tpu.vector_load %arg6[%get3A_1257] {strides = array<i32>} : memref<3072xi32, #tpu.memory_space<vmem>>, vector<16xi32>,
    %get3A_1259 = vector.shape_cast %get3A_1258 : vector<16xi32> to vector<16xi32>
    %add3A_1260 = arith.addi %add3A_1256, %get3A_1259 : vector<16xi32>
    %swap3A_1261 = arith.constant 448 : index
    %swap3A_1262 = tpu.vector_load %arg8[%swap3A_1261] {strides = array<i32>} : memref<768xi32, #tpu.memory_space<vmem>>, vector<16xi32>,
    %swap3A_1263 = vector.shape_cast %swap3A_1262 : vector<16xi32> to vector<16xi32>
    %swap3A_1264 = vector.shape_cast %add3A_1260 : vector<16xi32> to vector<16xi32>
    tpu.vector_store %arg8[%swap3A_1261], %swap3A_1264 {strides = array<i32>} : memref<768xi32, #tpu.memory_space<vmem>>, vector<16xi32>,
    %get3A_1265 = arith.constant 464 : index
    %get3A_1266 = tpu.vector_load %arg6[%get3A_1265] {strides = array<i32>} : memref<3072xi32, #tpu.memory_space<vmem>>, vector<16xi32>,
    %get3A_1267 = vector.shape_cast %get3A_1266 : vector<16xi32> to vector<16xi32>
    %mul3A_1268 = arith.constant 512 : i32
    %mul3A_1269 = vector.broadcast %mul3A_1268 : i32 to vector<16xi32>
    %mul3A_1270 = arith.muli %get3A_1267, %mul3A_1269 : vector<16xi32>
    %add3A_1271 = vector.broadcast %mul3A_338 : i32 to vector<16xi32>
    %add3A_1272 = arith.addi %add3A_1271, %mul3A_1270 : vector<16xi32>
    %get3A_1273 = arith.constant 1232 : index
    %get3A_1274 = tpu.vector_load %arg6[%get3A_1273] {strides = array<i32>} : memref<3072xi32, #tpu.memory_space<vmem>>, vector<16xi32>,
    %get3A_1275 = vector.shape_cast %get3A_1274 : vector<16xi32> to vector<16xi32>
    %add3A_1276 = arith.addi %add3A_1272, %get3A_1275 : vector<16xi32>
    %swap3A_1277 = arith.constant 464 : index
    %swap3A_1278 = tpu.vector_load %arg7[%swap3A_1277] {strides = array<i32>} : memref<768xi32, #tpu.memory_space<vmem>>, vector<16xi32>,
    %swap3A_1279 = vector.shape_cast %swap3A_1278 : vector<16xi32> to vector<16xi32>
    %swap3A_1280 = vector.shape_cast %add3A_1276 : vector<16xi32> to vector<16xi32>
    tpu.vector_store %arg7[%swap3A_1277], %swap3A_1280 {strides = array<i32>} : memref<768xi32, #tpu.memory_space<vmem>>, vector<16xi32>,
    %get3A_1281 = arith.constant 2000 : index
    %get3A_1282 = tpu.vector_load %arg6[%get3A_1281] {strides = array<i32>} : memref<3072xi32, #tpu.memory_space<vmem>>, vector<16xi32>,
    %get3A_1283 = vector.shape_cast %get3A_1282 : vector<16xi32> to vector<16xi32>
    %mul3A_1284 = arith.constant 512 : i32
    %mul3A_1285 = vector.broadcast %mul3A_1284 : i32 to vector<16xi32>
    %mul3A_1286 = arith.muli %get3A_1283, %mul3A_1285 : vector<16xi32>
    %add3A_1287 = vector.broadcast %mul3A_338 : i32 to vector<16xi32>
    %add3A_1288 = arith.addi %add3A_1287, %mul3A_1286 : vector<16xi32>
    %get3A_1289 = arith.constant 2768 : index
    %get3A_1290 = tpu.vector_load %arg6[%get3A_1289] {strides = array<i32>} : memref<3072xi32, #tpu.memory_space<vmem>>, vector<16xi32>,
    %get3A_1291 = vector.shape_cast %get3A_1290 : vector<16xi32> to vector<16xi32>
    %add3A_1292 = arith.addi %add3A_1288, %get3A_1291 : vector<16xi32>
    %swap3A_1293 = arith.constant 464 : index
    %swap3A_1294 = tpu.vector_load %arg8[%swap3A_1293] {strides = array<i32>} : memref<768xi32, #tpu.memory_space<vmem>>, vector<16xi32>,
    %swap3A_1295 = vector.shape_cast %swap3A_1294 : vector<16xi32> to vector<16xi32>
    %swap3A_1296 = vector.shape_cast %add3A_1292 : vector<16xi32> to vector<16xi32>
    tpu.vector_store %arg8[%swap3A_1293], %swap3A_1296 {strides = array<i32>} : memref<768xi32, #tpu.memory_space<vmem>>, vector<16xi32>,
    %get3A_1297 = arith.constant 480 : index
    %get3A_1298 = tpu.vector_load %arg6[%get3A_1297] {strides = array<i32>} : memref<3072xi32, #tpu.memory_space<vmem>>, vector<16xi32>,
    %get3A_1299 = vector.shape_cast %get3A_1298 : vector<16xi32> to vector<16xi32>
    %mul3A_1300 = arith.constant 512 : i32
    %mul3A_1301 = vector.broadcast %mul3A_1300 : i32 to vector<16xi32>
    %mul3A_1302 = arith.muli %get3A_1299, %mul3A_1301 : vector<16xi32>
    %add3A_1303 = vector.broadcast %mul3A_338 : i32 to vector<16xi32>
    %add3A_1304 = arith.addi %add3A_1303, %mul3A_1302 : vector<16xi32>
    %get3A_1305 = arith.constant 1248 : index
    %get3A_1306 = tpu.vector_load %arg6[%get3A_1305] {strides = array<i32>} : memref<3072xi32, #tpu.memory_space<vmem>>, vector<16xi32>,
    %get3A_1307 = vector.shape_cast %get3A_1306 : vector<16xi32> to vector<16xi32>
    %add3A_1308 = arith.addi %add3A_1304, %get3A_1307 : vector<16xi32>
    %swap3A_1309 = arith.constant 480 : index
    %swap3A_1310 = tpu.vector_load %arg7[%swap3A_1309] {strides = array<i32>} : memref<768xi32, #tpu.memory_space<vmem>>, vector<16xi32>,
    %swap3A_1311 = vector.shape_cast %swap3A_1310 : vector<16xi32> to vector<16xi32>
    %swap3A_1312 = vector.shape_cast %add3A_1308 : vector<16xi32> to vector<16xi32>
    tpu.vector_store %arg7[%swap3A_1309], %swap3A_1312 {strides = array<i32>} : memref<768xi32, #tpu.memory_space<vmem>>, vector<16xi32>,
    %get3A_1313 = arith.constant 2016 : index
    %get3A_1314 = tpu.vector_load %arg6[%get3A_1313] {strides = array<i32>} : memref<3072xi32, #tpu.memory_space<vmem>>, vector<16xi32>,
    %get3A_1315 = vector.shape_cast %get3A_1314 : vector<16xi32> to vector<16xi32>
    %mul3A_1316 = arith.constant 512 : i32
    %mul3A_1317 = vector.broadcast %mul3A_1316 : i32 to vector<16xi32>
    %mul3A_1318 = arith.muli %get3A_1315, %mul3A_1317 : vector<16xi32>
    %add3A_1319 = vector.broadcast %mul3A_338 : i32 to vector<16xi32>
    %add3A_1320 = arith.addi %add3A_1319, %mul3A_1318 : vector<16xi32>
    %get3A_1321 = arith.constant 2784 : index
    %get3A_1322 = tpu.vector_load %arg6[%get3A_1321] {strides = array<i32>} : memref<3072xi32, #tpu.memory_space<vmem>>, vector<16xi32>,
    %get3A_1323 = vector.shape_cast %get3A_1322 : vector<16xi32> to vector<16xi32>
    %add3A_1324 = arith.addi %add3A_1320, %get3A_1323 : vector<16xi32>
    %swap3A_1325 = arith.constant 480 : index
    %swap3A_1326 = tpu.vector_load %arg8[%swap3A_1325] {strides = array<i32>} : memref<768xi32, #tpu.memory_space<vmem>>, vector<16xi32>,
    %swap3A_1327 = vector.shape_cast %swap3A_1326 : vector<16xi32> to vector<16xi32>
    %swap3A_1328 = vector.shape_cast %add3A_1324 : vector<16xi32> to vector<16xi32>
    tpu.vector_store %arg8[%swap3A_1325], %swap3A_1328 {strides = array<i32>} : memref<768xi32, #tpu.memory_space<vmem>>, vector<16xi32>,
    %get3A_1329 = arith.constant 496 : index
    %get3A_1330 = tpu.vector_load %arg6[%get3A_1329] {strides = array<i32>} : memref<3072xi32, #tpu.memory_space<vmem>>, vector<16xi32>,
    %get3A_1331 = vector.shape_cast %get3A_1330 : vector<16xi32> to vector<16xi32>
    %mul3A_1332 = arith.constant 512 : i32
    %mul3A_1333 = vector.broadcast %mul3A_1332 : i32 to vector<16xi32>
    %mul3A_1334 = arith.muli %get3A_1331, %mul3A_1333 : vector<16xi32>
    %add3A_1335 = vector.broadcast %mul3A_338 : i32 to vector<16xi32>
    %add3A_1336 = arith.addi %add3A_1335, %mul3A_1334 : vector<16xi32>
    %get3A_1337 = arith.constant 1264 : index
    %get3A_1338 = tpu.vector_load %arg6[%get3A_1337] {strides = array<i32>} : memref<3072xi32, #tpu.memory_space<vmem>>, vector<16xi32>,
    %get3A_1339 = vector.shape_cast %get3A_1338 : vector<16xi32> to vector<16xi32>
    %add3A_1340 = arith.addi %add3A_1336, %get3A_1339 : vector<16xi32>
    %swap3A_1341 = arith.constant 496 : index
    %swap3A_1342 = tpu.vector_load %arg7[%swap3A_1341] {strides = array<i32>} : memref<768xi32, #tpu.memory_space<vmem>>, vector<16xi32>,
    %swap3A_1343 = vector.shape_cast %swap3A_1342 : vector<16xi32> to vector<16xi32>
    %swap3A_1344 = vector.shape_cast %add3A_1340 : vector<16xi32> to vector<16xi32>
    tpu.vector_store %arg7[%swap3A_1341], %swap3A_1344 {strides = array<i32>} : memref<768xi32, #tpu.memory_space<vmem>>, vector<16xi32>,
    %get3A_1345 = arith.constant 2032 : index
    %get3A_1346 = tpu.vector_load %arg6[%get3A_1345] {strides = array<i32>} : memref<3072xi32, #tpu.memory_space<vmem>>, vector<16xi32>,
    %get3A_1347 = vector.shape_cast %get3A_1346 : vector<16xi32> to vector<16xi32>
    %mul3A_1348 = arith.constant 512 : i32
    %mul3A_1349 = vector.broadcast %mul3A_1348 : i32 to vector<16xi32>
    %mul3A_1350 = arith.muli %get3A_1347, %mul3A_1349 : vector<16xi32>
    %add3A_1351 = vector.broadcast %mul3A_338 : i32 to vector<16xi32>
    %add3A_1352 = arith.addi %add3A_1351, %mul3A_1350 : vector<16xi32>
    %get3A_1353 = arith.constant 2800 : index
    %get3A_1354 = tpu.vector_load %arg6[%get3A_1353] {strides = array<i32>} : memref<3072xi32, #tpu.memory_space<vmem>>, vector<16xi32>,
    %get3A_1355 = vector.shape_cast %get3A_1354 : vector<16xi32> to vector<16xi32>
    %add3A_1356 = arith.addi %add3A_1352, %get3A_1355 : vector<16xi32>
    %swap3A_1357 = arith.constant 496 : index
    %swap3A_1358 = tpu.vector_load %arg8[%swap3A_1357] {strides = array<i32>} : memref<768xi32, #tpu.memory_space<vmem>>, vector<16xi32>,
    %swap3A_1359 = vector.shape_cast %swap3A_1358 : vector<16xi32> to vector<16xi32>
    %swap3A_1360 = vector.shape_cast %add3A_1356 : vector<16xi32> to vector<16xi32>
    tpu.vector_store %arg8[%swap3A_1357], %swap3A_1360 {strides = array<i32>} : memref<768xi32, #tpu.memory_space<vmem>>, vector<16xi32>,
    %get3A_1361 = arith.constant 512 : index
    %get3A_1362 = tpu.vector_load %arg6[%get3A_1361] {strides = array<i32>} : memref<3072xi32, #tpu.memory_space<vmem>>, vector<16xi32>,
    %get3A_1363 = vector.shape_cast %get3A_1362 : vector<16xi32> to vector<16xi32>
    %mul3A_1364 = arith.constant 512 : i32
    %mul3A_1365 = vector.broadcast %mul3A_1364 : i32 to vector<16xi32>
    %mul3A_1366 = arith.muli %get3A_1363, %mul3A_1365 : vector<16xi32>
    %add3A_1367 = vector.broadcast %mul3A_338 : i32 to vector<16xi32>
    %add3A_1368 = arith.addi %add3A_1367, %mul3A_1366 : vector<16xi32>
    %get3A_1369 = arith.constant 1280 : index
    %get3A_1370 = tpu.vector_load %arg6[%get3A_1369] {strides = array<i32>} : memref<3072xi32, #tpu.memory_space<vmem>>, vector<16xi32>,
    %get3A_1371 = vector.shape_cast %get3A_1370 : vector<16xi32> to vector<16xi32>
    %add3A_1372 = arith.addi %add3A_1368, %get3A_1371 : vector<16xi32>
    %swap3A_1373 = arith.constant 512 : index
    %swap3A_1374 = tpu.vector_load %arg7[%swap3A_1373] {strides = array<i32>} : memref<768xi32, #tpu.memory_space<vmem>>, vector<16xi32>,
    %swap3A_1375 = vector.shape_cast %swap3A_1374 : vector<16xi32> to vector<16xi32>
    %swap3A_1376 = vector.shape_cast %add3A_1372 : vector<16xi32> to vector<16xi32>
    tpu.vector_store %arg7[%swap3A_1373], %swap3A_1376 {strides = array<i32>} : memref<768xi32, #tpu.memory_space<vmem>>, vector<16xi32>,
    %get3A_1377 = arith.constant 2048 : index
    %get3A_1378 = tpu.vector_load %arg6[%get3A_1377] {strides = array<i32>} : memref<3072xi32, #tpu.memory_space<vmem>>, vector<16xi32>,
    %get3A_1379 = vector.shape_cast %get3A_1378 : vector<16xi32> to vector<16xi32>
    %mul3A_1380 = arith.constant 512 : i32
    %mul3A_1381 = vector.broadcast %mul3A_1380 : i32 to vector<16xi32>
    %mul3A_1382 = arith.muli %get3A_1379, %mul3A_1381 : vector<16xi32>
    %add3A_1383 = vector.broadcast %mul3A_338 : i32 to vector<16xi32>
    %add3A_1384 = arith.addi %add3A_1383, %mul3A_1382 : vector<16xi32>
    %get3A_1385 = arith.constant 2816 : index
    %get3A_1386 = tpu.vector_load %arg6[%get3A_1385] {strides = array<i32>} : memref<3072xi32, #tpu.memory_space<vmem>>, vector<16xi32>,
    %get3A_1387 = vector.shape_cast %get3A_1386 : vector<16xi32> to vector<16xi32>
    %add3A_1388 = arith.addi %add3A_1384, %get3A_1387 : vector<16xi32>
    %swap3A_1389 = arith.constant 512 : index
    %swap3A_1390 = tpu.vector_load %arg8[%swap3A_1389] {strides = array<i32>} : memref<768xi32, #tpu.memory_space<vmem>>, vector<16xi32>,
    %swap3A_1391 = vector.shape_cast %swap3A_1390 : vector<16xi32> to vector<16xi32>
    %swap3A_1392 = vector.shape_cast %add3A_1388 : vector<16xi32> to vector<16xi32>
    tpu.vector_store %arg8[%swap3A_1389], %swap3A_1392 {strides = array<i32>} : memref<768xi32, #tpu.memory_space<vmem>>, vector<16xi32>,
    %get3A_1393 = arith.constant 528 : index
    %get3A_1394 = tpu.vector_load %arg6[%get3A_1393] {strides = array<i32>} : memref<3072xi32, #tpu.memory_space<vmem>>, vector<16xi32>,
    %get3A_1395 = vector.shape_cast %get3A_1394 : vector<16xi32> to vector<16xi32>
    %mul3A_1396 = arith.constant 512 : i32
    %mul3A_1397 = vector.broadcast %mul3A_1396 : i32 to vector<16xi32>
    %mul3A_1398 = arith.muli %get3A_1395, %mul3A_1397 : vector<16xi32>
    %add3A_1399 = vector.broadcast %mul3A_338 : i32 to vector<16xi32>
    %add3A_1400 = arith.addi %add3A_1399, %mul3A_1398 : vector<16xi32>
    %get3A_1401 = arith.constant 1296 : index
    %get3A_1402 = tpu.vector_load %arg6[%get3A_1401] {strides = array<i32>} : memref<3072xi32, #tpu.memory_space<vmem>>, vector<16xi32>,
    %get3A_1403 = vector.shape_cast %get3A_1402 : vector<16xi32> to vector<16xi32>
    %add3A_1404 = arith.addi %add3A_1400, %get3A_1403 : vector<16xi32>
    %swap3A_1405 = arith.constant 528 : index
    %swap3A_1406 = tpu.vector_load %arg7[%swap3A_1405] {strides = array<i32>} : memref<768xi32, #tpu.memory_space<vmem>>, vector<16xi32>,
    %swap3A_1407 = vector.shape_cast %swap3A_1406 : vector<16xi32> to vector<16xi32>
    %swap3A_1408 = vector.shape_cast %add3A_1404 : vector<16xi32> to vector<16xi32>
    tpu.vector_store %arg7[%swap3A_1405], %swap3A_1408 {strides = array<i32>} : memref<768xi32, #tpu.memory_space<vmem>>, vector<16xi32>,
    %get3A_1409 = arith.constant 2064 : index
    %get3A_1410 = tpu.vector_load %arg6[%get3A_1409] {strides = array<i32>} : memref<3072xi32, #tpu.memory_space<vmem>>, vector<16xi32>,
    %get3A_1411 = vector.shape_cast %get3A_1410 : vector<16xi32> to vector<16xi32>
    %mul3A_1412 = arith.constant 512 : i32
    %mul3A_1413 = vector.broadcast %mul3A_1412 : i32 to vector<16xi32>
    %mul3A_1414 = arith.muli %get3A_1411, %mul3A_1413 : vector<16xi32>
    %add3A_1415 = vector.broadcast %mul3A_338 : i32 to vector<16xi32>
    %add3A_1416 = arith.addi %add3A_1415, %mul3A_1414 : vector<16xi32>
    %get3A_1417 = arith.constant 2832 : index
    %get3A_1418 = tpu.vector_load %arg6[%get3A_1417] {strides = array<i32>} : memref<3072xi32, #tpu.memory_space<vmem>>, vector<16xi32>,
    %get3A_1419 = vector.shape_cast %get3A_1418 : vector<16xi32> to vector<16xi32>
    %add3A_1420 = arith.addi %add3A_1416, %get3A_1419 : vector<16xi32>
    %swap3A_1421 = arith.constant 528 : index
    %swap3A_1422 = tpu.vector_load %arg8[%swap3A_1421] {strides = array<i32>} : memref<768xi32, #tpu.memory_space<vmem>>, vector<16xi32>,
    %swap3A_1423 = vector.shape_cast %swap3A_1422 : vector<16xi32> to vector<16xi32>
    %swap3A_1424 = vector.shape_cast %add3A_1420 : vector<16xi32> to vector<16xi32>
    tpu.vector_store %arg8[%swap3A_1421], %swap3A_1424 {strides = array<i32>} : memref<768xi32, #tpu.memory_space<vmem>>, vector<16xi32>,
    %get3A_1425 = arith.constant 544 : index
    %get3A_1426 = tpu.vector_load %arg6[%get3A_1425] {strides = array<i32>} : memref<3072xi32, #tpu.memory_space<vmem>>, vector<16xi32>,
    %get3A_1427 = vector.shape_cast %get3A_1426 : vector<16xi32> to vector<16xi32>
    %mul3A_1428 = arith.constant 512 : i32
    %mul3A_1429 = vector.broadcast %mul3A_1428 : i32 to vector<16xi32>
    %mul3A_1430 = arith.muli %get3A_1427, %mul3A_1429 : vector<16xi32>
    %add3A_1431 = vector.broadcast %mul3A_338 : i32 to vector<16xi32>
    %add3A_1432 = arith.addi %add3A_1431, %mul3A_1430 : vector<16xi32>
    %get3A_1433 = arith.constant 1312 : index
    %get3A_1434 = tpu.vector_load %arg6[%get3A_1433] {strides = array<i32>} : memref<3072xi32, #tpu.memory_space<vmem>>, vector<16xi32>,
    %get3A_1435 = vector.shape_cast %get3A_1434 : vector<16xi32> to vector<16xi32>
    %add3A_1436 = arith.addi %add3A_1432, %get3A_1435 : vector<16xi32>
    %swap3A_1437 = arith.constant 544 : index
    %swap3A_1438 = tpu.vector_load %arg7[%swap3A_1437] {strides = array<i32>} : memref<768xi32, #tpu.memory_space<vmem>>, vector<16xi32>,
    %swap3A_1439 = vector.shape_cast %swap3A_1438 : vector<16xi32> to vector<16xi32>
    %swap3A_1440 = vector.shape_cast %add3A_1436 : vector<16xi32> to vector<16xi32>
    tpu.vector_store %arg7[%swap3A_1437], %swap3A_1440 {strides = array<i32>} : memref<768xi32, #tpu.memory_space<vmem>>, vector<16xi32>,
    %get3A_1441 = arith.constant 2080 : index
    %get3A_1442 = tpu.vector_load %arg6[%get3A_1441] {strides = array<i32>} : memref<3072xi32, #tpu.memory_space<vmem>>, vector<16xi32>,
    %get3A_1443 = vector.shape_cast %get3A_1442 : vector<16xi32> to vector<16xi32>
    %mul3A_1444 = arith.constant 512 : i32
    %mul3A_1445 = vector.broadcast %mul3A_1444 : i32 to vector<16xi32>
    %mul3A_1446 = arith.muli %get3A_1443, %mul3A_1445 : vector<16xi32>
    %add3A_1447 = vector.broadcast %mul3A_338 : i32 to vector<16xi32>
    %add3A_1448 = arith.addi %add3A_1447, %mul3A_1446 : vector<16xi32>
    %get3A_1449 = arith.constant 2848 : index
    %get3A_1450 = tpu.vector_load %arg6[%get3A_1449] {strides = array<i32>} : memref<3072xi32, #tpu.memory_space<vmem>>, vector<16xi32>,
    %get3A_1451 = vector.shape_cast %get3A_1450 : vector<16xi32> to vector<16xi32>
    %add3A_1452 = arith.addi %add3A_1448, %get3A_1451 : vector<16xi32>
    %swap3A_1453 = arith.constant 544 : index
    %swap3A_1454 = tpu.vector_load %arg8[%swap3A_1453] {strides = array<i32>} : memref<768xi32, #tpu.memory_space<vmem>>, vector<16xi32>,
    %swap3A_1455 = vector.shape_cast %swap3A_1454 : vector<16xi32> to vector<16xi32>
    %swap3A_1456 = vector.shape_cast %add3A_1452 : vector<16xi32> to vector<16xi32>
    tpu.vector_store %arg8[%swap3A_1453], %swap3A_1456 {strides = array<i32>} : memref<768xi32, #tpu.memory_space<vmem>>, vector<16xi32>,
    %get3A_1457 = arith.constant 560 : index
    %get3A_1458 = tpu.vector_load %arg6[%get3A_1457] {strides = array<i32>} : memref<3072xi32, #tpu.memory_space<vmem>>, vector<16xi32>,
    %get3A_1459 = vector.shape_cast %get3A_1458 : vector<16xi32> to vector<16xi32>
    %mul3A_1460 = arith.constant 512 : i32
    %mul3A_1461 = vector.broadcast %mul3A_1460 : i32 to vector<16xi32>
    %mul3A_1462 = arith.muli %get3A_1459, %mul3A_1461 : vector<16xi32>
    %add3A_1463 = vector.broadcast %mul3A_338 : i32 to vector<16xi32>
    %add3A_1464 = arith.addi %add3A_1463, %mul3A_1462 : vector<16xi32>
    %get3A_1465 = arith.constant 1328 : index
    %get3A_1466 = tpu.vector_load %arg6[%get3A_1465] {strides = array<i32>} : memref<3072xi32, #tpu.memory_space<vmem>>, vector<16xi32>,
    %get3A_1467 = vector.shape_cast %get3A_1466 : vector<16xi32> to vector<16xi32>
    %add3A_1468 = arith.addi %add3A_1464, %get3A_1467 : vector<16xi32>
    %swap3A_1469 = arith.constant 560 : index
    %swap3A_1470 = tpu.vector_load %arg7[%swap3A_1469] {strides = array<i32>} : memref<768xi32, #tpu.memory_space<vmem>>, vector<16xi32>,
    %swap3A_1471 = vector.shape_cast %swap3A_1470 : vector<16xi32> to vector<16xi32>
    %swap3A_1472 = vector.shape_cast %add3A_1468 : vector<16xi32> to vector<16xi32>
    tpu.vector_store %arg7[%swap3A_1469], %swap3A_1472 {strides = array<i32>} : memref<768xi32, #tpu.memory_space<vmem>>, vector<16xi32>,
    %get3A_1473 = arith.constant 2096 : index
    %get3A_1474 = tpu.vector_load %arg6[%get3A_1473] {strides = array<i32>} : memref<3072xi32, #tpu.memory_space<vmem>>, vector<16xi32>,
    %get3A_1475 = vector.shape_cast %get3A_1474 : vector<16xi32> to vector<16xi32>
    %mul3A_1476 = arith.constant 512 : i32
    %mul3A_1477 = vector.broadcast %mul3A_1476 : i32 to vector<16xi32>
    %mul3A_1478 = arith.muli %get3A_1475, %mul3A_1477 : vector<16xi32>
    %add3A_1479 = vector.broadcast %mul3A_338 : i32 to vector<16xi32>
    %add3A_1480 = arith.addi %add3A_1479, %mul3A_1478 : vector<16xi32>
    %get3A_1481 = arith.constant 2864 : index
    %get3A_1482 = tpu.vector_load %arg6[%get3A_1481] {strides = array<i32>} : memref<3072xi32, #tpu.memory_space<vmem>>, vector<16xi32>,
    %get3A_1483 = vector.shape_cast %get3A_1482 : vector<16xi32> to vector<16xi32>
    %add3A_1484 = arith.addi %add3A_1480, %get3A_1483 : vector<16xi32>
    %swap3A_1485 = arith.constant 560 : index
    %swap3A_1486 = tpu.vector_load %arg8[%swap3A_1485] {strides = array<i32>} : memref<768xi32, #tpu.memory_space<vmem>>, vector<16xi32>,
    %swap3A_1487 = vector.shape_cast %swap3A_1486 : vector<16xi32> to vector<16xi32>
    %swap3A_1488 = vector.shape_cast %add3A_1484 : vector<16xi32> to vector<16xi32>
    tpu.vector_store %arg8[%swap3A_1485], %swap3A_1488 {strides = array<i32>} : memref<768xi32, #tpu.memory_space<vmem>>, vector<16xi32>,
    %get3A_1489 = arith.constant 576 : index
    %get3A_1490 = tpu.vector_load %arg6[%get3A_1489] {strides = array<i32>} : memref<3072xi32, #tpu.memory_space<vmem>>, vector<16xi32>,
    %get3A_1491 = vector.shape_cast %get3A_1490 : vector<16xi32> to vector<16xi32>
    %mul3A_1492 = arith.constant 512 : i32
    %mul3A_1493 = vector.broadcast %mul3A_1492 : i32 to vector<16xi32>
    %mul3A_1494 = arith.muli %get3A_1491, %mul3A_1493 : vector<16xi32>
    %add3A_1495 = vector.broadcast %mul3A_338 : i32 to vector<16xi32>
    %add3A_1496 = arith.addi %add3A_1495, %mul3A_1494 : vector<16xi32>
    %get3A_1497 = arith.constant 1344 : index
    %get3A_1498 = tpu.vector_load %arg6[%get3A_1497] {strides = array<i32>} : memref<3072xi32, #tpu.memory_space<vmem>>, vector<16xi32>,
    %get3A_1499 = vector.shape_cast %get3A_1498 : vector<16xi32> to vector<16xi32>
    %add3A_1500 = arith.addi %add3A_1496, %get3A_1499 : vector<16xi32>
    %swap3A_1501 = arith.constant 576 : index
    %swap3A_1502 = tpu.vector_load %arg7[%swap3A_1501] {strides = array<i32>} : memref<768xi32, #tpu.memory_space<vmem>>, vector<16xi32>,
    %swap3A_1503 = vector.shape_cast %swap3A_1502 : vector<16xi32> to vector<16xi32>
    %swap3A_1504 = vector.shape_cast %add3A_1500 : vector<16xi32> to vector<16xi32>
    tpu.vector_store %arg7[%swap3A_1501], %swap3A_1504 {strides = array<i32>} : memref<768xi32, #tpu.memory_space<vmem>>, vector<16xi32>,
    %get3A_1505 = arith.constant 2112 : index
    %get3A_1506 = tpu.vector_load %arg6[%get3A_1505] {strides = array<i32>} : memref<3072xi32, #tpu.memory_space<vmem>>, vector<16xi32>,
    %get3A_1507 = vector.shape_cast %get3A_1506 : vector<16xi32> to vector<16xi32>
    %mul3A_1508 = arith.constant 512 : i32
    %mul3A_1509 = vector.broadcast %mul3A_1508 : i32 to vector<16xi32>
    %mul3A_1510 = arith.muli %get3A_1507, %mul3A_1509 : vector<16xi32>
    %add3A_1511 = vector.broadcast %mul3A_338 : i32 to vector<16xi32>
    %add3A_1512 = arith.addi %add3A_1511, %mul3A_1510 : vector<16xi32>
    %get3A_1513 = arith.constant 2880 : index
    %get3A_1514 = tpu.vector_load %arg6[%get3A_1513] {strides = array<i32>} : memref<3072xi32, #tpu.memory_space<vmem>>, vector<16xi32>,
    %get3A_1515 = vector.shape_cast %get3A_1514 : vector<16xi32> to vector<16xi32>
    %add3A_1516 = arith.addi %add3A_1512, %get3A_1515 : vector<16xi32>
    %swap3A_1517 = arith.constant 576 : index
    %swap3A_1518 = tpu.vector_load %arg8[%swap3A_1517] {strides = array<i32>} : memref<768xi32, #tpu.memory_space<vmem>>, vector<16xi32>,
    %swap3A_1519 = vector.shape_cast %swap3A_1518 : vector<16xi32> to vector<16xi32>
    %swap3A_1520 = vector.shape_cast %add3A_1516 : vector<16xi32> to vector<16xi32>
    tpu.vector_store %arg8[%swap3A_1517], %swap3A_1520 {strides = array<i32>} : memref<768xi32, #tpu.memory_space<vmem>>, vector<16xi32>,
    %get3A_1521 = arith.constant 592 : index
    %get3A_1522 = tpu.vector_load %arg6[%get3A_1521] {strides = array<i32>} : memref<3072xi32, #tpu.memory_space<vmem>>, vector<16xi32>,
    %get3A_1523 = vector.shape_cast %get3A_1522 : vector<16xi32> to vector<16xi32>
    %mul3A_1524 = arith.constant 512 : i32
    %mul3A_1525 = vector.broadcast %mul3A_1524 : i32 to vector<16xi32>
    %mul3A_1526 = arith.muli %get3A_1523, %mul3A_1525 : vector<16xi32>
    %add3A_1527 = vector.broadcast %mul3A_338 : i32 to vector<16xi32>
    %add3A_1528 = arith.addi %add3A_1527, %mul3A_1526 : vector<16xi32>
    %get3A_1529 = arith.constant 1360 : index
    %get3A_1530 = tpu.vector_load %arg6[%get3A_1529] {strides = array<i32>} : memref<3072xi32, #tpu.memory_space<vmem>>, vector<16xi32>,
    %get3A_1531 = vector.shape_cast %get3A_1530 : vector<16xi32> to vector<16xi32>
    %add3A_1532 = arith.addi %add3A_1528, %get3A_1531 : vector<16xi32>
    %swap3A_1533 = arith.constant 592 : index
    %swap3A_1534 = tpu.vector_load %arg7[%swap3A_1533] {strides = array<i32>} : memref<768xi32, #tpu.memory_space<vmem>>, vector<16xi32>,
    %swap3A_1535 = vector.shape_cast %swap3A_1534 : vector<16xi32> to vector<16xi32>
    %swap3A_1536 = vector.shape_cast %add3A_1532 : vector<16xi32> to vector<16xi32>
    tpu.vector_store %arg7[%swap3A_1533], %swap3A_1536 {strides = array<i32>} : memref<768xi32, #tpu.memory_space<vmem>>, vector<16xi32>,
    %get3A_1537 = arith.constant 2128 : index
    %get3A_1538 = tpu.vector_load %arg6[%get3A_1537] {strides = array<i32>} : memref<3072xi32, #tpu.memory_space<vmem>>, vector<16xi32>,
    %get3A_1539 = vector.shape_cast %get3A_1538 : vector<16xi32> to vector<16xi32>
    %mul3A_1540 = arith.constant 512 : i32
    %mul3A_1541 = vector.broadcast %mul3A_1540 : i32 to vector<16xi32>
    %mul3A_1542 = arith.muli %get3A_1539, %mul3A_1541 : vector<16xi32>
    %add3A_1543 = vector.broadcast %mul3A_338 : i32 to vector<16xi32>
    %add3A_1544 = arith.addi %add3A_1543, %mul3A_1542 : vector<16xi32>
    %get3A_1545 = arith.constant 2896 : index
    %get3A_1546 = tpu.vector_load %arg6[%get3A_1545] {strides = array<i32>} : memref<3072xi32, #tpu.memory_space<vmem>>, vector<16xi32>,
    %get3A_1547 = vector.shape_cast %get3A_1546 : vector<16xi32> to vector<16xi32>
    %add3A_1548 = arith.addi %add3A_1544, %get3A_1547 : vector<16xi32>
    %swap3A_1549 = arith.constant 592 : index
    %swap3A_1550 = tpu.vector_load %arg8[%swap3A_1549] {strides = array<i32>} : memref<768xi32, #tpu.memory_space<vmem>>, vector<16xi32>,
    %swap3A_1551 = vector.shape_cast %swap3A_1550 : vector<16xi32> to vector<16xi32>
    %swap3A_1552 = vector.shape_cast %add3A_1548 : vector<16xi32> to vector<16xi32>
    tpu.vector_store %arg8[%swap3A_1549], %swap3A_1552 {strides = array<i32>} : memref<768xi32, #tpu.memory_space<vmem>>, vector<16xi32>,
    %get3A_1553 = arith.constant 608 : index
    %get3A_1554 = tpu.vector_load %arg6[%get3A_1553] {strides = array<i32>} : memref<3072xi32, #tpu.memory_space<vmem>>, vector<16xi32>,
    %get3A_1555 = vector.shape_cast %get3A_1554 : vector<16xi32> to vector<16xi32>
    %mul3A_1556 = arith.constant 512 : i32
    %mul3A_1557 = vector.broadcast %mul3A_1556 : i32 to vector<16xi32>
    %mul3A_1558 = arith.muli %get3A_1555, %mul3A_1557 : vector<16xi32>
    %add3A_1559 = vector.broadcast %mul3A_338 : i32 to vector<16xi32>
    %add3A_1560 = arith.addi %add3A_1559, %mul3A_1558 : vector<16xi32>
    %get3A_1561 = arith.constant 1376 : index
    %get3A_1562 = tpu.vector_load %arg6[%get3A_1561] {strides = array<i32>} : memref<3072xi32, #tpu.memory_space<vmem>>, vector<16xi32>,
    %get3A_1563 = vector.shape_cast %get3A_1562 : vector<16xi32> to vector<16xi32>
    %add3A_1564 = arith.addi %add3A_1560, %get3A_1563 : vector<16xi32>
    %swap3A_1565 = arith.constant 608 : index
    %swap3A_1566 = tpu.vector_load %arg7[%swap3A_1565] {strides = array<i32>} : memref<768xi32, #tpu.memory_space<vmem>>, vector<16xi32>,
    %swap3A_1567 = vector.shape_cast %swap3A_1566 : vector<16xi32> to vector<16xi32>
    %swap3A_1568 = vector.shape_cast %add3A_1564 : vector<16xi32> to vector<16xi32>
    tpu.vector_store %arg7[%swap3A_1565], %swap3A_1568 {strides = array<i32>} : memref<768xi32, #tpu.memory_space<vmem>>, vector<16xi32>,
    %get3A_1569 = arith.constant 2144 : index
    %get3A_1570 = tpu.vector_load %arg6[%get3A_1569] {strides = array<i32>} : memref<3072xi32, #tpu.memory_space<vmem>>, vector<16xi32>,
    %get3A_1571 = vector.shape_cast %get3A_1570 : vector<16xi32> to vector<16xi32>
    %mul3A_1572 = arith.constant 512 : i32
    %mul3A_1573 = vector.broadcast %mul3A_1572 : i32 to vector<16xi32>
    %mul3A_1574 = arith.muli %get3A_1571, %mul3A_1573 : vector<16xi32>
    %add3A_1575 = vector.broadcast %mul3A_338 : i32 to vector<16xi32>
    %add3A_1576 = arith.addi %add3A_1575, %mul3A_1574 : vector<16xi32>
    %get3A_1577 = arith.constant 2912 : index
    %get3A_1578 = tpu.vector_load %arg6[%get3A_1577] {strides = array<i32>} : memref<3072xi32, #tpu.memory_space<vmem>>, vector<16xi32>,
    %get3A_1579 = vector.shape_cast %get3A_1578 : vector<16xi32> to vector<16xi32>
    %add3A_1580 = arith.addi %add3A_1576, %get3A_1579 : vector<16xi32>
    %swap3A_1581 = arith.constant 608 : index
    %swap3A_1582 = tpu.vector_load %arg8[%swap3A_1581] {strides = array<i32>} : memref<768xi32, #tpu.memory_space<vmem>>, vector<16xi32>,
    %swap3A_1583 = vector.shape_cast %swap3A_1582 : vector<16xi32> to vector<16xi32>
    %swap3A_1584 = vector.shape_cast %add3A_1580 : vector<16xi32> to vector<16xi32>
    tpu.vector_store %arg8[%swap3A_1581], %swap3A_1584 {strides = array<i32>} : memref<768xi32, #tpu.memory_space<vmem>>, vector<16xi32>,
    %get3A_1585 = arith.constant 624 : index
    %get3A_1586 = tpu.vector_load %arg6[%get3A_1585] {strides = array<i32>} : memref<3072xi32, #tpu.memory_space<vmem>>, vector<16xi32>,
    %get3A_1587 = vector.shape_cast %get3A_1586 : vector<16xi32> to vector<16xi32>
    %mul3A_1588 = arith.constant 512 : i32
    %mul3A_1589 = vector.broadcast %mul3A_1588 : i32 to vector<16xi32>
    %mul3A_1590 = arith.muli %get3A_1587, %mul3A_1589 : vector<16xi32>
    %add3A_1591 = vector.broadcast %mul3A_338 : i32 to vector<16xi32>
    %add3A_1592 = arith.addi %add3A_1591, %mul3A_1590 : vector<16xi32>
    %get3A_1593 = arith.constant 1392 : index
    %get3A_1594 = tpu.vector_load %arg6[%get3A_1593] {strides = array<i32>} : memref<3072xi32, #tpu.memory_space<vmem>>, vector<16xi32>,
    %get3A_1595 = vector.shape_cast %get3A_1594 : vector<16xi32> to vector<16xi32>
    %add3A_1596 = arith.addi %add3A_1592, %get3A_1595 : vector<16xi32>
    %swap3A_1597 = arith.constant 624 : index
    %swap3A_1598 = tpu.vector_load %arg7[%swap3A_1597] {strides = array<i32>} : memref<768xi32, #tpu.memory_space<vmem>>, vector<16xi32>,
    %swap3A_1599 = vector.shape_cast %swap3A_1598 : vector<16xi32> to vector<16xi32>
    %swap3A_1600 = vector.shape_cast %add3A_1596 : vector<16xi32> to vector<16xi32>
    tpu.vector_store %arg7[%swap3A_1597], %swap3A_1600 {strides = array<i32>} : memref<768xi32, #tpu.memory_space<vmem>>, vector<16xi32>,
    %get3A_1601 = arith.constant 2160 : index
    %get3A_1602 = tpu.vector_load %arg6[%get3A_1601] {strides = array<i32>} : memref<3072xi32, #tpu.memory_space<vmem>>, vector<16xi32>,
    %get3A_1603 = vector.shape_cast %get3A_1602 : vector<16xi32> to vector<16xi32>
    %mul3A_1604 = arith.constant 512 : i32
    %mul3A_1605 = vector.broadcast %mul3A_1604 : i32 to vector<16xi32>
    %mul3A_1606 = arith.muli %get3A_1603, %mul3A_1605 : vector<16xi32>
    %add3A_1607 = vector.broadcast %mul3A_338 : i32 to vector<16xi32>
    %add3A_1608 = arith.addi %add3A_1607, %mul3A_1606 : vector<16xi32>
    %get3A_1609 = arith.constant 2928 : index
    %get3A_1610 = tpu.vector_load %arg6[%get3A_1609] {strides = array<i32>} : memref<3072xi32, #tpu.memory_space<vmem>>, vector<16xi32>,
    %get3A_1611 = vector.shape_cast %get3A_1610 : vector<16xi32> to vector<16xi32>
    %add3A_1612 = arith.addi %add3A_1608, %get3A_1611 : vector<16xi32>
    %swap3A_1613 = arith.constant 624 : index
    %swap3A_1614 = tpu.vector_load %arg8[%swap3A_1613] {strides = array<i32>} : memref<768xi32, #tpu.memory_space<vmem>>, vector<16xi32>,
    %swap3A_1615 = vector.shape_cast %swap3A_1614 : vector<16xi32> to vector<16xi32>
    %swap3A_1616 = vector.shape_cast %add3A_1612 : vector<16xi32> to vector<16xi32>
    tpu.vector_store %arg8[%swap3A_1613], %swap3A_1616 {strides = array<i32>} : memref<768xi32, #tpu.memory_space<vmem>>, vector<16xi32>,
    %get3A_1617 = arith.constant 640 : index
    %get3A_1618 = tpu.vector_load %arg6[%get3A_1617] {strides = array<i32>} : memref<3072xi32, #tpu.memory_space<vmem>>, vector<16xi32>,
    %get3A_1619 = vector.shape_cast %get3A_1618 : vector<16xi32> to vector<16xi32>
    %mul3A_1620 = arith.constant 512 : i32
    %mul3A_1621 = vector.broadcast %mul3A_1620 : i32 to vector<16xi32>
    %mul3A_1622 = arith.muli %get3A_1619, %mul3A_1621 : vector<16xi32>
    %add3A_1623 = vector.broadcast %mul3A_338 : i32 to vector<16xi32>
    %add3A_1624 = arith.addi %add3A_1623, %mul3A_1622 : vector<16xi32>
    %get3A_1625 = arith.constant 1408 : index
    %get3A_1626 = tpu.vector_load %arg6[%get3A_1625] {strides = array<i32>} : memref<3072xi32, #tpu.memory_space<vmem>>, vector<16xi32>,
    %get3A_1627 = vector.shape_cast %get3A_1626 : vector<16xi32> to vector<16xi32>
    %add3A_1628 = arith.addi %add3A_1624, %get3A_1627 : vector<16xi32>
    %swap3A_1629 = arith.constant 640 : index
    %swap3A_1630 = tpu.vector_load %arg7[%swap3A_1629] {strides = array<i32>} : memref<768xi32, #tpu.memory_space<vmem>>, vector<16xi32>,
    %swap3A_1631 = vector.shape_cast %swap3A_1630 : vector<16xi32> to vector<16xi32>
    %swap3A_1632 = vector.shape_cast %add3A_1628 : vector<16xi32> to vector<16xi32>
    tpu.vector_store %arg7[%swap3A_1629], %swap3A_1632 {strides = array<i32>} : memref<768xi32, #tpu.memory_space<vmem>>, vector<16xi32>,
    %get3A_1633 = arith.constant 2176 : index
    %get3A_1634 = tpu.vector_load %arg6[%get3A_1633] {strides = array<i32>} : memref<3072xi32, #tpu.memory_space<vmem>>, vector<16xi32>,
    %get3A_1635 = vector.shape_cast %get3A_1634 : vector<16xi32> to vector<16xi32>
    %mul3A_1636 = arith.constant 512 : i32
    %mul3A_1637 = vector.broadcast %mul3A_1636 : i32 to vector<16xi32>
    %mul3A_1638 = arith.muli %get3A_1635, %mul3A_1637 : vector<16xi32>
    %add3A_1639 = vector.broadcast %mul3A_338 : i32 to vector<16xi32>
    %add3A_1640 = arith.addi %add3A_1639, %mul3A_1638 : vector<16xi32>
    %get3A_1641 = arith.constant 2944 : index
    %get3A_1642 = tpu.vector_load %arg6[%get3A_1641] {strides = array<i32>} : memref<3072xi32, #tpu.memory_space<vmem>>, vector<16xi32>,
    %get3A_1643 = vector.shape_cast %get3A_1642 : vector<16xi32> to vector<16xi32>
    %add3A_1644 = arith.addi %add3A_1640, %get3A_1643 : vector<16xi32>
    %swap3A_1645 = arith.constant 640 : index
    %swap3A_1646 = tpu.vector_load %arg8[%swap3A_1645] {strides = array<i32>} : memref<768xi32, #tpu.memory_space<vmem>>, vector<16xi32>,
    %swap3A_1647 = vector.shape_cast %swap3A_1646 : vector<16xi32> to vector<16xi32>
    %swap3A_1648 = vector.shape_cast %add3A_1644 : vector<16xi32> to vector<16xi32>
    tpu.vector_store %arg8[%swap3A_1645], %swap3A_1648 {strides = array<i32>} : memref<768xi32, #tpu.memory_space<vmem>>, vector<16xi32>,
    %get3A_1649 = arith.constant 656 : index
    %get3A_1650 = tpu.vector_load %arg6[%get3A_1649] {strides = array<i32>} : memref<3072xi32, #tpu.memory_space<vmem>>, vector<16xi32>,
    %get3A_1651 = vector.shape_cast %get3A_1650 : vector<16xi32> to vector<16xi32>
    %mul3A_1652 = arith.constant 512 : i32
    %mul3A_1653 = vector.broadcast %mul3A_1652 : i32 to vector<16xi32>
    %mul3A_1654 = arith.muli %get3A_1651, %mul3A_1653 : vector<16xi32>
    %add3A_1655 = vector.broadcast %mul3A_338 : i32 to vector<16xi32>
    %add3A_1656 = arith.addi %add3A_1655, %mul3A_1654 : vector<16xi32>
    %get3A_1657 = arith.constant 1424 : index
    %get3A_1658 = tpu.vector_load %arg6[%get3A_1657] {strides = array<i32>} : memref<3072xi32, #tpu.memory_space<vmem>>, vector<16xi32>,
    %get3A_1659 = vector.shape_cast %get3A_1658 : vector<16xi32> to vector<16xi32>
    %add3A_1660 = arith.addi %add3A_1656, %get3A_1659 : vector<16xi32>
    %swap3A_1661 = arith.constant 656 : index
    %swap3A_1662 = tpu.vector_load %arg7[%swap3A_1661] {strides = array<i32>} : memref<768xi32, #tpu.memory_space<vmem>>, vector<16xi32>,
    %swap3A_1663 = vector.shape_cast %swap3A_1662 : vector<16xi32> to vector<16xi32>
    %swap3A_1664 = vector.shape_cast %add3A_1660 : vector<16xi32> to vector<16xi32>
    tpu.vector_store %arg7[%swap3A_1661], %swap3A_1664 {strides = array<i32>} : memref<768xi32, #tpu.memory_space<vmem>>, vector<16xi32>,
    %get3A_1665 = arith.constant 2192 : index
    %get3A_1666 = tpu.vector_load %arg6[%get3A_1665] {strides = array<i32>} : memref<3072xi32, #tpu.memory_space<vmem>>, vector<16xi32>,
    %get3A_1667 = vector.shape_cast %get3A_1666 : vector<16xi32> to vector<16xi32>
    %mul3A_1668 = arith.constant 512 : i32
    %mul3A_1669 = vector.broadcast %mul3A_1668 : i32 to vector<16xi32>
    %mul3A_1670 = arith.muli %get3A_1667, %mul3A_1669 : vector<16xi32>
    %add3A_1671 = vector.broadcast %mul3A_338 : i32 to vector<16xi32>
    %add3A_1672 = arith.addi %add3A_1671, %mul3A_1670 : vector<16xi32>
    %get3A_1673 = arith.constant 2960 : index
    %get3A_1674 = tpu.vector_load %arg6[%get3A_1673] {strides = array<i32>} : memref<3072xi32, #tpu.memory_space<vmem>>, vector<16xi32>,
    %get3A_1675 = vector.shape_cast %get3A_1674 : vector<16xi32> to vector<16xi32>
    %add3A_1676 = arith.addi %add3A_1672, %get3A_1675 : vector<16xi32>
    %swap3A_1677 = arith.constant 656 : index
    %swap3A_1678 = tpu.vector_load %arg8[%swap3A_1677] {strides = array<i32>} : memref<768xi32, #tpu.memory_space<vmem>>, vector<16xi32>,
    %swap3A_1679 = vector.shape_cast %swap3A_1678 : vector<16xi32> to vector<16xi32>
    %swap3A_1680 = vector.shape_cast %add3A_1676 : vector<16xi32> to vector<16xi32>
    tpu.vector_store %arg8[%swap3A_1677], %swap3A_1680 {strides = array<i32>} : memref<768xi32, #tpu.memory_space<vmem>>, vector<16xi32>,
    %get3A_1681 = arith.constant 672 : index
    %get3A_1682 = tpu.vector_load %arg6[%get3A_1681] {strides = array<i32>} : memref<3072xi32, #tpu.memory_space<vmem>>, vector<16xi32>,
    %get3A_1683 = vector.shape_cast %get3A_1682 : vector<16xi32> to vector<16xi32>
    %mul3A_1684 = arith.constant 512 : i32
    %mul3A_1685 = vector.broadcast %mul3A_1684 : i32 to vector<16xi32>
    %mul3A_1686 = arith.muli %get3A_1683, %mul3A_1685 : vector<16xi32>
    %add3A_1687 = vector.broadcast %mul3A_338 : i32 to vector<16xi32>
    %add3A_1688 = arith.addi %add3A_1687, %mul3A_1686 : vector<16xi32>
    %get3A_1689 = arith.constant 1440 : index
    %get3A_1690 = tpu.vector_load %arg6[%get3A_1689] {strides = array<i32>} : memref<3072xi32, #tpu.memory_space<vmem>>, vector<16xi32>,
    %get3A_1691 = vector.shape_cast %get3A_1690 : vector<16xi32> to vector<16xi32>
    %add3A_1692 = arith.addi %add3A_1688, %get3A_1691 : vector<16xi32>
    %swap3A_1693 = arith.constant 672 : index
    %swap3A_1694 = tpu.vector_load %arg7[%swap3A_1693] {strides = array<i32>} : memref<768xi32, #tpu.memory_space<vmem>>, vector<16xi32>,
    %swap3A_1695 = vector.shape_cast %swap3A_1694 : vector<16xi32> to vector<16xi32>
    %swap3A_1696 = vector.shape_cast %add3A_1692 : vector<16xi32> to vector<16xi32>
    tpu.vector_store %arg7[%swap3A_1693], %swap3A_1696 {strides = array<i32>} : memref<768xi32, #tpu.memory_space<vmem>>, vector<16xi32>,
    %get3A_1697 = arith.constant 2208 : index
    %get3A_1698 = tpu.vector_load %arg6[%get3A_1697] {strides = array<i32>} : memref<3072xi32, #tpu.memory_space<vmem>>, vector<16xi32>,
    %get3A_1699 = vector.shape_cast %get3A_1698 : vector<16xi32> to vector<16xi32>
    %mul3A_1700 = arith.constant 512 : i32
    %mul3A_1701 = vector.broadcast %mul3A_1700 : i32 to vector<16xi32>
    %mul3A_1702 = arith.muli %get3A_1699, %mul3A_1701 : vector<16xi32>
    %add3A_1703 = vector.broadcast %mul3A_338 : i32 to vector<16xi32>
    %add3A_1704 = arith.addi %add3A_1703, %mul3A_1702 : vector<16xi32>
    %get3A_1705 = arith.constant 2976 : index
    %get3A_1706 = tpu.vector_load %arg6[%get3A_1705] {strides = array<i32>} : memref<3072xi32, #tpu.memory_space<vmem>>, vector<16xi32>,
    %get3A_1707 = vector.shape_cast %get3A_1706 : vector<16xi32> to vector<16xi32>
    %add3A_1708 = arith.addi %add3A_1704, %get3A_1707 : vector<16xi32>
    %swap3A_1709 = arith.constant 672 : index
    %swap3A_1710 = tpu.vector_load %arg8[%swap3A_1709] {strides = array<i32>} : memref<768xi32, #tpu.memory_space<vmem>>, vector<16xi32>,
    %swap3A_1711 = vector.shape_cast %swap3A_1710 : vector<16xi32> to vector<16xi32>
    %swap3A_1712 = vector.shape_cast %add3A_1708 : vector<16xi32> to vector<16xi32>
    tpu.vector_store %arg8[%swap3A_1709], %swap3A_1712 {strides = array<i32>} : memref<768xi32, #tpu.memory_space<vmem>>, vector<16xi32>,
    %get3A_1713 = arith.constant 688 : index
    %get3A_1714 = tpu.vector_load %arg6[%get3A_1713] {strides = array<i32>} : memref<3072xi32, #tpu.memory_space<vmem>>, vector<16xi32>,
    %get3A_1715 = vector.shape_cast %get3A_1714 : vector<16xi32> to vector<16xi32>
    %mul3A_1716 = arith.constant 512 : i32
    %mul3A_1717 = vector.broadcast %mul3A_1716 : i32 to vector<16xi32>
    %mul3A_1718 = arith.muli %get3A_1715, %mul3A_1717 : vector<16xi32>
    %add3A_1719 = vector.broadcast %mul3A_338 : i32 to vector<16xi32>
    %add3A_1720 = arith.addi %add3A_1719, %mul3A_1718 : vector<16xi32>
    %get3A_1721 = arith.constant 1456 : index
    %get3A_1722 = tpu.vector_load %arg6[%get3A_1721] {strides = array<i32>} : memref<3072xi32, #tpu.memory_space<vmem>>, vector<16xi32>,
    %get3A_1723 = vector.shape_cast %get3A_1722 : vector<16xi32> to vector<16xi32>
    %add3A_1724 = arith.addi %add3A_1720, %get3A_1723 : vector<16xi32>
    %swap3A_1725 = arith.constant 688 : index
    %swap3A_1726 = tpu.vector_load %arg7[%swap3A_1725] {strides = array<i32>} : memref<768xi32, #tpu.memory_space<vmem>>, vector<16xi32>,
    %swap3A_1727 = vector.shape_cast %swap3A_1726 : vector<16xi32> to vector<16xi32>
    %swap3A_1728 = vector.shape_cast %add3A_1724 : vector<16xi32> to vector<16xi32>
    tpu.vector_store %arg7[%swap3A_1725], %swap3A_1728 {strides = array<i32>} : memref<768xi32, #tpu.memory_space<vmem>>, vector<16xi32>,
    %get3A_1729 = arith.constant 2224 : index
    %get3A_1730 = tpu.vector_load %arg6[%get3A_1729] {strides = array<i32>} : memref<3072xi32, #tpu.memory_space<vmem>>, vector<16xi32>,
    %get3A_1731 = vector.shape_cast %get3A_1730 : vector<16xi32> to vector<16xi32>
    %mul3A_1732 = arith.constant 512 : i32
    %mul3A_1733 = vector.broadcast %mul3A_1732 : i32 to vector<16xi32>
    %mul3A_1734 = arith.muli %get3A_1731, %mul3A_1733 : vector<16xi32>
    %add3A_1735 = vector.broadcast %mul3A_338 : i32 to vector<16xi32>
    %add3A_1736 = arith.addi %add3A_1735, %mul3A_1734 : vector<16xi32>
    %get3A_1737 = arith.constant 2992 : index
    %get3A_1738 = tpu.vector_load %arg6[%get3A_1737] {strides = array<i32>} : memref<3072xi32, #tpu.memory_space<vmem>>, vector<16xi32>,
    %get3A_1739 = vector.shape_cast %get3A_1738 : vector<16xi32> to vector<16xi32>
    %add3A_1740 = arith.addi %add3A_1736, %get3A_1739 : vector<16xi32>
    %swap3A_1741 = arith.constant 688 : index
    %swap3A_1742 = tpu.vector_load %arg8[%swap3A_1741] {strides = array<i32>} : memref<768xi32, #tpu.memory_space<vmem>>, vector<16xi32>,
    %swap3A_1743 = vector.shape_cast %swap3A_1742 : vector<16xi32> to vector<16xi32>
    %swap3A_1744 = vector.shape_cast %add3A_1740 : vector<16xi32> to vector<16xi32>
    tpu.vector_store %arg8[%swap3A_1741], %swap3A_1744 {strides = array<i32>} : memref<768xi32, #tpu.memory_space<vmem>>, vector<16xi32>,
    %get3A_1745 = arith.constant 704 : index
    %get3A_1746 = tpu.vector_load %arg6[%get3A_1745] {strides = array<i32>} : memref<3072xi32, #tpu.memory_space<vmem>>, vector<16xi32>,
    %get3A_1747 = vector.shape_cast %get3A_1746 : vector<16xi32> to vector<16xi32>
    %mul3A_1748 = arith.constant 512 : i32
    %mul3A_1749 = vector.broadcast %mul3A_1748 : i32 to vector<16xi32>
    %mul3A_1750 = arith.muli %get3A_1747, %mul3A_1749 : vector<16xi32>
    %add3A_1751 = vector.broadcast %mul3A_338 : i32 to vector<16xi32>
    %add3A_1752 = arith.addi %add3A_1751, %mul3A_1750 : vector<16xi32>
    %get3A_1753 = arith.constant 1472 : index
    %get3A_1754 = tpu.vector_load %arg6[%get3A_1753] {strides = array<i32>} : memref<3072xi32, #tpu.memory_space<vmem>>, vector<16xi32>,
    %get3A_1755 = vector.shape_cast %get3A_1754 : vector<16xi32> to vector<16xi32>
    %add3A_1756 = arith.addi %add3A_1752, %get3A_1755 : vector<16xi32>
    %swap3A_1757 = arith.constant 704 : index
    %swap3A_1758 = tpu.vector_load %arg7[%swap3A_1757] {strides = array<i32>} : memref<768xi32, #tpu.memory_space<vmem>>, vector<16xi32>,
    %swap3A_1759 = vector.shape_cast %swap3A_1758 : vector<16xi32> to vector<16xi32>
    %swap3A_1760 = vector.shape_cast %add3A_1756 : vector<16xi32> to vector<16xi32>
    tpu.vector_store %arg7[%swap3A_1757], %swap3A_1760 {strides = array<i32>} : memref<768xi32, #tpu.memory_space<vmem>>, vector<16xi32>,
    %get3A_1761 = arith.constant 2240 : index
    %get3A_1762 = tpu.vector_load %arg6[%get3A_1761] {strides = array<i32>} : memref<3072xi32, #tpu.memory_space<vmem>>, vector<16xi32>,
    %get3A_1763 = vector.shape_cast %get3A_1762 : vector<16xi32> to vector<16xi32>
    %mul3A_1764 = arith.constant 512 : i32
    %mul3A_1765 = vector.broadcast %mul3A_1764 : i32 to vector<16xi32>
    %mul3A_1766 = arith.muli %get3A_1763, %mul3A_1765 : vector<16xi32>
    %add3A_1767 = vector.broadcast %mul3A_338 : i32 to vector<16xi32>
    %add3A_1768 = arith.addi %add3A_1767, %mul3A_1766 : vector<16xi32>
    %get3A_1769 = arith.constant 3008 : index
    %get3A_1770 = tpu.vector_load %arg6[%get3A_1769] {strides = array<i32>} : memref<3072xi32, #tpu.memory_space<vmem>>, vector<16xi32>,
    %get3A_1771 = vector.shape_cast %get3A_1770 : vector<16xi32> to vector<16xi32>
    %add3A_1772 = arith.addi %add3A_1768, %get3A_1771 : vector<16xi32>
    %swap3A_1773 = arith.constant 704 : index
    %swap3A_1774 = tpu.vector_load %arg8[%swap3A_1773] {strides = array<i32>} : memref<768xi32, #tpu.memory_space<vmem>>, vector<16xi32>,
    %swap3A_1775 = vector.shape_cast %swap3A_1774 : vector<16xi32> to vector<16xi32>
    %swap3A_1776 = vector.shape_cast %add3A_1772 : vector<16xi32> to vector<16xi32>
    tpu.vector_store %arg8[%swap3A_1773], %swap3A_1776 {strides = array<i32>} : memref<768xi32, #tpu.memory_space<vmem>>, vector<16xi32>,
    %get3A_1777 = arith.constant 720 : index
    %get3A_1778 = tpu.vector_load %arg6[%get3A_1777] {strides = array<i32>} : memref<3072xi32, #tpu.memory_space<vmem>>, vector<16xi32>,
    %get3A_1779 = vector.shape_cast %get3A_1778 : vector<16xi32> to vector<16xi32>
    %mul3A_1780 = arith.constant 512 : i32
    %mul3A_1781 = vector.broadcast %mul3A_1780 : i32 to vector<16xi32>
    %mul3A_1782 = arith.muli %get3A_1779, %mul3A_1781 : vector<16xi32>
    %add3A_1783 = vector.broadcast %mul3A_338 : i32 to vector<16xi32>
    %add3A_1784 = arith.addi %add3A_1783, %mul3A_1782 : vector<16xi32>
    %get3A_1785 = arith.constant 1488 : index
    %get3A_1786 = tpu.vector_load %arg6[%get3A_1785] {strides = array<i32>} : memref<3072xi32, #tpu.memory_space<vmem>>, vector<16xi32>,
    %get3A_1787 = vector.shape_cast %get3A_1786 : vector<16xi32> to vector<16xi32>
    %add3A_1788 = arith.addi %add3A_1784, %get3A_1787 : vector<16xi32>
    %swap3A_1789 = arith.constant 720 : index
    %swap3A_1790 = tpu.vector_load %arg7[%swap3A_1789] {strides = array<i32>} : memref<768xi32, #tpu.memory_space<vmem>>, vector<16xi32>,
    %swap3A_1791 = vector.shape_cast %swap3A_1790 : vector<16xi32> to vector<16xi32>
    %swap3A_1792 = vector.shape_cast %add3A_1788 : vector<16xi32> to vector<16xi32>
    tpu.vector_store %arg7[%swap3A_1789], %swap3A_1792 {strides = array<i32>} : memref<768xi32, #tpu.memory_space<vmem>>, vector<16xi32>,
    %get3A_1793 = arith.constant 2256 : index
    %get3A_1794 = tpu.vector_load %arg6[%get3A_1793] {strides = array<i32>} : memref<3072xi32, #tpu.memory_space<vmem>>, vector<16xi32>,
    %get3A_1795 = vector.shape_cast %get3A_1794 : vector<16xi32> to vector<16xi32>
    %mul3A_1796 = arith.constant 512 : i32
    %mul3A_1797 = vector.broadcast %mul3A_1796 : i32 to vector<16xi32>
    %mul3A_1798 = arith.muli %get3A_1795, %mul3A_1797 : vector<16xi32>
    %add3A_1799 = vector.broadcast %mul3A_338 : i32 to vector<16xi32>
    %add3A_1800 = arith.addi %add3A_1799, %mul3A_1798 : vector<16xi32>
    %get3A_1801 = arith.constant 3024 : index
    %get3A_1802 = tpu.vector_load %arg6[%get3A_1801] {strides = array<i32>} : memref<3072xi32, #tpu.memory_space<vmem>>, vector<16xi32>,
    %get3A_1803 = vector.shape_cast %get3A_1802 : vector<16xi32> to vector<16xi32>
    %add3A_1804 = arith.addi %add3A_1800, %get3A_1803 : vector<16xi32>
    %swap3A_1805 = arith.constant 720 : index
    %swap3A_1806 = tpu.vector_load %arg8[%swap3A_1805] {strides = array<i32>} : memref<768xi32, #tpu.memory_space<vmem>>, vector<16xi32>,
    %swap3A_1807 = vector.shape_cast %swap3A_1806 : vector<16xi32> to vector<16xi32>
    %swap3A_1808 = vector.shape_cast %add3A_1804 : vector<16xi32> to vector<16xi32>
    tpu.vector_store %arg8[%swap3A_1805], %swap3A_1808 {strides = array<i32>} : memref<768xi32, #tpu.memory_space<vmem>>, vector<16xi32>,
    %get3A_1809 = arith.constant 736 : index
    %get3A_1810 = tpu.vector_load %arg6[%get3A_1809] {strides = array<i32>} : memref<3072xi32, #tpu.memory_space<vmem>>, vector<16xi32>,
    %get3A_1811 = vector.shape_cast %get3A_1810 : vector<16xi32> to vector<16xi32>
    %mul3A_1812 = arith.constant 512 : i32
    %mul3A_1813 = vector.broadcast %mul3A_1812 : i32 to vector<16xi32>
    %mul3A_1814 = arith.muli %get3A_1811, %mul3A_1813 : vector<16xi32>
    %add3A_1815 = vector.broadcast %mul3A_338 : i32 to vector<16xi32>
    %add3A_1816 = arith.addi %add3A_1815, %mul3A_1814 : vector<16xi32>
    %get3A_1817 = arith.constant 1504 : index
    %get3A_1818 = tpu.vector_load %arg6[%get3A_1817] {strides = array<i32>} : memref<3072xi32, #tpu.memory_space<vmem>>, vector<16xi32>,
    %get3A_1819 = vector.shape_cast %get3A_1818 : vector<16xi32> to vector<16xi32>
    %add3A_1820 = arith.addi %add3A_1816, %get3A_1819 : vector<16xi32>
    %swap3A_1821 = arith.constant 736 : index
    %swap3A_1822 = tpu.vector_load %arg7[%swap3A_1821] {strides = array<i32>} : memref<768xi32, #tpu.memory_space<vmem>>, vector<16xi32>,
    %swap3A_1823 = vector.shape_cast %swap3A_1822 : vector<16xi32> to vector<16xi32>
    %swap3A_1824 = vector.shape_cast %add3A_1820 : vector<16xi32> to vector<16xi32>
    tpu.vector_store %arg7[%swap3A_1821], %swap3A_1824 {strides = array<i32>} : memref<768xi32, #tpu.memory_space<vmem>>, vector<16xi32>,
    %get3A_1825 = arith.constant 2272 : index
    %get3A_1826 = tpu.vector_load %arg6[%get3A_1825] {strides = array<i32>} : memref<3072xi32, #tpu.memory_space<vmem>>, vector<16xi32>,
    %get3A_1827 = vector.shape_cast %get3A_1826 : vector<16xi32> to vector<16xi32>
    %mul3A_1828 = arith.constant 512 : i32
    %mul3A_1829 = vector.broadcast %mul3A_1828 : i32 to vector<16xi32>
    %mul3A_1830 = arith.muli %get3A_1827, %mul3A_1829 : vector<16xi32>
    %add3A_1831 = vector.broadcast %mul3A_338 : i32 to vector<16xi32>
    %add3A_1832 = arith.addi %add3A_1831, %mul3A_1830 : vector<16xi32>
    %get3A_1833 = arith.constant 3040 : index
    %get3A_1834 = tpu.vector_load %arg6[%get3A_1833] {strides = array<i32>} : memref<3072xi32, #tpu.memory_space<vmem>>, vector<16xi32>,
    %get3A_1835 = vector.shape_cast %get3A_1834 : vector<16xi32> to vector<16xi32>
    %add3A_1836 = arith.addi %add3A_1832, %get3A_1835 : vector<16xi32>
    %swap3A_1837 = arith.constant 736 : index
    %swap3A_1838 = tpu.vector_load %arg8[%swap3A_1837] {strides = array<i32>} : memref<768xi32, #tpu.memory_space<vmem>>, vector<16xi32>,
    %swap3A_1839 = vector.shape_cast %swap3A_1838 : vector<16xi32> to vector<16xi32>
    %swap3A_1840 = vector.shape_cast %add3A_1836 : vector<16xi32> to vector<16xi32>
    tpu.vector_store %arg8[%swap3A_1837], %swap3A_1840 {strides = array<i32>} : memref<768xi32, #tpu.memory_space<vmem>>, vector<16xi32>,
    %get3A_1841 = arith.constant 752 : index
    %get3A_1842 = tpu.vector_load %arg6[%get3A_1841] {strides = array<i32>} : memref<3072xi32, #tpu.memory_space<vmem>>, vector<16xi32>,
    %get3A_1843 = vector.shape_cast %get3A_1842 : vector<16xi32> to vector<16xi32>
    %mul3A_1844 = arith.constant 512 : i32
    %mul3A_1845 = vector.broadcast %mul3A_1844 : i32 to vector<16xi32>
    %mul3A_1846 = arith.muli %get3A_1843, %mul3A_1845 : vector<16xi32>
    %add3A_1847 = vector.broadcast %mul3A_338 : i32 to vector<16xi32>
    %add3A_1848 = arith.addi %add3A_1847, %mul3A_1846 : vector<16xi32>
    %get3A_1849 = arith.constant 1520 : index
    %get3A_1850 = tpu.vector_load %arg6[%get3A_1849] {strides = array<i32>} : memref<3072xi32, #tpu.memory_space<vmem>>, vector<16xi32>,
    %get3A_1851 = vector.shape_cast %get3A_1850 : vector<16xi32> to vector<16xi32>
    %add3A_1852 = arith.addi %add3A_1848, %get3A_1851 : vector<16xi32>
    %swap3A_1853 = arith.constant 752 : index
    %swap3A_1854 = tpu.vector_load %arg7[%swap3A_1853] {strides = array<i32>} : memref<768xi32, #tpu.memory_space<vmem>>, vector<16xi32>,
    %swap3A_1855 = vector.shape_cast %swap3A_1854 : vector<16xi32> to vector<16xi32>
    %swap3A_1856 = vector.shape_cast %add3A_1852 : vector<16xi32> to vector<16xi32>
    tpu.vector_store %arg7[%swap3A_1853], %swap3A_1856 {strides = array<i32>} : memref<768xi32, #tpu.memory_space<vmem>>, vector<16xi32>,
    %get3A_1857 = arith.constant 2288 : index
    %get3A_1858 = tpu.vector_load %arg6[%get3A_1857] {strides = array<i32>} : memref<3072xi32, #tpu.memory_space<vmem>>, vector<16xi32>,
    %get3A_1859 = vector.shape_cast %get3A_1858 : vector<16xi32> to vector<16xi32>
    %mul3A_1860 = arith.constant 512 : i32
    %mul3A_1861 = vector.broadcast %mul3A_1860 : i32 to vector<16xi32>
    %mul3A_1862 = arith.muli %get3A_1859, %mul3A_1861 : vector<16xi32>
    %add3A_1863 = vector.broadcast %mul3A_338 : i32 to vector<16xi32>
    %add3A_1864 = arith.addi %add3A_1863, %mul3A_1862 : vector<16xi32>
    %get3A_1865 = arith.constant 3056 : index
    %get3A_1866 = tpu.vector_load %arg6[%get3A_1865] {strides = array<i32>} : memref<3072xi32, #tpu.memory_space<vmem>>, vector<16xi32>,
    %get3A_1867 = vector.shape_cast %get3A_1866 : vector<16xi32> to vector<16xi32>
    %add3A_1868 = arith.addi %add3A_1864, %get3A_1867 : vector<16xi32>
    %swap3A_1869 = arith.constant 752 : index
    %swap3A_1870 = tpu.vector_load %arg8[%swap3A_1869] {strides = array<i32>} : memref<768xi32, #tpu.memory_space<vmem>>, vector<16xi32>,
    %swap3A_1871 = vector.shape_cast %swap3A_1870 : vector<16xi32> to vector<16xi32>
    %swap3A_1872 = vector.shape_cast %add3A_1868 : vector<16xi32> to vector<16xi32>
    tpu.vector_store %arg8[%swap3A_1869], %swap3A_1872 {strides = array<i32>} : memref<768xi32, #tpu.memory_space<vmem>>, vector<16xi32>,
    %dma_start3A_1873 = arith.constant 0 : i32
    %dma_start3A_1874 = tpu.memref_slice %arg9[%dma_start3A_1873] : memref<768xf32, #tpu.memory_space<vmem>> -> memref<128xf32, #tpu.memory_space<vmem>>
    %dma_start3A_1875 = arith.constant 0 : i32
    %dma_start3A_1876 = tpu.memref_slice %arg7[%dma_start3A_1875] : memref<768xi32, #tpu.memory_space<vmem>> -> memref<128xi32, #tpu.memory_space<vmem>>
    %dma_start3A_1877 = arith.constant 0 : i32
    %dma_start3A_1878 = tpu.memref_slice %arg2[%dma_start3A_1877] : memref<1048576xf32, #tpu.memory_space<hbm>> -> memref<1048576xf32, #tpu.memory_space<hbm>>
    tpu.enqueue_indirect_dma source(%dma_start3A_1878 : memref<1048576xf32, #tpu.memory_space<hbm>>) target(%dma_start3A_1874 : memref<128xf32, #tpu.memory_space<vmem>>) offsets(%dma_start3A_1876 : memref<128xi32, #tpu.memory_space<vmem>>) semaphore(%arg12 : memref<!tpu.dma_semaphore, #tpu.memory_space<semaphore_mem>>)
    %dma_start3A_1879 = arith.constant 0 : i32
    %dma_start3A_1880 = tpu.memref_slice %arg10[%dma_start3A_1879] : memref<768xf32, #tpu.memory_space<vmem>> -> memref<128xf32, #tpu.memory_space<vmem>>
    %dma_start3A_1881 = arith.constant 0 : i32
    %dma_start3A_1882 = tpu.memref_slice %arg8[%dma_start3A_1881] : memref<768xi32, #tpu.memory_space<vmem>> -> memref<128xi32, #tpu.memory_space<vmem>>
    %dma_start3A_1883 = arith.constant 0 : i32
    %dma_start3A_1884 = tpu.memref_slice %arg3[%dma_start3A_1883] : memref<1048576xf32, #tpu.memory_space<hbm>> -> memref<1048576xf32, #tpu.memory_space<hbm>>
    tpu.enqueue_indirect_dma source(%dma_start3A_1884 : memref<1048576xf32, #tpu.memory_space<hbm>>) target(%dma_start3A_1880 : memref<128xf32, #tpu.memory_space<vmem>>) offsets(%dma_start3A_1882 : memref<128xi32, #tpu.memory_space<vmem>>) semaphore(%arg12 : memref<!tpu.dma_semaphore, #tpu.memory_space<semaphore_mem>>)
    %dma_start3A_1885 = arith.constant 128 : i32
    %dma_start3A_1886 = tpu.memref_slice %arg9[%dma_start3A_1885] : memref<768xf32, #tpu.memory_space<vmem>> -> memref<128xf32, #tpu.memory_space<vmem>>
    %dma_start3A_1887 = arith.constant 128 : i32
    %dma_start3A_1888 = tpu.memref_slice %arg7[%dma_start3A_1887] : memref<768xi32, #tpu.memory_space<vmem>> -> memref<128xi32, #tpu.memory_space<vmem>>
    %dma_start3A_1889 = arith.constant 0 : i32
    %dma_start3A_1890 = tpu.memref_slice %arg2[%dma_start3A_1889] : memref<1048576xf32, #tpu.memory_space<hbm>> -> memref<1048576xf32, #tpu.memory_space<hbm>>
    tpu.enqueue_indirect_dma source(%dma_start3A_1890 : memref<1048576xf32, #tpu.memory_space<hbm>>) target(%dma_start3A_1886 : memref<128xf32, #tpu.memory_space<vmem>>) offsets(%dma_start3A_1888 : memref<128xi32, #tpu.memory_space<vmem>>) semaphore(%arg12 : memref<!tpu.dma_semaphore, #tpu.memory_space<semaphore_mem>>)
    %dma_start3A_1891 = arith.constant 128 : i32
    %dma_start3A_1892 = tpu.memref_slice %arg10[%dma_start3A_1891] : memref<768xf32, #tpu.memory_space<vmem>> -> memref<128xf32, #tpu.memory_space<vmem>>
    %dma_start3A_1893 = arith.constant 128 : i32
    %dma_start3A_1894 = tpu.memref_slice %arg8[%dma_start3A_1893] : memref<768xi32, #tpu.memory_space<vmem>> -> memref<128xi32, #tpu.memory_space<vmem>>
    %dma_start3A_1895 = arith.constant 0 : i32
    %dma_start3A_1896 = tpu.memref_slice %arg3[%dma_start3A_1895] : memref<1048576xf32, #tpu.memory_space<hbm>> -> memref<1048576xf32, #tpu.memory_space<hbm>>
    tpu.enqueue_indirect_dma source(%dma_start3A_1896 : memref<1048576xf32, #tpu.memory_space<hbm>>) target(%dma_start3A_1892 : memref<128xf32, #tpu.memory_space<vmem>>) offsets(%dma_start3A_1894 : memref<128xi32, #tpu.memory_space<vmem>>) semaphore(%arg12 : memref<!tpu.dma_semaphore, #tpu.memory_space<semaphore_mem>>)
    %dma_start3A_1897 = arith.constant 256 : i32
    %dma_start3A_1898 = tpu.memref_slice %arg9[%dma_start3A_1897] : memref<768xf32, #tpu.memory_space<vmem>> -> memref<128xf32, #tpu.memory_space<vmem>>
    %dma_start3A_1899 = arith.constant 256 : i32
    %dma_start3A_1900 = tpu.memref_slice %arg7[%dma_start3A_1899] : memref<768xi32, #tpu.memory_space<vmem>> -> memref<128xi32, #tpu.memory_space<vmem>>
    %dma_start3A_1901 = arith.constant 0 : i32
    %dma_start3A_1902 = tpu.memref_slice %arg2[%dma_start3A_1901] : memref<1048576xf32, #tpu.memory_space<hbm>> -> memref<1048576xf32, #tpu.memory_space<hbm>>
    tpu.enqueue_indirect_dma source(%dma_start3A_1902 : memref<1048576xf32, #tpu.memory_space<hbm>>) target(%dma_start3A_1898 : memref<128xf32, #tpu.memory_space<vmem>>) offsets(%dma_start3A_1900 : memref<128xi32, #tpu.memory_space<vmem>>) semaphore(%arg12 : memref<!tpu.dma_semaphore, #tpu.memory_space<semaphore_mem>>)
    %dma_start3A_1903 = arith.constant 256 : i32
    %dma_start3A_1904 = tpu.memref_slice %arg10[%dma_start3A_1903] : memref<768xf32, #tpu.memory_space<vmem>> -> memref<128xf32, #tpu.memory_space<vmem>>
    %dma_start3A_1905 = arith.constant 256 : i32
    %dma_start3A_1906 = tpu.memref_slice %arg8[%dma_start3A_1905] : memref<768xi32, #tpu.memory_space<vmem>> -> memref<128xi32, #tpu.memory_space<vmem>>
    %dma_start3A_1907 = arith.constant 0 : i32
    %dma_start3A_1908 = tpu.memref_slice %arg3[%dma_start3A_1907] : memref<1048576xf32, #tpu.memory_space<hbm>> -> memref<1048576xf32, #tpu.memory_space<hbm>>
    tpu.enqueue_indirect_dma source(%dma_start3A_1908 : memref<1048576xf32, #tpu.memory_space<hbm>>) target(%dma_start3A_1904 : memref<128xf32, #tpu.memory_space<vmem>>) offsets(%dma_start3A_1906 : memref<128xi32, #tpu.memory_space<vmem>>) semaphore(%arg12 : memref<!tpu.dma_semaphore, #tpu.memory_space<semaphore_mem>>)
    %dma_start3A_1909 = arith.constant 384 : i32
    %dma_start3A_1910 = tpu.memref_slice %arg9[%dma_start3A_1909] : memref<768xf32, #tpu.memory_space<vmem>> -> memref<128xf32, #tpu.memory_space<vmem>>
    %dma_start3A_1911 = arith.constant 384 : i32
    %dma_start3A_1912 = tpu.memref_slice %arg7[%dma_start3A_1911] : memref<768xi32, #tpu.memory_space<vmem>> -> memref<128xi32, #tpu.memory_space<vmem>>
    %dma_start3A_1913 = arith.constant 0 : i32
    %dma_start3A_1914 = tpu.memref_slice %arg2[%dma_start3A_1913] : memref<1048576xf32, #tpu.memory_space<hbm>> -> memref<1048576xf32, #tpu.memory_space<hbm>>
    tpu.enqueue_indirect_dma source(%dma_start3A_1914 : memref<1048576xf32, #tpu.memory_space<hbm>>) target(%dma_start3A_1910 : memref<128xf32, #tpu.memory_space<vmem>>) offsets(%dma_start3A_1912 : memref<128xi32, #tpu.memory_space<vmem>>) semaphore(%arg12 : memref<!tpu.dma_semaphore, #tpu.memory_space<semaphore_mem>>)
    %dma_start3A_1915 = arith.constant 384 : i32
    %dma_start3A_1916 = tpu.memref_slice %arg10[%dma_start3A_1915] : memref<768xf32, #tpu.memory_space<vmem>> -> memref<128xf32, #tpu.memory_space<vmem>>
    %dma_start3A_1917 = arith.constant 384 : i32
    %dma_start3A_1918 = tpu.memref_slice %arg8[%dma_start3A_1917] : memref<768xi32, #tpu.memory_space<vmem>> -> memref<128xi32, #tpu.memory_space<vmem>>
    %dma_start3A_1919 = arith.constant 0 : i32
    %dma_start3A_1920 = tpu.memref_slice %arg3[%dma_start3A_1919] : memref<1048576xf32, #tpu.memory_space<hbm>> -> memref<1048576xf32, #tpu.memory_space<hbm>>
    tpu.enqueue_indirect_dma source(%dma_start3A_1920 : memref<1048576xf32, #tpu.memory_space<hbm>>) target(%dma_start3A_1916 : memref<128xf32, #tpu.memory_space<vmem>>) offsets(%dma_start3A_1918 : memref<128xi32, #tpu.memory_space<vmem>>) semaphore(%arg12 : memref<!tpu.dma_semaphore, #tpu.memory_space<semaphore_mem>>)
    %dma_start3A_1921 = arith.constant 512 : i32
    %dma_start3A_1922 = tpu.memref_slice %arg9[%dma_start3A_1921] : memref<768xf32, #tpu.memory_space<vmem>> -> memref<128xf32, #tpu.memory_space<vmem>>
    %dma_start3A_1923 = arith.constant 512 : i32
    %dma_start3A_1924 = tpu.memref_slice %arg7[%dma_start3A_1923] : memref<768xi32, #tpu.memory_space<vmem>> -> memref<128xi32, #tpu.memory_space<vmem>>
    %dma_start3A_1925 = arith.constant 0 : i32
    %dma_start3A_1926 = tpu.memref_slice %arg2[%dma_start3A_1925] : memref<1048576xf32, #tpu.memory_space<hbm>> -> memref<1048576xf32, #tpu.memory_space<hbm>>
    tpu.enqueue_indirect_dma source(%dma_start3A_1926 : memref<1048576xf32, #tpu.memory_space<hbm>>) target(%dma_start3A_1922 : memref<128xf32, #tpu.memory_space<vmem>>) offsets(%dma_start3A_1924 : memref<128xi32, #tpu.memory_space<vmem>>) semaphore(%arg12 : memref<!tpu.dma_semaphore, #tpu.memory_space<semaphore_mem>>)
    %dma_start3A_1927 = arith.constant 512 : i32
    %dma_start3A_1928 = tpu.memref_slice %arg10[%dma_start3A_1927] : memref<768xf32, #tpu.memory_space<vmem>> -> memref<128xf32, #tpu.memory_space<vmem>>
    %dma_start3A_1929 = arith.constant 512 : i32
    %dma_start3A_1930 = tpu.memref_slice %arg8[%dma_start3A_1929] : memref<768xi32, #tpu.memory_space<vmem>> -> memref<128xi32, #tpu.memory_space<vmem>>
    %dma_start3A_1931 = arith.constant 0 : i32
    %dma_start3A_1932 = tpu.memref_slice %arg3[%dma_start3A_1931] : memref<1048576xf32, #tpu.memory_space<hbm>> -> memref<1048576xf32, #tpu.memory_space<hbm>>
    tpu.enqueue_indirect_dma source(%dma_start3A_1932 : memref<1048576xf32, #tpu.memory_space<hbm>>) target(%dma_start3A_1928 : memref<128xf32, #tpu.memory_space<vmem>>) offsets(%dma_start3A_1930 : memref<128xi32, #tpu.memory_space<vmem>>) semaphore(%arg12 : memref<!tpu.dma_semaphore, #tpu.memory_space<semaphore_mem>>)
    %dma_start3A_1933 = arith.constant 640 : i32
    %dma_start3A_1934 = tpu.memref_slice %arg9[%dma_start3A_1933] : memref<768xf32, #tpu.memory_space<vmem>> -> memref<128xf32, #tpu.memory_space<vmem>>
    %dma_start3A_1935 = arith.constant 640 : i32
    %dma_start3A_1936 = tpu.memref_slice %arg7[%dma_start3A_1935] : memref<768xi32, #tpu.memory_space<vmem>> -> memref<128xi32, #tpu.memory_space<vmem>>
    %dma_start3A_1937 = arith.constant 0 : i32
    %dma_start3A_1938 = tpu.memref_slice %arg2[%dma_start3A_1937] : memref<1048576xf32, #tpu.memory_space<hbm>> -> memref<1048576xf32, #tpu.memory_space<hbm>>
    tpu.enqueue_indirect_dma source(%dma_start3A_1938 : memref<1048576xf32, #tpu.memory_space<hbm>>) target(%dma_start3A_1934 : memref<128xf32, #tpu.memory_space<vmem>>) offsets(%dma_start3A_1936 : memref<128xi32, #tpu.memory_space<vmem>>) semaphore(%arg12 : memref<!tpu.dma_semaphore, #tpu.memory_space<semaphore_mem>>)
    %dma_start3A_1939 = arith.constant 640 : i32
    %dma_start3A_1940 = tpu.memref_slice %arg10[%dma_start3A_1939] : memref<768xf32, #tpu.memory_space<vmem>> -> memref<128xf32, #tpu.memory_space<vmem>>
    %dma_start3A_1941 = arith.constant 640 : i32
    %dma_start3A_1942 = tpu.memref_slice %arg8[%dma_start3A_1941] : memref<768xi32, #tpu.memory_space<vmem>> -> memref<128xi32, #tpu.memory_space<vmem>>
    %dma_start3A_1943 = arith.constant 0 : i32
    %dma_start3A_1944 = tpu.memref_slice %arg3[%dma_start3A_1943] : memref<1048576xf32, #tpu.memory_space<hbm>> -> memref<1048576xf32, #tpu.memory_space<hbm>>
    tpu.enqueue_indirect_dma source(%dma_start3A_1944 : memref<1048576xf32, #tpu.memory_space<hbm>>) target(%dma_start3A_1940 : memref<128xf32, #tpu.memory_space<vmem>>) offsets(%dma_start3A_1942 : memref<128xi32, #tpu.memory_space<vmem>>) semaphore(%arg12 : memref<!tpu.dma_semaphore, #tpu.memory_space<semaphore_mem>>)
    %dma_wait3A_1945 = arith.constant 0 : i32
    %dma_wait3A_1946 = tpu.memref_slice %arg9[%dma_wait3A_1945] : memref<768xf32, #tpu.memory_space<vmem>> -> memref<128xf32, #tpu.memory_space<vmem>>
    %dma_wait3A_1947 = arith.constant 0 : i32
    %dma_wait3A_1948 = tpu.memref_slice %arg7[%dma_wait3A_1947] : memref<768xi32, #tpu.memory_space<vmem>> -> memref<128xi32, #tpu.memory_space<vmem>>
    %dma_wait3A_1949 = arith.constant 0 : i32
    %dma_wait3A_1950 = tpu.memref_slice %arg2[%dma_wait3A_1949] : memref<1048576xf32, #tpu.memory_space<hbm>> -> memref<1048576xf32, #tpu.memory_space<hbm>>
    tpu.wait_indirect_dma semaphore(%arg12 : memref<!tpu.dma_semaphore, #tpu.memory_space<semaphore_mem>>) src(%dma_wait3A_1950 : memref<1048576xf32, #tpu.memory_space<hbm>>) dst(%dma_wait3A_1946 : memref<128xf32, #tpu.memory_space<vmem>>)
    %dma_wait3A_1951 = arith.constant 0 : i32
    %dma_wait3A_1952 = tpu.memref_slice %arg10[%dma_wait3A_1951] : memref<768xf32, #tpu.memory_space<vmem>> -> memref<128xf32, #tpu.memory_space<vmem>>
    %dma_wait3A_1953 = arith.constant 0 : i32
    %dma_wait3A_1954 = tpu.memref_slice %arg8[%dma_wait3A_1953] : memref<768xi32, #tpu.memory_space<vmem>> -> memref<128xi32, #tpu.memory_space<vmem>>
    %dma_wait3A_1955 = arith.constant 0 : i32
    %dma_wait3A_1956 = tpu.memref_slice %arg3[%dma_wait3A_1955] : memref<1048576xf32, #tpu.memory_space<hbm>> -> memref<1048576xf32, #tpu.memory_space<hbm>>
    tpu.wait_indirect_dma semaphore(%arg12 : memref<!tpu.dma_semaphore, #tpu.memory_space<semaphore_mem>>) src(%dma_wait3A_1956 : memref<1048576xf32, #tpu.memory_space<hbm>>) dst(%dma_wait3A_1952 : memref<128xf32, #tpu.memory_space<vmem>>)
    %dma_wait3A_1957 = arith.constant 128 : i32
    %dma_wait3A_1958 = tpu.memref_slice %arg9[%dma_wait3A_1957] : memref<768xf32, #tpu.memory_space<vmem>> -> memref<128xf32, #tpu.memory_space<vmem>>
    %dma_wait3A_1959 = arith.constant 128 : i32
    %dma_wait3A_1960 = tpu.memref_slice %arg7[%dma_wait3A_1959] : memref<768xi32, #tpu.memory_space<vmem>> -> memref<128xi32, #tpu.memory_space<vmem>>
    %dma_wait3A_1961 = arith.constant 0 : i32
    %dma_wait3A_1962 = tpu.memref_slice %arg2[%dma_wait3A_1961] : memref<1048576xf32, #tpu.memory_space<hbm>> -> memref<1048576xf32, #tpu.memory_space<hbm>>
    tpu.wait_indirect_dma semaphore(%arg12 : memref<!tpu.dma_semaphore, #tpu.memory_space<semaphore_mem>>) src(%dma_wait3A_1962 : memref<1048576xf32, #tpu.memory_space<hbm>>) dst(%dma_wait3A_1958 : memref<128xf32, #tpu.memory_space<vmem>>)
    %dma_wait3A_1963 = arith.constant 128 : i32
    %dma_wait3A_1964 = tpu.memref_slice %arg10[%dma_wait3A_1963] : memref<768xf32, #tpu.memory_space<vmem>> -> memref<128xf32, #tpu.memory_space<vmem>>
    %dma_wait3A_1965 = arith.constant 128 : i32
    %dma_wait3A_1966 = tpu.memref_slice %arg8[%dma_wait3A_1965] : memref<768xi32, #tpu.memory_space<vmem>> -> memref<128xi32, #tpu.memory_space<vmem>>
    %dma_wait3A_1967 = arith.constant 0 : i32
    %dma_wait3A_1968 = tpu.memref_slice %arg3[%dma_wait3A_1967] : memref<1048576xf32, #tpu.memory_space<hbm>> -> memref<1048576xf32, #tpu.memory_space<hbm>>
    tpu.wait_indirect_dma semaphore(%arg12 : memref<!tpu.dma_semaphore, #tpu.memory_space<semaphore_mem>>) src(%dma_wait3A_1968 : memref<1048576xf32, #tpu.memory_space<hbm>>) dst(%dma_wait3A_1964 : memref<128xf32, #tpu.memory_space<vmem>>)
    %dma_wait3A_1969 = arith.constant 256 : i32
    %dma_wait3A_1970 = tpu.memref_slice %arg9[%dma_wait3A_1969] : memref<768xf32, #tpu.memory_space<vmem>> -> memref<128xf32, #tpu.memory_space<vmem>>
    %dma_wait3A_1971 = arith.constant 256 : i32
    %dma_wait3A_1972 = tpu.memref_slice %arg7[%dma_wait3A_1971] : memref<768xi32, #tpu.memory_space<vmem>> -> memref<128xi32, #tpu.memory_space<vmem>>
    %dma_wait3A_1973 = arith.constant 0 : i32
    %dma_wait3A_1974 = tpu.memref_slice %arg2[%dma_wait3A_1973] : memref<1048576xf32, #tpu.memory_space<hbm>> -> memref<1048576xf32, #tpu.memory_space<hbm>>
    tpu.wait_indirect_dma semaphore(%arg12 : memref<!tpu.dma_semaphore, #tpu.memory_space<semaphore_mem>>) src(%dma_wait3A_1974 : memref<1048576xf32, #tpu.memory_space<hbm>>) dst(%dma_wait3A_1970 : memref<128xf32, #tpu.memory_space<vmem>>)
    %dma_wait3A_1975 = arith.constant 256 : i32
    %dma_wait3A_1976 = tpu.memref_slice %arg10[%dma_wait3A_1975] : memref<768xf32, #tpu.memory_space<vmem>> -> memref<128xf32, #tpu.memory_space<vmem>>
    %dma_wait3A_1977 = arith.constant 256 : i32
    %dma_wait3A_1978 = tpu.memref_slice %arg8[%dma_wait3A_1977] : memref<768xi32, #tpu.memory_space<vmem>> -> memref<128xi32, #tpu.memory_space<vmem>>
    %dma_wait3A_1979 = arith.constant 0 : i32
    %dma_wait3A_1980 = tpu.memref_slice %arg3[%dma_wait3A_1979] : memref<1048576xf32, #tpu.memory_space<hbm>> -> memref<1048576xf32, #tpu.memory_space<hbm>>
    tpu.wait_indirect_dma semaphore(%arg12 : memref<!tpu.dma_semaphore, #tpu.memory_space<semaphore_mem>>) src(%dma_wait3A_1980 : memref<1048576xf32, #tpu.memory_space<hbm>>) dst(%dma_wait3A_1976 : memref<128xf32, #tpu.memory_space<vmem>>)
    %dma_wait3A_1981 = arith.constant 384 : i32
    %dma_wait3A_1982 = tpu.memref_slice %arg9[%dma_wait3A_1981] : memref<768xf32, #tpu.memory_space<vmem>> -> memref<128xf32, #tpu.memory_space<vmem>>
    %dma_wait3A_1983 = arith.constant 384 : i32
    %dma_wait3A_1984 = tpu.memref_slice %arg7[%dma_wait3A_1983] : memref<768xi32, #tpu.memory_space<vmem>> -> memref<128xi32, #tpu.memory_space<vmem>>
    %dma_wait3A_1985 = arith.constant 0 : i32
    %dma_wait3A_1986 = tpu.memref_slice %arg2[%dma_wait3A_1985] : memref<1048576xf32, #tpu.memory_space<hbm>> -> memref<1048576xf32, #tpu.memory_space<hbm>>
    tpu.wait_indirect_dma semaphore(%arg12 : memref<!tpu.dma_semaphore, #tpu.memory_space<semaphore_mem>>) src(%dma_wait3A_1986 : memref<1048576xf32, #tpu.memory_space<hbm>>) dst(%dma_wait3A_1982 : memref<128xf32, #tpu.memory_space<vmem>>)
    %dma_wait3A_1987 = arith.constant 384 : i32
    %dma_wait3A_1988 = tpu.memref_slice %arg10[%dma_wait3A_1987] : memref<768xf32, #tpu.memory_space<vmem>> -> memref<128xf32, #tpu.memory_space<vmem>>
    %dma_wait3A_1989 = arith.constant 384 : i32
    %dma_wait3A_1990 = tpu.memref_slice %arg8[%dma_wait3A_1989] : memref<768xi32, #tpu.memory_space<vmem>> -> memref<128xi32, #tpu.memory_space<vmem>>
    %dma_wait3A_1991 = arith.constant 0 : i32
    %dma_wait3A_1992 = tpu.memref_slice %arg3[%dma_wait3A_1991] : memref<1048576xf32, #tpu.memory_space<hbm>> -> memref<1048576xf32, #tpu.memory_space<hbm>>
    tpu.wait_indirect_dma semaphore(%arg12 : memref<!tpu.dma_semaphore, #tpu.memory_space<semaphore_mem>>) src(%dma_wait3A_1992 : memref<1048576xf32, #tpu.memory_space<hbm>>) dst(%dma_wait3A_1988 : memref<128xf32, #tpu.memory_space<vmem>>)
    %dma_wait3A_1993 = arith.constant 512 : i32
    %dma_wait3A_1994 = tpu.memref_slice %arg9[%dma_wait3A_1993] : memref<768xf32, #tpu.memory_space<vmem>> -> memref<128xf32, #tpu.memory_space<vmem>>
    %dma_wait3A_1995 = arith.constant 512 : i32
    %dma_wait3A_1996 = tpu.memref_slice %arg7[%dma_wait3A_1995] : memref<768xi32, #tpu.memory_space<vmem>> -> memref<128xi32, #tpu.memory_space<vmem>>
    %dma_wait3A_1997 = arith.constant 0 : i32
    %dma_wait3A_1998 = tpu.memref_slice %arg2[%dma_wait3A_1997] : memref<1048576xf32, #tpu.memory_space<hbm>> -> memref<1048576xf32, #tpu.memory_space<hbm>>
    tpu.wait_indirect_dma semaphore(%arg12 : memref<!tpu.dma_semaphore, #tpu.memory_space<semaphore_mem>>) src(%dma_wait3A_1998 : memref<1048576xf32, #tpu.memory_space<hbm>>) dst(%dma_wait3A_1994 : memref<128xf32, #tpu.memory_space<vmem>>)
    %dma_wait3A_1999 = arith.constant 512 : i32
    %dma_wait3A_2000 = tpu.memref_slice %arg10[%dma_wait3A_1999] : memref<768xf32, #tpu.memory_space<vmem>> -> memref<128xf32, #tpu.memory_space<vmem>>
    %dma_wait3A_2001 = arith.constant 512 : i32
    %dma_wait3A_2002 = tpu.memref_slice %arg8[%dma_wait3A_2001] : memref<768xi32, #tpu.memory_space<vmem>> -> memref<128xi32, #tpu.memory_space<vmem>>
    %dma_wait3A_2003 = arith.constant 0 : i32
    %dma_wait3A_2004 = tpu.memref_slice %arg3[%dma_wait3A_2003] : memref<1048576xf32, #tpu.memory_space<hbm>> -> memref<1048576xf32, #tpu.memory_space<hbm>>
    tpu.wait_indirect_dma semaphore(%arg12 : memref<!tpu.dma_semaphore, #tpu.memory_space<semaphore_mem>>) src(%dma_wait3A_2004 : memref<1048576xf32, #tpu.memory_space<hbm>>) dst(%dma_wait3A_2000 : memref<128xf32, #tpu.memory_space<vmem>>)
    %dma_wait3A_2005 = arith.constant 640 : i32
    %dma_wait3A_2006 = tpu.memref_slice %arg9[%dma_wait3A_2005] : memref<768xf32, #tpu.memory_space<vmem>> -> memref<128xf32, #tpu.memory_space<vmem>>
    %dma_wait3A_2007 = arith.constant 640 : i32
    %dma_wait3A_2008 = tpu.memref_slice %arg7[%dma_wait3A_2007] : memref<768xi32, #tpu.memory_space<vmem>> -> memref<128xi32, #tpu.memory_space<vmem>>
    %dma_wait3A_2009 = arith.constant 0 : i32
    %dma_wait3A_2010 = tpu.memref_slice %arg2[%dma_wait3A_2009] : memref<1048576xf32, #tpu.memory_space<hbm>> -> memref<1048576xf32, #tpu.memory_space<hbm>>
    tpu.wait_indirect_dma semaphore(%arg12 : memref<!tpu.dma_semaphore, #tpu.memory_space<semaphore_mem>>) src(%dma_wait3A_2010 : memref<1048576xf32, #tpu.memory_space<hbm>>) dst(%dma_wait3A_2006 : memref<128xf32, #tpu.memory_space<vmem>>)
    %dma_wait3A_2011 = arith.constant 640 : i32
    %dma_wait3A_2012 = tpu.memref_slice %arg10[%dma_wait3A_2011] : memref<768xf32, #tpu.memory_space<vmem>> -> memref<128xf32, #tpu.memory_space<vmem>>
    %dma_wait3A_2013 = arith.constant 640 : i32
    %dma_wait3A_2014 = tpu.memref_slice %arg8[%dma_wait3A_2013] : memref<768xi32, #tpu.memory_space<vmem>> -> memref<128xi32, #tpu.memory_space<vmem>>
    %dma_wait3A_2015 = arith.constant 0 : i32
    %dma_wait3A_2016 = tpu.memref_slice %arg3[%dma_wait3A_2015] : memref<1048576xf32, #tpu.memory_space<hbm>> -> memref<1048576xf32, #tpu.memory_space<hbm>>
    tpu.wait_indirect_dma semaphore(%arg12 : memref<!tpu.dma_semaphore, #tpu.memory_space<semaphore_mem>>) src(%dma_wait3A_2016 : memref<1048576xf32, #tpu.memory_space<hbm>>) dst(%dma_wait3A_2012 : memref<128xf32, #tpu.memory_space<vmem>>)
    %broadcast_in_dim3A = arith.constant 0.000000e+00 : f32
    %broadcast_in_dim3A_2017 = vector.broadcast %broadcast_in_dim3A : f32 to vector<16xf32>
    %get3A_2018 = arith.constant 0 : index
    %get3A_2019 = tpu.vector_load %arg9[%get3A_2018] {strides = array<i32>} : memref<768xf32, #tpu.memory_space<vmem>>, vector<16xf32>,
    %get3A_2020 = vector.shape_cast %get3A_2019 : vector<16xf32> to vector<16xf32>
    %get3A_2021 = arith.constant 0 : index
    %get3A_2022 = tpu.vector_load %arg10[%get3A_2021] {strides = array<i32>} : memref<768xf32, #tpu.memory_space<vmem>>, vector<16xf32>,
    %get3A_2023 = vector.shape_cast %get3A_2022 : vector<16xf32> to vector<16xf32>
    %sub3A_2024 = arith.subf %get3A_2020, %get3A_2023 : vector<16xf32>
    %mul3A_2025 = arith.mulf %sub3A_2024, %sub3A_2024 : vector<16xf32>
    %add3A_2026 = arith.addf %broadcast_in_dim3A_2017, %mul3A_2025 : vector<16xf32>
    %get3A_2027 = arith.constant 16 : index
    %get3A_2028 = tpu.vector_load %arg9[%get3A_2027] {strides = array<i32>} : memref<768xf32, #tpu.memory_space<vmem>>, vector<16xf32>,
    %get3A_2029 = vector.shape_cast %get3A_2028 : vector<16xf32> to vector<16xf32>
    %get3A_2030 = arith.constant 16 : index
    %get3A_2031 = tpu.vector_load %arg10[%get3A_2030] {strides = array<i32>} : memref<768xf32, #tpu.memory_space<vmem>>, vector<16xf32>,
    %get3A_2032 = vector.shape_cast %get3A_2031 : vector<16xf32> to vector<16xf32>
    %sub3A_2033 = arith.subf %get3A_2029, %get3A_2032 : vector<16xf32>
    %mul3A_2034 = arith.mulf %sub3A_2033, %sub3A_2033 : vector<16xf32>
    %add3A_2035 = arith.addf %add3A_2026, %mul3A_2034 : vector<16xf32>
    %get3A_2036 = arith.constant 32 : index
    %get3A_2037 = tpu.vector_load %arg9[%get3A_2036] {strides = array<i32>} : memref<768xf32, #tpu.memory_space<vmem>>, vector<16xf32>,
    %get3A_2038 = vector.shape_cast %get3A_2037 : vector<16xf32> to vector<16xf32>
    %get3A_2039 = arith.constant 32 : index
    %get3A_2040 = tpu.vector_load %arg10[%get3A_2039] {strides = array<i32>} : memref<768xf32, #tpu.memory_space<vmem>>, vector<16xf32>,
    %get3A_2041 = vector.shape_cast %get3A_2040 : vector<16xf32> to vector<16xf32>
    %sub3A_2042 = arith.subf %get3A_2038, %get3A_2041 : vector<16xf32>
    %mul3A_2043 = arith.mulf %sub3A_2042, %sub3A_2042 : vector<16xf32>
    %add3A_2044 = arith.addf %add3A_2035, %mul3A_2043 : vector<16xf32>
    %get3A_2045 = arith.constant 48 : index
    %get3A_2046 = tpu.vector_load %arg9[%get3A_2045] {strides = array<i32>} : memref<768xf32, #tpu.memory_space<vmem>>, vector<16xf32>,
    %get3A_2047 = vector.shape_cast %get3A_2046 : vector<16xf32> to vector<16xf32>
    %get3A_2048 = arith.constant 48 : index
    %get3A_2049 = tpu.vector_load %arg10[%get3A_2048] {strides = array<i32>} : memref<768xf32, #tpu.memory_space<vmem>>, vector<16xf32>,
    %get3A_2050 = vector.shape_cast %get3A_2049 : vector<16xf32> to vector<16xf32>
    %sub3A_2051 = arith.subf %get3A_2047, %get3A_2050 : vector<16xf32>
    %mul3A_2052 = arith.mulf %sub3A_2051, %sub3A_2051 : vector<16xf32>
    %add3A_2053 = arith.addf %add3A_2044, %mul3A_2052 : vector<16xf32>
    %get3A_2054 = arith.constant 64 : index
    %get3A_2055 = tpu.vector_load %arg9[%get3A_2054] {strides = array<i32>} : memref<768xf32, #tpu.memory_space<vmem>>, vector<16xf32>,
    %get3A_2056 = vector.shape_cast %get3A_2055 : vector<16xf32> to vector<16xf32>
    %get3A_2057 = arith.constant 64 : index
    %get3A_2058 = tpu.vector_load %arg10[%get3A_2057] {strides = array<i32>} : memref<768xf32, #tpu.memory_space<vmem>>, vector<16xf32>,
    %get3A_2059 = vector.shape_cast %get3A_2058 : vector<16xf32> to vector<16xf32>
    %sub3A_2060 = arith.subf %get3A_2056, %get3A_2059 : vector<16xf32>
    %mul3A_2061 = arith.mulf %sub3A_2060, %sub3A_2060 : vector<16xf32>
    %add3A_2062 = arith.addf %add3A_2053, %mul3A_2061 : vector<16xf32>
    %get3A_2063 = arith.constant 80 : index
    %get3A_2064 = tpu.vector_load %arg9[%get3A_2063] {strides = array<i32>} : memref<768xf32, #tpu.memory_space<vmem>>, vector<16xf32>,
    %get3A_2065 = vector.shape_cast %get3A_2064 : vector<16xf32> to vector<16xf32>
    %get3A_2066 = arith.constant 80 : index
    %get3A_2067 = tpu.vector_load %arg10[%get3A_2066] {strides = array<i32>} : memref<768xf32, #tpu.memory_space<vmem>>, vector<16xf32>,
    %get3A_2068 = vector.shape_cast %get3A_2067 : vector<16xf32> to vector<16xf32>
    %sub3A_2069 = arith.subf %get3A_2065, %get3A_2068 : vector<16xf32>
    %mul3A_2070 = arith.mulf %sub3A_2069, %sub3A_2069 : vector<16xf32>
    %add3A_2071 = arith.addf %add3A_2062, %mul3A_2070 : vector<16xf32>
    %get3A_2072 = arith.constant 96 : index
    %get3A_2073 = tpu.vector_load %arg9[%get3A_2072] {strides = array<i32>} : memref<768xf32, #tpu.memory_space<vmem>>, vector<16xf32>,
    %get3A_2074 = vector.shape_cast %get3A_2073 : vector<16xf32> to vector<16xf32>
    %get3A_2075 = arith.constant 96 : index
    %get3A_2076 = tpu.vector_load %arg10[%get3A_2075] {strides = array<i32>} : memref<768xf32, #tpu.memory_space<vmem>>, vector<16xf32>,
    %get3A_2077 = vector.shape_cast %get3A_2076 : vector<16xf32> to vector<16xf32>
    %sub3A_2078 = arith.subf %get3A_2074, %get3A_2077 : vector<16xf32>
    %mul3A_2079 = arith.mulf %sub3A_2078, %sub3A_2078 : vector<16xf32>
    %add3A_2080 = arith.addf %add3A_2071, %mul3A_2079 : vector<16xf32>
    %get3A_2081 = arith.constant 112 : index
    %get3A_2082 = tpu.vector_load %arg9[%get3A_2081] {strides = array<i32>} : memref<768xf32, #tpu.memory_space<vmem>>, vector<16xf32>,
    %get3A_2083 = vector.shape_cast %get3A_2082 : vector<16xf32> to vector<16xf32>
    %get3A_2084 = arith.constant 112 : index
    %get3A_2085 = tpu.vector_load %arg10[%get3A_2084] {strides = array<i32>} : memref<768xf32, #tpu.memory_space<vmem>>, vector<16xf32>,
    %get3A_2086 = vector.shape_cast %get3A_2085 : vector<16xf32> to vector<16xf32>
    %sub3A_2087 = arith.subf %get3A_2083, %get3A_2086 : vector<16xf32>
    %mul3A_2088 = arith.mulf %sub3A_2087, %sub3A_2087 : vector<16xf32>
    %add3A_2089 = arith.addf %add3A_2080, %mul3A_2088 : vector<16xf32>
    %get3A_2090 = arith.constant 128 : index
    %get3A_2091 = tpu.vector_load %arg9[%get3A_2090] {strides = array<i32>} : memref<768xf32, #tpu.memory_space<vmem>>, vector<16xf32>,
    %get3A_2092 = vector.shape_cast %get3A_2091 : vector<16xf32> to vector<16xf32>
    %get3A_2093 = arith.constant 128 : index
    %get3A_2094 = tpu.vector_load %arg10[%get3A_2093] {strides = array<i32>} : memref<768xf32, #tpu.memory_space<vmem>>, vector<16xf32>,
    %get3A_2095 = vector.shape_cast %get3A_2094 : vector<16xf32> to vector<16xf32>
    %sub3A_2096 = arith.subf %get3A_2092, %get3A_2095 : vector<16xf32>
    %mul3A_2097 = arith.mulf %sub3A_2096, %sub3A_2096 : vector<16xf32>
    %add3A_2098 = arith.addf %add3A_2089, %mul3A_2097 : vector<16xf32>
    %get3A_2099 = arith.constant 144 : index
    %get3A_2100 = tpu.vector_load %arg9[%get3A_2099] {strides = array<i32>} : memref<768xf32, #tpu.memory_space<vmem>>, vector<16xf32>,
    %get3A_2101 = vector.shape_cast %get3A_2100 : vector<16xf32> to vector<16xf32>
    %get3A_2102 = arith.constant 144 : index
    %get3A_2103 = tpu.vector_load %arg10[%get3A_2102] {strides = array<i32>} : memref<768xf32, #tpu.memory_space<vmem>>, vector<16xf32>,
    %get3A_2104 = vector.shape_cast %get3A_2103 : vector<16xf32> to vector<16xf32>
    %sub3A_2105 = arith.subf %get3A_2101, %get3A_2104 : vector<16xf32>
    %mul3A_2106 = arith.mulf %sub3A_2105, %sub3A_2105 : vector<16xf32>
    %add3A_2107 = arith.addf %add3A_2098, %mul3A_2106 : vector<16xf32>
    %get3A_2108 = arith.constant 160 : index
    %get3A_2109 = tpu.vector_load %arg9[%get3A_2108] {strides = array<i32>} : memref<768xf32, #tpu.memory_space<vmem>>, vector<16xf32>,
    %get3A_2110 = vector.shape_cast %get3A_2109 : vector<16xf32> to vector<16xf32>
    %get3A_2111 = arith.constant 160 : index
    %get3A_2112 = tpu.vector_load %arg10[%get3A_2111] {strides = array<i32>} : memref<768xf32, #tpu.memory_space<vmem>>, vector<16xf32>,
    %get3A_2113 = vector.shape_cast %get3A_2112 : vector<16xf32> to vector<16xf32>
    %sub3A_2114 = arith.subf %get3A_2110, %get3A_2113 : vector<16xf32>
    %mul3A_2115 = arith.mulf %sub3A_2114, %sub3A_2114 : vector<16xf32>
    %add3A_2116 = arith.addf %add3A_2107, %mul3A_2115 : vector<16xf32>
    %get3A_2117 = arith.constant 176 : index
    %get3A_2118 = tpu.vector_load %arg9[%get3A_2117] {strides = array<i32>} : memref<768xf32, #tpu.memory_space<vmem>>, vector<16xf32>,
    %get3A_2119 = vector.shape_cast %get3A_2118 : vector<16xf32> to vector<16xf32>
    %get3A_2120 = arith.constant 176 : index
    %get3A_2121 = tpu.vector_load %arg10[%get3A_2120] {strides = array<i32>} : memref<768xf32, #tpu.memory_space<vmem>>, vector<16xf32>,
    %get3A_2122 = vector.shape_cast %get3A_2121 : vector<16xf32> to vector<16xf32>
    %sub3A_2123 = arith.subf %get3A_2119, %get3A_2122 : vector<16xf32>
    %mul3A_2124 = arith.mulf %sub3A_2123, %sub3A_2123 : vector<16xf32>
    %add3A_2125 = arith.addf %add3A_2116, %mul3A_2124 : vector<16xf32>
    %get3A_2126 = arith.constant 192 : index
    %get3A_2127 = tpu.vector_load %arg9[%get3A_2126] {strides = array<i32>} : memref<768xf32, #tpu.memory_space<vmem>>, vector<16xf32>,
    %get3A_2128 = vector.shape_cast %get3A_2127 : vector<16xf32> to vector<16xf32>
    %get3A_2129 = arith.constant 192 : index
    %get3A_2130 = tpu.vector_load %arg10[%get3A_2129] {strides = array<i32>} : memref<768xf32, #tpu.memory_space<vmem>>, vector<16xf32>,
    %get3A_2131 = vector.shape_cast %get3A_2130 : vector<16xf32> to vector<16xf32>
    %sub3A_2132 = arith.subf %get3A_2128, %get3A_2131 : vector<16xf32>
    %mul3A_2133 = arith.mulf %sub3A_2132, %sub3A_2132 : vector<16xf32>
    %add3A_2134 = arith.addf %add3A_2125, %mul3A_2133 : vector<16xf32>
    %get3A_2135 = arith.constant 208 : index
    %get3A_2136 = tpu.vector_load %arg9[%get3A_2135] {strides = array<i32>} : memref<768xf32, #tpu.memory_space<vmem>>, vector<16xf32>,
    %get3A_2137 = vector.shape_cast %get3A_2136 : vector<16xf32> to vector<16xf32>
    %get3A_2138 = arith.constant 208 : index
    %get3A_2139 = tpu.vector_load %arg10[%get3A_2138] {strides = array<i32>} : memref<768xf32, #tpu.memory_space<vmem>>, vector<16xf32>,
    %get3A_2140 = vector.shape_cast %get3A_2139 : vector<16xf32> to vector<16xf32>
    %sub3A_2141 = arith.subf %get3A_2137, %get3A_2140 : vector<16xf32>
    %mul3A_2142 = arith.mulf %sub3A_2141, %sub3A_2141 : vector<16xf32>
    %add3A_2143 = arith.addf %add3A_2134, %mul3A_2142 : vector<16xf32>
    %get3A_2144 = arith.constant 224 : index
    %get3A_2145 = tpu.vector_load %arg9[%get3A_2144] {strides = array<i32>} : memref<768xf32, #tpu.memory_space<vmem>>, vector<16xf32>,
    %get3A_2146 = vector.shape_cast %get3A_2145 : vector<16xf32> to vector<16xf32>
    %get3A_2147 = arith.constant 224 : index
    %get3A_2148 = tpu.vector_load %arg10[%get3A_2147] {strides = array<i32>} : memref<768xf32, #tpu.memory_space<vmem>>, vector<16xf32>,
    %get3A_2149 = vector.shape_cast %get3A_2148 : vector<16xf32> to vector<16xf32>
    %sub3A_2150 = arith.subf %get3A_2146, %get3A_2149 : vector<16xf32>
    %mul3A_2151 = arith.mulf %sub3A_2150, %sub3A_2150 : vector<16xf32>
    %add3A_2152 = arith.addf %add3A_2143, %mul3A_2151 : vector<16xf32>
    %get3A_2153 = arith.constant 240 : index
    %get3A_2154 = tpu.vector_load %arg9[%get3A_2153] {strides = array<i32>} : memref<768xf32, #tpu.memory_space<vmem>>, vector<16xf32>,
    %get3A_2155 = vector.shape_cast %get3A_2154 : vector<16xf32> to vector<16xf32>
    %get3A_2156 = arith.constant 240 : index
    %get3A_2157 = tpu.vector_load %arg10[%get3A_2156] {strides = array<i32>} : memref<768xf32, #tpu.memory_space<vmem>>, vector<16xf32>,
    %get3A_2158 = vector.shape_cast %get3A_2157 : vector<16xf32> to vector<16xf32>
    %sub3A_2159 = arith.subf %get3A_2155, %get3A_2158 : vector<16xf32>
    %mul3A_2160 = arith.mulf %sub3A_2159, %sub3A_2159 : vector<16xf32>
    %add3A_2161 = arith.addf %add3A_2152, %mul3A_2160 : vector<16xf32>
    %get3A_2162 = arith.constant 256 : index
    %get3A_2163 = tpu.vector_load %arg9[%get3A_2162] {strides = array<i32>} : memref<768xf32, #tpu.memory_space<vmem>>, vector<16xf32>,
    %get3A_2164 = vector.shape_cast %get3A_2163 : vector<16xf32> to vector<16xf32>
    %get3A_2165 = arith.constant 256 : index
    %get3A_2166 = tpu.vector_load %arg10[%get3A_2165] {strides = array<i32>} : memref<768xf32, #tpu.memory_space<vmem>>, vector<16xf32>,
    %get3A_2167 = vector.shape_cast %get3A_2166 : vector<16xf32> to vector<16xf32>
    %sub3A_2168 = arith.subf %get3A_2164, %get3A_2167 : vector<16xf32>
    %mul3A_2169 = arith.mulf %sub3A_2168, %sub3A_2168 : vector<16xf32>
    %add3A_2170 = arith.addf %add3A_2161, %mul3A_2169 : vector<16xf32>
    %get3A_2171 = arith.constant 272 : index
    %get3A_2172 = tpu.vector_load %arg9[%get3A_2171] {strides = array<i32>} : memref<768xf32, #tpu.memory_space<vmem>>, vector<16xf32>,
    %get3A_2173 = vector.shape_cast %get3A_2172 : vector<16xf32> to vector<16xf32>
    %get3A_2174 = arith.constant 272 : index
    %get3A_2175 = tpu.vector_load %arg10[%get3A_2174] {strides = array<i32>} : memref<768xf32, #tpu.memory_space<vmem>>, vector<16xf32>,
    %get3A_2176 = vector.shape_cast %get3A_2175 : vector<16xf32> to vector<16xf32>
    %sub3A_2177 = arith.subf %get3A_2173, %get3A_2176 : vector<16xf32>
    %mul3A_2178 = arith.mulf %sub3A_2177, %sub3A_2177 : vector<16xf32>
    %add3A_2179 = arith.addf %add3A_2170, %mul3A_2178 : vector<16xf32>
    %get3A_2180 = arith.constant 288 : index
    %get3A_2181 = tpu.vector_load %arg9[%get3A_2180] {strides = array<i32>} : memref<768xf32, #tpu.memory_space<vmem>>, vector<16xf32>,
    %get3A_2182 = vector.shape_cast %get3A_2181 : vector<16xf32> to vector<16xf32>
    %get3A_2183 = arith.constant 288 : index
    %get3A_2184 = tpu.vector_load %arg10[%get3A_2183] {strides = array<i32>} : memref<768xf32, #tpu.memory_space<vmem>>, vector<16xf32>,
    %get3A_2185 = vector.shape_cast %get3A_2184 : vector<16xf32> to vector<16xf32>
    %sub3A_2186 = arith.subf %get3A_2182, %get3A_2185 : vector<16xf32>
    %mul3A_2187 = arith.mulf %sub3A_2186, %sub3A_2186 : vector<16xf32>
    %add3A_2188 = arith.addf %add3A_2179, %mul3A_2187 : vector<16xf32>
    %get3A_2189 = arith.constant 304 : index
    %get3A_2190 = tpu.vector_load %arg9[%get3A_2189] {strides = array<i32>} : memref<768xf32, #tpu.memory_space<vmem>>, vector<16xf32>,
    %get3A_2191 = vector.shape_cast %get3A_2190 : vector<16xf32> to vector<16xf32>
    %get3A_2192 = arith.constant 304 : index
    %get3A_2193 = tpu.vector_load %arg10[%get3A_2192] {strides = array<i32>} : memref<768xf32, #tpu.memory_space<vmem>>, vector<16xf32>,
    %get3A_2194 = vector.shape_cast %get3A_2193 : vector<16xf32> to vector<16xf32>
    %sub3A_2195 = arith.subf %get3A_2191, %get3A_2194 : vector<16xf32>
    %mul3A_2196 = arith.mulf %sub3A_2195, %sub3A_2195 : vector<16xf32>
    %add3A_2197 = arith.addf %add3A_2188, %mul3A_2196 : vector<16xf32>
    %get3A_2198 = arith.constant 320 : index
    %get3A_2199 = tpu.vector_load %arg9[%get3A_2198] {strides = array<i32>} : memref<768xf32, #tpu.memory_space<vmem>>, vector<16xf32>,
    %get3A_2200 = vector.shape_cast %get3A_2199 : vector<16xf32> to vector<16xf32>
    %get3A_2201 = arith.constant 320 : index
    %get3A_2202 = tpu.vector_load %arg10[%get3A_2201] {strides = array<i32>} : memref<768xf32, #tpu.memory_space<vmem>>, vector<16xf32>,
    %get3A_2203 = vector.shape_cast %get3A_2202 : vector<16xf32> to vector<16xf32>
    %sub3A_2204 = arith.subf %get3A_2200, %get3A_2203 : vector<16xf32>
    %mul3A_2205 = arith.mulf %sub3A_2204, %sub3A_2204 : vector<16xf32>
    %add3A_2206 = arith.addf %add3A_2197, %mul3A_2205 : vector<16xf32>
    %get3A_2207 = arith.constant 336 : index
    %get3A_2208 = tpu.vector_load %arg9[%get3A_2207] {strides = array<i32>} : memref<768xf32, #tpu.memory_space<vmem>>, vector<16xf32>,
    %get3A_2209 = vector.shape_cast %get3A_2208 : vector<16xf32> to vector<16xf32>
    %get3A_2210 = arith.constant 336 : index
    %get3A_2211 = tpu.vector_load %arg10[%get3A_2210] {strides = array<i32>} : memref<768xf32, #tpu.memory_space<vmem>>, vector<16xf32>,
    %get3A_2212 = vector.shape_cast %get3A_2211 : vector<16xf32> to vector<16xf32>
    %sub3A_2213 = arith.subf %get3A_2209, %get3A_2212 : vector<16xf32>
    %mul3A_2214 = arith.mulf %sub3A_2213, %sub3A_2213 : vector<16xf32>
    %add3A_2215 = arith.addf %add3A_2206, %mul3A_2214 : vector<16xf32>
    %get3A_2216 = arith.constant 352 : index
    %get3A_2217 = tpu.vector_load %arg9[%get3A_2216] {strides = array<i32>} : memref<768xf32, #tpu.memory_space<vmem>>, vector<16xf32>,
    %get3A_2218 = vector.shape_cast %get3A_2217 : vector<16xf32> to vector<16xf32>
    %get3A_2219 = arith.constant 352 : index
    %get3A_2220 = tpu.vector_load %arg10[%get3A_2219] {strides = array<i32>} : memref<768xf32, #tpu.memory_space<vmem>>, vector<16xf32>,
    %get3A_2221 = vector.shape_cast %get3A_2220 : vector<16xf32> to vector<16xf32>
    %sub3A_2222 = arith.subf %get3A_2218, %get3A_2221 : vector<16xf32>
    %mul3A_2223 = arith.mulf %sub3A_2222, %sub3A_2222 : vector<16xf32>
    %add3A_2224 = arith.addf %add3A_2215, %mul3A_2223 : vector<16xf32>
    %get3A_2225 = arith.constant 368 : index
    %get3A_2226 = tpu.vector_load %arg9[%get3A_2225] {strides = array<i32>} : memref<768xf32, #tpu.memory_space<vmem>>, vector<16xf32>,
    %get3A_2227 = vector.shape_cast %get3A_2226 : vector<16xf32> to vector<16xf32>
    %get3A_2228 = arith.constant 368 : index
    %get3A_2229 = tpu.vector_load %arg10[%get3A_2228] {strides = array<i32>} : memref<768xf32, #tpu.memory_space<vmem>>, vector<16xf32>,
    %get3A_2230 = vector.shape_cast %get3A_2229 : vector<16xf32> to vector<16xf32>
    %sub3A_2231 = arith.subf %get3A_2227, %get3A_2230 : vector<16xf32>
    %mul3A_2232 = arith.mulf %sub3A_2231, %sub3A_2231 : vector<16xf32>
    %add3A_2233 = arith.addf %add3A_2224, %mul3A_2232 : vector<16xf32>
    %get3A_2234 = arith.constant 384 : index
    %get3A_2235 = tpu.vector_load %arg9[%get3A_2234] {strides = array<i32>} : memref<768xf32, #tpu.memory_space<vmem>>, vector<16xf32>,
    %get3A_2236 = vector.shape_cast %get3A_2235 : vector<16xf32> to vector<16xf32>
    %get3A_2237 = arith.constant 384 : index
    %get3A_2238 = tpu.vector_load %arg10[%get3A_2237] {strides = array<i32>} : memref<768xf32, #tpu.memory_space<vmem>>, vector<16xf32>,
    %get3A_2239 = vector.shape_cast %get3A_2238 : vector<16xf32> to vector<16xf32>
    %sub3A_2240 = arith.subf %get3A_2236, %get3A_2239 : vector<16xf32>
    %mul3A_2241 = arith.mulf %sub3A_2240, %sub3A_2240 : vector<16xf32>
    %add3A_2242 = arith.addf %add3A_2233, %mul3A_2241 : vector<16xf32>
    %get3A_2243 = arith.constant 400 : index
    %get3A_2244 = tpu.vector_load %arg9[%get3A_2243] {strides = array<i32>} : memref<768xf32, #tpu.memory_space<vmem>>, vector<16xf32>,
    %get3A_2245 = vector.shape_cast %get3A_2244 : vector<16xf32> to vector<16xf32>
    %get3A_2246 = arith.constant 400 : index
    %get3A_2247 = tpu.vector_load %arg10[%get3A_2246] {strides = array<i32>} : memref<768xf32, #tpu.memory_space<vmem>>, vector<16xf32>,
    %get3A_2248 = vector.shape_cast %get3A_2247 : vector<16xf32> to vector<16xf32>
    %sub3A_2249 = arith.subf %get3A_2245, %get3A_2248 : vector<16xf32>
    %mul3A_2250 = arith.mulf %sub3A_2249, %sub3A_2249 : vector<16xf32>
    %add3A_2251 = arith.addf %add3A_2242, %mul3A_2250 : vector<16xf32>
    %get3A_2252 = arith.constant 416 : index
    %get3A_2253 = tpu.vector_load %arg9[%get3A_2252] {strides = array<i32>} : memref<768xf32, #tpu.memory_space<vmem>>, vector<16xf32>,
    %get3A_2254 = vector.shape_cast %get3A_2253 : vector<16xf32> to vector<16xf32>
    %get3A_2255 = arith.constant 416 : index
    %get3A_2256 = tpu.vector_load %arg10[%get3A_2255] {strides = array<i32>} : memref<768xf32, #tpu.memory_space<vmem>>, vector<16xf32>,
    %get3A_2257 = vector.shape_cast %get3A_2256 : vector<16xf32> to vector<16xf32>
    %sub3A_2258 = arith.subf %get3A_2254, %get3A_2257 : vector<16xf32>
    %mul3A_2259 = arith.mulf %sub3A_2258, %sub3A_2258 : vector<16xf32>
    %add3A_2260 = arith.addf %add3A_2251, %mul3A_2259 : vector<16xf32>
    %get3A_2261 = arith.constant 432 : index
    %get3A_2262 = tpu.vector_load %arg9[%get3A_2261] {strides = array<i32>} : memref<768xf32, #tpu.memory_space<vmem>>, vector<16xf32>,
    %get3A_2263 = vector.shape_cast %get3A_2262 : vector<16xf32> to vector<16xf32>
    %get3A_2264 = arith.constant 432 : index
    %get3A_2265 = tpu.vector_load %arg10[%get3A_2264] {strides = array<i32>} : memref<768xf32, #tpu.memory_space<vmem>>, vector<16xf32>,
    %get3A_2266 = vector.shape_cast %get3A_2265 : vector<16xf32> to vector<16xf32>
    %sub3A_2267 = arith.subf %get3A_2263, %get3A_2266 : vector<16xf32>
    %mul3A_2268 = arith.mulf %sub3A_2267, %sub3A_2267 : vector<16xf32>
    %add3A_2269 = arith.addf %add3A_2260, %mul3A_2268 : vector<16xf32>
    %get3A_2270 = arith.constant 448 : index
    %get3A_2271 = tpu.vector_load %arg9[%get3A_2270] {strides = array<i32>} : memref<768xf32, #tpu.memory_space<vmem>>, vector<16xf32>,
    %get3A_2272 = vector.shape_cast %get3A_2271 : vector<16xf32> to vector<16xf32>
    %get3A_2273 = arith.constant 448 : index
    %get3A_2274 = tpu.vector_load %arg10[%get3A_2273] {strides = array<i32>} : memref<768xf32, #tpu.memory_space<vmem>>, vector<16xf32>,
    %get3A_2275 = vector.shape_cast %get3A_2274 : vector<16xf32> to vector<16xf32>
    %sub3A_2276 = arith.subf %get3A_2272, %get3A_2275 : vector<16xf32>
    %mul3A_2277 = arith.mulf %sub3A_2276, %sub3A_2276 : vector<16xf32>
    %add3A_2278 = arith.addf %add3A_2269, %mul3A_2277 : vector<16xf32>
    %get3A_2279 = arith.constant 464 : index
    %get3A_2280 = tpu.vector_load %arg9[%get3A_2279] {strides = array<i32>} : memref<768xf32, #tpu.memory_space<vmem>>, vector<16xf32>,
    %get3A_2281 = vector.shape_cast %get3A_2280 : vector<16xf32> to vector<16xf32>
    %get3A_2282 = arith.constant 464 : index
    %get3A_2283 = tpu.vector_load %arg10[%get3A_2282] {strides = array<i32>} : memref<768xf32, #tpu.memory_space<vmem>>, vector<16xf32>,
    %get3A_2284 = vector.shape_cast %get3A_2283 : vector<16xf32> to vector<16xf32>
    %sub3A_2285 = arith.subf %get3A_2281, %get3A_2284 : vector<16xf32>
    %mul3A_2286 = arith.mulf %sub3A_2285, %sub3A_2285 : vector<16xf32>
    %add3A_2287 = arith.addf %add3A_2278, %mul3A_2286 : vector<16xf32>
    %get3A_2288 = arith.constant 480 : index
    %get3A_2289 = tpu.vector_load %arg9[%get3A_2288] {strides = array<i32>} : memref<768xf32, #tpu.memory_space<vmem>>, vector<16xf32>,
    %get3A_2290 = vector.shape_cast %get3A_2289 : vector<16xf32> to vector<16xf32>
    %get3A_2291 = arith.constant 480 : index
    %get3A_2292 = tpu.vector_load %arg10[%get3A_2291] {strides = array<i32>} : memref<768xf32, #tpu.memory_space<vmem>>, vector<16xf32>,
    %get3A_2293 = vector.shape_cast %get3A_2292 : vector<16xf32> to vector<16xf32>
    %sub3A_2294 = arith.subf %get3A_2290, %get3A_2293 : vector<16xf32>
    %mul3A_2295 = arith.mulf %sub3A_2294, %sub3A_2294 : vector<16xf32>
    %add3A_2296 = arith.addf %add3A_2287, %mul3A_2295 : vector<16xf32>
    %get3A_2297 = arith.constant 496 : index
    %get3A_2298 = tpu.vector_load %arg9[%get3A_2297] {strides = array<i32>} : memref<768xf32, #tpu.memory_space<vmem>>, vector<16xf32>,
    %get3A_2299 = vector.shape_cast %get3A_2298 : vector<16xf32> to vector<16xf32>
    %get3A_2300 = arith.constant 496 : index
    %get3A_2301 = tpu.vector_load %arg10[%get3A_2300] {strides = array<i32>} : memref<768xf32, #tpu.memory_space<vmem>>, vector<16xf32>,
    %get3A_2302 = vector.shape_cast %get3A_2301 : vector<16xf32> to vector<16xf32>
    %sub3A_2303 = arith.subf %get3A_2299, %get3A_2302 : vector<16xf32>
    %mul3A_2304 = arith.mulf %sub3A_2303, %sub3A_2303 : vector<16xf32>
    %add3A_2305 = arith.addf %add3A_2296, %mul3A_2304 : vector<16xf32>
    %broadcast_in_dim3A_2306 = arith.constant 0.000000e+00 : f32
    %broadcast_in_dim3A_2307 = vector.broadcast %broadcast_in_dim3A_2306 : f32 to vector<16xf32>
    %get3A_2308 = arith.constant 512 : index
    %get3A_2309 = tpu.vector_load %arg9[%get3A_2308] {strides = array<i32>} : memref<768xf32, #tpu.memory_space<vmem>>, vector<16xf32>,
    %get3A_2310 = vector.shape_cast %get3A_2309 : vector<16xf32> to vector<16xf32>
    %get3A_2311 = arith.constant 640 : index
    %get3A_2312 = tpu.vector_load %arg9[%get3A_2311] {strides = array<i32>} : memref<768xf32, #tpu.memory_space<vmem>>, vector<16xf32>,
    %get3A_2313 = vector.shape_cast %get3A_2312 : vector<16xf32> to vector<16xf32>
    %sub3A_2314 = arith.subf %get3A_2310, %get3A_2313 : vector<16xf32>
    %get3A_2315 = arith.constant 512 : index
    %get3A_2316 = tpu.vector_load %arg10[%get3A_2315] {strides = array<i32>} : memref<768xf32, #tpu.memory_space<vmem>>, vector<16xf32>,
    %get3A_2317 = vector.shape_cast %get3A_2316 : vector<16xf32> to vector<16xf32>
    %get3A_2318 = arith.constant 640 : index
    %get3A_2319 = tpu.vector_load %arg10[%get3A_2318] {strides = array<i32>} : memref<768xf32, #tpu.memory_space<vmem>>, vector<16xf32>,
    %get3A_2320 = vector.shape_cast %get3A_2319 : vector<16xf32> to vector<16xf32>
    %sub3A_2321 = arith.subf %get3A_2317, %get3A_2320 : vector<16xf32>
    %mul3A_2322 = arith.mulf %sub3A_2314, %sub3A_2314 : vector<16xf32>
    %add3A_2323 = arith.addf %broadcast_in_dim3A_2307, %mul3A_2322 : vector<16xf32>
    %mul3A_2324 = arith.mulf %sub3A_2321, %sub3A_2321 : vector<16xf32>
    %add3A_2325 = arith.addf %add3A_2323, %mul3A_2324 : vector<16xf32>
    %get3A_2326 = arith.constant 528 : index
    %get3A_2327 = tpu.vector_load %arg9[%get3A_2326] {strides = array<i32>} : memref<768xf32, #tpu.memory_space<vmem>>, vector<16xf32>,
    %get3A_2328 = vector.shape_cast %get3A_2327 : vector<16xf32> to vector<16xf32>
    %get3A_2329 = arith.constant 656 : index
    %get3A_2330 = tpu.vector_load %arg9[%get3A_2329] {strides = array<i32>} : memref<768xf32, #tpu.memory_space<vmem>>, vector<16xf32>,
    %get3A_2331 = vector.shape_cast %get3A_2330 : vector<16xf32> to vector<16xf32>
    %sub3A_2332 = arith.subf %get3A_2328, %get3A_2331 : vector<16xf32>
    %get3A_2333 = arith.constant 528 : index
    %get3A_2334 = tpu.vector_load %arg10[%get3A_2333] {strides = array<i32>} : memref<768xf32, #tpu.memory_space<vmem>>, vector<16xf32>,
    %get3A_2335 = vector.shape_cast %get3A_2334 : vector<16xf32> to vector<16xf32>
    %get3A_2336 = arith.constant 656 : index
    %get3A_2337 = tpu.vector_load %arg10[%get3A_2336] {strides = array<i32>} : memref<768xf32, #tpu.memory_space<vmem>>, vector<16xf32>,
    %get3A_2338 = vector.shape_cast %get3A_2337 : vector<16xf32> to vector<16xf32>
    %sub3A_2339 = arith.subf %get3A_2335, %get3A_2338 : vector<16xf32>
    %mul3A_2340 = arith.mulf %sub3A_2332, %sub3A_2332 : vector<16xf32>
    %add3A_2341 = arith.addf %add3A_2325, %mul3A_2340 : vector<16xf32>
    %mul3A_2342 = arith.mulf %sub3A_2339, %sub3A_2339 : vector<16xf32>
    %add3A_2343 = arith.addf %add3A_2341, %mul3A_2342 : vector<16xf32>
    %get3A_2344 = arith.constant 544 : index
    %get3A_2345 = tpu.vector_load %arg9[%get3A_2344] {strides = array<i32>} : memref<768xf32, #tpu.memory_space<vmem>>, vector<16xf32>,
    %get3A_2346 = vector.shape_cast %get3A_2345 : vector<16xf32> to vector<16xf32>
    %get3A_2347 = arith.constant 672 : index
    %get3A_2348 = tpu.vector_load %arg9[%get3A_2347] {strides = array<i32>} : memref<768xf32, #tpu.memory_space<vmem>>, vector<16xf32>,
    %get3A_2349 = vector.shape_cast %get3A_2348 : vector<16xf32> to vector<16xf32>
    %sub3A_2350 = arith.subf %get3A_2346, %get3A_2349 : vector<16xf32>
    %get3A_2351 = arith.constant 544 : index
    %get3A_2352 = tpu.vector_load %arg10[%get3A_2351] {strides = array<i32>} : memref<768xf32, #tpu.memory_space<vmem>>, vector<16xf32>,
    %get3A_2353 = vector.shape_cast %get3A_2352 : vector<16xf32> to vector<16xf32>
    %get3A_2354 = arith.constant 672 : index
    %get3A_2355 = tpu.vector_load %arg10[%get3A_2354] {strides = array<i32>} : memref<768xf32, #tpu.memory_space<vmem>>, vector<16xf32>,
    %get3A_2356 = vector.shape_cast %get3A_2355 : vector<16xf32> to vector<16xf32>
    %sub3A_2357 = arith.subf %get3A_2353, %get3A_2356 : vector<16xf32>
    %mul3A_2358 = arith.mulf %sub3A_2350, %sub3A_2350 : vector<16xf32>
    %add3A_2359 = arith.addf %add3A_2343, %mul3A_2358 : vector<16xf32>
    %mul3A_2360 = arith.mulf %sub3A_2357, %sub3A_2357 : vector<16xf32>
    %add3A_2361 = arith.addf %add3A_2359, %mul3A_2360 : vector<16xf32>
    %get3A_2362 = arith.constant 560 : index
    %get3A_2363 = tpu.vector_load %arg9[%get3A_2362] {strides = array<i32>} : memref<768xf32, #tpu.memory_space<vmem>>, vector<16xf32>,
    %get3A_2364 = vector.shape_cast %get3A_2363 : vector<16xf32> to vector<16xf32>
    %get3A_2365 = arith.constant 688 : index
    %get3A_2366 = tpu.vector_load %arg9[%get3A_2365] {strides = array<i32>} : memref<768xf32, #tpu.memory_space<vmem>>, vector<16xf32>,
    %get3A_2367 = vector.shape_cast %get3A_2366 : vector<16xf32> to vector<16xf32>
    %sub3A_2368 = arith.subf %get3A_2364, %get3A_2367 : vector<16xf32>
    %get3A_2369 = arith.constant 560 : index
    %get3A_2370 = tpu.vector_load %arg10[%get3A_2369] {strides = array<i32>} : memref<768xf32, #tpu.memory_space<vmem>>, vector<16xf32>,
    %get3A_2371 = vector.shape_cast %get3A_2370 : vector<16xf32> to vector<16xf32>
    %get3A_2372 = arith.constant 688 : index
    %get3A_2373 = tpu.vector_load %arg10[%get3A_2372] {strides = array<i32>} : memref<768xf32, #tpu.memory_space<vmem>>, vector<16xf32>,
    %get3A_2374 = vector.shape_cast %get3A_2373 : vector<16xf32> to vector<16xf32>
    %sub3A_2375 = arith.subf %get3A_2371, %get3A_2374 : vector<16xf32>
    %mul3A_2376 = arith.mulf %sub3A_2368, %sub3A_2368 : vector<16xf32>
    %add3A_2377 = arith.addf %add3A_2361, %mul3A_2376 : vector<16xf32>
    %mul3A_2378 = arith.mulf %sub3A_2375, %sub3A_2375 : vector<16xf32>
    %add3A_2379 = arith.addf %add3A_2377, %mul3A_2378 : vector<16xf32>
    %get3A_2380 = arith.constant 576 : index
    %get3A_2381 = tpu.vector_load %arg9[%get3A_2380] {strides = array<i32>} : memref<768xf32, #tpu.memory_space<vmem>>, vector<16xf32>,
    %get3A_2382 = vector.shape_cast %get3A_2381 : vector<16xf32> to vector<16xf32>
    %get3A_2383 = arith.constant 704 : index
    %get3A_2384 = tpu.vector_load %arg9[%get3A_2383] {strides = array<i32>} : memref<768xf32, #tpu.memory_space<vmem>>, vector<16xf32>,
    %get3A_2385 = vector.shape_cast %get3A_2384 : vector<16xf32> to vector<16xf32>
    %sub3A_2386 = arith.subf %get3A_2382, %get3A_2385 : vector<16xf32>
    %get3A_2387 = arith.constant 576 : index
    %get3A_2388 = tpu.vector_load %arg10[%get3A_2387] {strides = array<i32>} : memref<768xf32, #tpu.memory_space<vmem>>, vector<16xf32>,
    %get3A_2389 = vector.shape_cast %get3A_2388 : vector<16xf32> to vector<16xf32>
    %get3A_2390 = arith.constant 704 : index
    %get3A_2391 = tpu.vector_load %arg10[%get3A_2390] {strides = array<i32>} : memref<768xf32, #tpu.memory_space<vmem>>, vector<16xf32>,
    %get3A_2392 = vector.shape_cast %get3A_2391 : vector<16xf32> to vector<16xf32>
    %sub3A_2393 = arith.subf %get3A_2389, %get3A_2392 : vector<16xf32>
    %mul3A_2394 = arith.mulf %sub3A_2386, %sub3A_2386 : vector<16xf32>
    %add3A_2395 = arith.addf %add3A_2379, %mul3A_2394 : vector<16xf32>
    %mul3A_2396 = arith.mulf %sub3A_2393, %sub3A_2393 : vector<16xf32>
    %add3A_2397 = arith.addf %add3A_2395, %mul3A_2396 : vector<16xf32>
    %get3A_2398 = arith.constant 592 : index
    %get3A_2399 = tpu.vector_load %arg9[%get3A_2398] {strides = array<i32>} : memref<768xf32, #tpu.memory_space<vmem>>, vector<16xf32>,
    %get3A_2400 = vector.shape_cast %get3A_2399 : vector<16xf32> to vector<16xf32>
    %get3A_2401 = arith.constant 720 : index
    %get3A_2402 = tpu.vector_load %arg9[%get3A_2401] {strides = array<i32>} : memref<768xf32, #tpu.memory_space<vmem>>, vector<16xf32>,
    %get3A_2403 = vector.shape_cast %get3A_2402 : vector<16xf32> to vector<16xf32>
    %sub3A_2404 = arith.subf %get3A_2400, %get3A_2403 : vector<16xf32>
    %get3A_2405 = arith.constant 592 : index
    %get3A_2406 = tpu.vector_load %arg10[%get3A_2405] {strides = array<i32>} : memref<768xf32, #tpu.memory_space<vmem>>, vector<16xf32>,
    %get3A_2407 = vector.shape_cast %get3A_2406 : vector<16xf32> to vector<16xf32>
    %get3A_2408 = arith.constant 720 : index
    %get3A_2409 = tpu.vector_load %arg10[%get3A_2408] {strides = array<i32>} : memref<768xf32, #tpu.memory_space<vmem>>, vector<16xf32>,
    %get3A_2410 = vector.shape_cast %get3A_2409 : vector<16xf32> to vector<16xf32>
    %sub3A_2411 = arith.subf %get3A_2407, %get3A_2410 : vector<16xf32>
    %mul3A_2412 = arith.mulf %sub3A_2404, %sub3A_2404 : vector<16xf32>
    %add3A_2413 = arith.addf %add3A_2397, %mul3A_2412 : vector<16xf32>
    %mul3A_2414 = arith.mulf %sub3A_2411, %sub3A_2411 : vector<16xf32>
    %add3A_2415 = arith.addf %add3A_2413, %mul3A_2414 : vector<16xf32>
    %get3A_2416 = arith.constant 608 : index
    %get3A_2417 = tpu.vector_load %arg9[%get3A_2416] {strides = array<i32>} : memref<768xf32, #tpu.memory_space<vmem>>, vector<16xf32>,
    %get3A_2418 = vector.shape_cast %get3A_2417 : vector<16xf32> to vector<16xf32>
    %get3A_2419 = arith.constant 736 : index
    %get3A_2420 = tpu.vector_load %arg9[%get3A_2419] {strides = array<i32>} : memref<768xf32, #tpu.memory_space<vmem>>, vector<16xf32>,
    %get3A_2421 = vector.shape_cast %get3A_2420 : vector<16xf32> to vector<16xf32>
    %sub3A_2422 = arith.subf %get3A_2418, %get3A_2421 : vector<16xf32>
    %get3A_2423 = arith.constant 608 : index
    %get3A_2424 = tpu.vector_load %arg10[%get3A_2423] {strides = array<i32>} : memref<768xf32, #tpu.memory_space<vmem>>, vector<16xf32>,
    %get3A_2425 = vector.shape_cast %get3A_2424 : vector<16xf32> to vector<16xf32>
    %get3A_2426 = arith.constant 736 : index
    %get3A_2427 = tpu.vector_load %arg10[%get3A_2426] {strides = array<i32>} : memref<768xf32, #tpu.memory_space<vmem>>, vector<16xf32>,
    %get3A_2428 = vector.shape_cast %get3A_2427 : vector<16xf32> to vector<16xf32>
    %sub3A_2429 = arith.subf %get3A_2425, %get3A_2428 : vector<16xf32>
    %mul3A_2430 = arith.mulf %sub3A_2422, %sub3A_2422 : vector<16xf32>
    %add3A_2431 = arith.addf %add3A_2415, %mul3A_2430 : vector<16xf32>
    %mul3A_2432 = arith.mulf %sub3A_2429, %sub3A_2429 : vector<16xf32>
    %add3A_2433 = arith.addf %add3A_2431, %mul3A_2432 : vector<16xf32>
    %get3A_2434 = arith.constant 624 : index
    %get3A_2435 = tpu.vector_load %arg9[%get3A_2434] {strides = array<i32>} : memref<768xf32, #tpu.memory_space<vmem>>, vector<16xf32>,
    %get3A_2436 = vector.shape_cast %get3A_2435 : vector<16xf32> to vector<16xf32>
    %get3A_2437 = arith.constant 752 : index
    %get3A_2438 = tpu.vector_load %arg9[%get3A_2437] {strides = array<i32>} : memref<768xf32, #tpu.memory_space<vmem>>, vector<16xf32>,
    %get3A_2439 = vector.shape_cast %get3A_2438 : vector<16xf32> to vector<16xf32>
    %sub3A_2440 = arith.subf %get3A_2436, %get3A_2439 : vector<16xf32>
    %get3A_2441 = arith.constant 624 : index
    %get3A_2442 = tpu.vector_load %arg10[%get3A_2441] {strides = array<i32>} : memref<768xf32, #tpu.memory_space<vmem>>, vector<16xf32>,
    %get3A_2443 = vector.shape_cast %get3A_2442 : vector<16xf32> to vector<16xf32>
    %get3A_2444 = arith.constant 752 : index
    %get3A_2445 = tpu.vector_load %arg10[%get3A_2444] {strides = array<i32>} : memref<768xf32, #tpu.memory_space<vmem>>, vector<16xf32>,
    %get3A_2446 = vector.shape_cast %get3A_2445 : vector<16xf32> to vector<16xf32>
    %sub3A_2447 = arith.subf %get3A_2443, %get3A_2446 : vector<16xf32>
    %mul3A_2448 = arith.mulf %sub3A_2440, %sub3A_2440 : vector<16xf32>
    %add3A_2449 = arith.addf %add3A_2433, %mul3A_2448 : vector<16xf32>
    %mul3A_2450 = arith.mulf %sub3A_2447, %sub3A_2447 : vector<16xf32>
    %add3A_2451 = arith.addf %add3A_2449, %mul3A_2450 : vector<16xf32>
    %mul3A_2452 = arith.constant 2.000000e+00 : f32
    %mul3A_2453 = vector.broadcast %mul3A_2452 : f32 to vector<16xf32>
    %mul3A_2454 = arith.mulf %add3A_2305, %mul3A_2453 : vector<16xf32>
    %add3A_2455 = arith.addf %mul3A_2454, %add3A_2451 : vector<16xf32>
    %mul3A_2456 = arith.constant 2.500000e-01 : f32
    %mul3A_2457 = vector.broadcast %mul3A_2456 : f32 to vector<16xf32>
    %mul3A_2458 = arith.mulf %add3A_2455, %mul3A_2457 : vector<16xf32>
    %swap3A_2459 = arith.constant 0 : index
    %swap3A_2460 = tpu.vector_load %arg11[%swap3A_2459] {strides = array<i32>} : memref<16xf32, #tpu.memory_space<vmem>>, vector<16xf32>,
    %swap3A_2461 = vector.shape_cast %swap3A_2460 : vector<16xf32> to vector<16xf32>
    %swap3A_2462 = vector.shape_cast %mul3A_2458 : vector<16xf32> to vector<16xf32>
    tpu.vector_store %arg11[%swap3A_2459], %swap3A_2462 {strides = array<i32>} : memref<16xf32, #tpu.memory_space<vmem>>, vector<16xf32>,
    "tpu.region"() ({
      %run_scoped3A = tpu.sem_alloc : memref<!tpu.dma_semaphore, #tpu.memory_space<semaphore_mem>>
      %dma_start3A_2463 = arith.constant 0 : i32
      %dma_start3A_2464 = tpu.memref_slice %arg5[%add3A, %dma_start3A_2463] : memref<32x16xf32, #tpu.memory_space<hbm>> -> memref<1x16xf32, #tpu.memory_space<hbm>>
      %dma_start3A_2465 = tpu.memref_squeeze %dma_start3A_2464 : memref<1x16xf32, #tpu.memory_space<hbm>> -> memref<16xf32, #tpu.memory_space<hbm>>
      %dma_start3A_2466 = arith.constant 0 : i32
      %dma_start3A_2467 = tpu.memref_slice %arg5[%add3A, %dma_start3A_2466] : memref<32x16xf32, #tpu.memory_space<hbm>> -> memref<1x16xf32, #tpu.memory_space<hbm>>
      %dma_start3A_2468 = tpu.memref_squeeze %dma_start3A_2467 : memref<1x16xf32, #tpu.memory_space<hbm>> -> memref<16xf32, #tpu.memory_space<hbm>>
      tpu.enqueue_dma source(%arg11 : memref<16xf32, #tpu.memory_space<vmem>>) target(%dma_start3A_2468 : memref<16xf32, #tpu.memory_space<hbm>>) target_semaphore(%run_scoped3A : memref<!tpu.dma_semaphore, #tpu.memory_space<semaphore_mem>>)
      %dma_wait3A_2469 = arith.constant 0 : i32
      %dma_wait3A_2470 = tpu.memref_slice %arg5[%add3A, %dma_wait3A_2469] : memref<32x16xf32, #tpu.memory_space<hbm>> -> memref<1x16xf32, #tpu.memory_space<hbm>>
      %dma_wait3A_2471 = tpu.memref_squeeze %dma_wait3A_2470 : memref<1x16xf32, #tpu.memory_space<hbm>> -> memref<16xf32, #tpu.memory_space<hbm>>
      %dma_wait3A_2472 = arith.constant 0 : i32
      %dma_wait3A_2473 = tpu.memref_slice %arg5[%add3A, %dma_wait3A_2472] : memref<32x16xf32, #tpu.memory_space<hbm>> -> memref<1x16xf32, #tpu.memory_space<hbm>>
      %dma_wait3A_2474 = tpu.memref_squeeze %dma_wait3A_2473 : memref<1x16xf32, #tpu.memory_space<hbm>> -> memref<16xf32, #tpu.memory_space<hbm>>
      tpu.wait_dma2 semaphore(%run_scoped3A : memref<!tpu.dma_semaphore, #tpu.memory_space<semaphore_mem>>) src(%arg11 : memref<16xf32, #tpu.memory_space<vmem>>) dst(%dma_wait3A_2474 : memref<16xf32, #tpu.memory_space<hbm>>)
      tpu.yield
    }) : () -> ()
    return
  }
}

</mosaic_0001>

<sc_bundles>
// kernel: kernel.3.cloned.1.call-start
scs
__scs_entry_jumppad:
0x0: {  	(pc) =	sbr.rel $0x88, $3  }
0x1: {  	(tag) =	ssettag $0x0;
	lr =	simm.s32 $0x1  }
0x2: {  	[smem:$0x3F97] =	sst lr;
	_ =	strace $0xD0000000  }
0x3: {  	_ = 	snop  }
0x4: {  	_ = 	snop  }
0x5: {  	_ = 	snop  }
0x6: {  	_ = 	snop  }
0x7: {  	_ = 	snop  }
__scs_overlays_trampoline_lowered:
0x8: {  	[smem:$0x3FA6] =	sst s0  }
0x9: {  	[smem:$0x3FA7] =	sst s1  }
0xa: {  	[smem:$0x3FA8] =	sst s2  }
0xb: {  	[smem:$0x3FA9] =	sst s3  }
0xc: {  	[smem:$0x3FAA] =	sst s4  }
0xd: {  	[smem:$0x3FAB] =	sst s5  }
0xe: {  	[smem:$0x3FAC] =	sst s6  }
0xf: {  	[smem:$0x3FAD] =	sst s7  }
0x10: {  	[smem:$0x3FAE] =	sst s8  }
0x11: {  	[smem:$0x3FAF] =	sst s9;
	s0 =	simm.s32 @!p0 $0x0  }
0x12: {  	s1 =	sld [smem:$0x3F95];
	s0 =	simm.s32 @p0 $0x1  }
0x13: {  	[smem:$0x3FB0] =	sst s0;
	s0 =	simm.s32 @!p1 $0x0  }
0x14: {  	s2 =	sld [smem:$0x3F94];
	s0 =	simm.s32 @p1 $0x1  }
0x15: {  	[smem:$0x3FB1] =	sst s0;
	s0 =	simm.s32 @!p2 $0x0  }
0x16: {  	s3 =	sld [smem:$0x3FDB];
	s0 =	simm.s32 @p2 $0x1  }
0x17: {  	s4 =	simm.s32 $0x1BF5;
	[smem:$0x3FB3] =	sst s0  }
0x18: {  	s0 =	sld [smem:$0x3F96];
	_ =	swait.ge [sflag:s4], $0x0  }
0x19: {  	s7 =	sld [smem:$0x3F97]  }
0x1a: {  	s8 =	sadd.s32 $0xFFFFE003, lr  }
0x1b: {  	s9 =	sadd.s32 $0xFFFFFEF7, lr;
	s5 =	simm.s32 $0xFFFFFFFF;
	p2 =	slt.u32 s8, $0xFFFFF086  }
0x1c: {  	p1 =	slt.u32 s9, $0xF7A;
	s5 =	simm.s32 @!p2 $0x0  }
0x1d: {  	s5 =	simm.s32 @p1 $0x1;
	p0 =	seq.s32 s7, s2  }
0x1e: {  	s7 =	smul.u32 @!p0 $0xF7A, s2;
	p2 =	seq.s32 @!p0 s5, $0x0  }
0x1f: {  	s9 =	smul.u32 $0xF7A, s1;
	s8 =	simm.s32 @!p0 $0x1BF5;
	p2 =	por !p2, p0  }
0x20: {  	[sflag:s8] =	ssyncset.s32 @!p0 $0xFFFFF086;
	s6 =	sadd.s32 @!p0 s3, s7;
	s7 =	simm.s32 @!p0 $0x108  }
0x21: {  	s3 =	sadd.s32 s3, s9;
	s6 =	sadd.s32 @!p0 $0x88, s6;
	s7 =	simm.s32 @p2 $0x1082  }
0x22: {  	[simem:s7], [sflag:s8] =	dma.local @!p0 [hbm:s6], $0xF7A  }
0x23: {  	s9 =	sor.u32 $0xD0000000, s2;
	s6 =	simm.s32 $0x108;
	_ =	swait.ge @!p0 [sflag:s8], $0x0  }
0x24: {  	s3 =	sadd.s32 $0x88, s3;
	s6 =	simm.s32 @!p1 $0x1082;
	[sflag:s4] =	ssyncset.s32 $0xFFFFF086  }
0x25: {  	[simem:s6], [sflag:s4] =	dma.local [hbm:s3], $0xF7A  }
0x26: {  	[smem:$0x3F97] =	sst s1;
	(tag) =	ssettag s2;
	_ =	strace s9  }
0x27: {  	s1 =	sld [smem:$0x3FA7]  }
0x28: {  	s2 =	sld [smem:$0x3FA8]  }
0x29: {  	s4 =	sld [smem:$0x3FAA]  }
0x2a: {  	p0 =	seq.s32 s5, $0x0;
	s5 =	sld [smem:$0x3FAB]  }
0x2b: {  	s6 =	sld [smem:$0x3FAC]  }
0x2c: {  	s7 =	sld [smem:$0x3FAD]  }
0x2d: {  	s3 =	simm.s32 $0x108;
	s8 =	sld [smem:$0x3FAE]  }
0x2e: {  	s3 =	simm.s32 @!p0 $0x1082;
	s9 =	sld [smem:$0x3FAF]  }
0x2f: {  	lr =	sadd.s32 s0, s3;
	s0 =	sld [smem:$0x3FA6]  }
0x30: {  	s3 =	sld [smem:$0x3FA9]  }
0x31: {  	[smem:$0x3FB2] =	sst s10  }
0x32: {  	s10 =	sld [smem:$0x3FB0];
	_ =	sdelay $0x3  }
0x33: {  	p0 =	seq.s32 s10, $0x1;
	s10 =	sld [smem:$0x3FB2];
	_ =	sdelay $0x3  }
0x34: {  	[smem:$0x3FB2] =	sst s10  }
0x35: {  	s10 =	sld [smem:$0x3FB1];
	_ =	sdelay $0x3  }
0x36: {  	p1 =	seq.s32 s10, $0x1;
	s10 =	sld [smem:$0x3FB2];
	_ =	sdelay $0x3  }
0x37: {  	[smem:$0x3FB2] =	sst s10  }
0x38: {  	s10 =	sld [smem:$0x3FB3]  }
0x39: {  	_ = 	snop;
	(pc) =	sbr.ind lr, $3  }
0x3a: {  	_ = 	snop  }
0x3b: {  	_ = 	snop  }
0x3c: {  	p2 =	seq.s32 s10, $0x1;
	s10 =	sld [smem:$0x3FB2]  }
0x3d: {  	_ =	shalt  }
0x3e: {  	_ =	shalt  }
0x3f: {  	_ =	shalt  }
0x40: {  	_ =	shalt  }
0x41: {  	_ =	shalt  }
0x42: {  	_ =	shalt  }
0x43: {  	_ =	shalt  }
0x44: {  	_ =	shalt  }
0x45: {  	_ =	shalt  }
0x46: {  	_ =	shalt  }
0x47: {  	_ =	shalt  }
0x48: {  	_ =	shalt  }
0x49: {  	_ =	shalt  }
0x4a: {  	_ =	shalt  }
0x4b: {  	_ =	shalt  }
0x4c: {  	_ =	shalt  }
0x4d: {  	_ =	shalt  }
0x4e: {  	_ =	shalt  }
0x4f: {  	_ =	shalt  }
0x50: {  	_ =	shalt  }
0x51: {  	_ =	shalt  }
0x52: {  	_ =	shalt  }
0x53: {  	_ =	shalt  }
0x54: {  	_ =	shalt  }
0x55: {  	_ =	shalt  }
0x56: {  	_ =	shalt  }
0x57: {  	_ =	shalt  }
0x58: {  	_ =	shalt  }
0x59: {  	_ =	shalt  }
0x5a: {  	_ =	shalt  }
0x5b: {  	_ =	shalt  }
0x5c: {  	_ =	shalt  }
0x5d: {  	_ =	shalt  }
0x5e: {  	_ =	shalt  }
0x5f: {  	_ =	shalt  }
0x60: {  	_ =	shalt  }
0x61: {  	_ =	shalt  }
0x62: {  	_ =	shalt  }
0x63: {  	_ =	shalt  }
0x64: {  	_ =	shalt  }
0x65: {  	_ =	shalt  }
0x66: {  	_ =	shalt  }
0x67: {  	_ =	shalt  }
0x68: {  	_ =	shalt  }
0x69: {  	_ =	shalt  }
0x6a: {  	_ =	shalt  }
0x6b: {  	_ =	shalt  }
0x6c: {  	_ =	shalt  }
0x6d: {  	_ =	shalt  }
0x6e: {  	_ =	shalt  }
0x6f: {  	_ =	shalt  }
0x70: {  	_ =	shalt  }
0x71: {  	_ =	shalt  }
0x72: {  	_ =	shalt  }
0x73: {  	_ =	shalt  }
0x74: {  	_ =	shalt  }
0x75: {  	_ =	shalt  }
0x76: {  	_ =	shalt  }
0x77: {  	_ =	shalt  }
0x78: {  	_ =	shalt  }
0x79: {  	_ =	shalt  }
0x7a: {  	_ =	shalt  }
0x7b: {  	_ =	shalt  }
0x7c: {  	_ =	shalt  }
0x7d: {  	_ =	shalt  }
0x7e: {  	_ =	shalt  }
0x7f: {  	_ =	shalt  }
0x80: {  	_ =	shalt  }
0x81: {  	_ =	shalt  }
0x82: {  	_ =	shalt  }
0x83: {  	_ =	shalt  }
0x84: {  	_ =	shalt  }
0x85: {  	_ =	shalt  }
0x86: {  	_ =	shalt  }
0x87: {  	_ =	shalt  }
.Lfunc_end0:
.L_simem_size_0:
called_computation_lowered:
.L_overlay_start_0:
0x88: {  	s2 =	sld [smem:$0x3FD9]  }
0x89: {  	s3 =	sld [smem:$0x3FFE];
	_ =	sdelay $0x1  }
0x8a: {  	s1 =	srdreg.scid  }
0x8b: {  	s0 =	sand.u32 $0x1, s1  }
0x8c: {  	s16 =	sshll.u32 s0, $0xA;
	s2 =	sadd.s32 s3, s2  }
0x8d: {  	s2 =	sadd.s32 s2, s16  }
0x8e: {  	[smem:$0x3FBE] =	sst s2  }
0x8f: {  	_ = 	snop  }
0x90: {  	(tm) =	ssettm $0x1  }
0x91: {  	s17 =	sld [smem:$0x3FFB];
	_ =	sdelay $0x3  }
0x92: {  	_ =	strace s17  }
0x93: {  	s2 =	sld [smem:$0x3FFC];
	_ =	sdelay $0x3  }
0x94: {  	_ =	strace s2  }
0x95: {  	s2 =	sld [smem:$0x3FFD];
	_ =	sdelay $0x3  }
0x96: {  	_ =	strace s2  }
0x97: {  	_ =	strace $0x8FFFFFFF  }
0x98: {  	s18 =	sld [smem:$0x3FDB];
	_ =	sdelay $0x1  }
0x99: {  	s19 =	simm.s32 $_scs_section_size  }
0x9a: {  	s4 =	simm.s32 $_size__tile_overlayer_lowered;
	s5 =	simm.s32 $_tile_overlayer_lowered  }
0x9b: {  	s22 =	simm.s32 $0x1BFF;
	s21 =	sshll.u32 s5, $0x1;
	s2 =	sadd.s32 s19, s18  }
0x9c: {  	s6 =	simm.s32 $0x0;
	s20 =	sshll.u32 s4, $0x1;
	s4 =	sadd.s32 s21, s2  }
0x9d: {  	[timem:s6], [sflag:s22] =	dma.local [hbm:s4], s20  }
0x9e: {  	_ =	swait.ge [sflag:s22], s20  }
0x9f: {  	s3 =	ssub.s32 $0x0, s20;
	[sflag:s22] =	ssyncset.done $0x0  }
0xa0: {  	[sflag:s22] =	ssyncadd.s32 s3;
	_ =	sdelay $0x1  }
0xa1: {  	s23 =	simm.s32 $0x1B8B  }
0xa2: {  	_ =	swait.ge [sflag:s23], $0x1  }
0xa3: {  	[sflag:s23] =	ssyncset.done $0x0  }
0xa4: {  	s25 =	simm.s32 $0x1B8E;
	s24 =	sld [smem:$0x3FFE];
	[sflag:s23] =	ssyncadd.s32 $0xFFFFFFFF  }
0xa5: {  	s26 =	simm.s32 $execute0_lowered;
	[smem:$0x3FD2] =	sst s25  }
0xa6: {  	s4 =	sshll.u32 s26, $0x1;
	_ =	strace $0x80000046;
	[dreg:$0x1] =	wrdreg $0xFFFFFFFF  }
0xa7: {  	s28 =	simm.s32 $_size_execute0_lowered;
	s2 =	sadd.s32 s2, s4;
	[dreg:$0x0] =	wrdreg $0x0  }
0xa8: {  	s4 =	sshll.u32 s28, $0x1;
	[dreg:$0x2] =	wrdreg s2  }
0xa9: {  	[dreg:$0x3] =	wrdreg s4  }
0xaa: {  	[dreg:$0x4] =	wrdreg $0xC0  }
0xab: {  	_ =	task [dreg:s6], $0x5FFFF  }
0xac: {  	[dreg:$0x1] =	wrdreg $0xFFFFFFFF  }
0xad: {  	[dreg:$0x0] =	wrdreg $0x60  }
0xae: {  	[dreg:$0x2] =	wrdreg s24  }
0xaf: {  	[dreg:$0x3] =	wrdreg $0x9  }
0xb0: {  	_ =	task.clear_ibuf [dreg:s6], $0x4FFFF;
	_ =	strace $0x90000046  }
0xb1: {  	s29 =	simm.s32 $0x9;
	_ =	strace $0x80000048  }
0xb2: {  	_ =	swait.ge [sflag:s29], $0x1  }
0xb3: {  	[sflag:s29] =	ssyncadd.s32 $0xFFFFFFFF  }
0xb4: {  	_ =	strace $0x90000048  }
0xb5: {  	_ =	sfence  }
0xb6: {  	s30 =	sld [smem:$0x0];
	_ =	sdelay $0x2  }
0xb7: {  	s31 =	sshll.u32 s1, $0xD;
	s1 =	sshrl.u32 s1, $0x2  }
0xb8: {  	s3 =	sand.u32 $0x4000, s31;
	s1 =	sadd.s32 s1, s30  }
0xb9: {  	s0 =	sor.u32 s3, s0;
	s1 =	sshll.u32 s1, $0x11  }
0xba: {  	s0 =	sor.u32 s1, s0  }
0xbb: {  	s0 =	sadd.s32 $0x8F2B, s0  }
0xbc: {  	[sflag:s0] =	ssyncadd.remote.s32 $0x1  }
0xbd: {  	_ =	sfence.sel $0xFFFF  }
0xbe: {  	[dreg:$0x0] =	wrdreg $0xFFFFFFFF;
	(pc) =	sbr.abs _section_cstart, $3  }
0xbf: {  	[dreg:$0x1] =	wrdreg $0xFFFFFFFF  }
0xc0: {  	_ =	task.clear_ibuf [dreg:s6], $0x2FFFF;
	_ =	strace $0x9FFFFFFF  }
0xc1: {  	(tm) =	ssettm $0x7FFFFFFF  }
tec
execute0_lowered:
.L_overlay_start_1:
0x0: {  	(tag) =	ssettag $0x1  }
0x1: {  	s0 =	srdreg.scid  }
0x2: {  	s1 =	sand.u32 $0x1, s0  }
0x3: {  	s25 =	stileid.u32;
	s28 =	simm.s32 $0x1480;
	s2 =	sshll.u32 s1, $0x4  }
0x4: {  	s29 =	simm.s32 $0x1180;
	s5 =	sand.u32 $0x7, s25;
	s3 =	sor.u32 s25, s2  }
0x5: {  	s31 =	simm.s32 $0x1800;
	p1 =	sne.s32 s5, $0x0;
	p0 =	seq.s32 s3, $0x0  }
0x6: {  	s17 =	sshll.u32 s25, $0x4;
	s8 =	sshll.u32 s5, $0x9;
	p0 =	por !p1, !p0  }
0x7: {  	s5 =	sshll.u32 s5, $0x8;
	s2 =	simm.s32 $0x1;
	p0 =	por !p0, !p0  }
0x8: {  	s4 =	sshrl.u32 s3, $0x3;
	s3 =	sshll.u32 s3, $0x4;
	s2 =	simm.s32 @!p0 $0x0  }
0x9: {  	s1 =	ssub.s32 $0x2, s1;
	s3 =	sand.u32 $0x180, s3;
	s6 =	ssub.s32 s4, s2  }
0xa: {  	s4 =	rddreg [dreg:$0x0];
	s2 =	simm.s32 $0x0;
	s7 =	smul.u32 $0x6000, s6  }
0xb: {  	[smem:$0x7FF] =	sst s2;
	s9 =	sadd.s32 $0x41200, s4;
	s30 =	sshll.u32 s6, $0x12  }
0xc: {  	_ =	strace $0x80000047;
	s8 =	sor.u32 s8, s7;
	s5 =	sor.u32 s5, s7  }
0xd: {  	v0 =	vmov s30;
	s30 =	simm.s32 $0x1780;
	s10 =	sshrl.u32 s8, $0x3;
	s13 =	sadd.s32 $0x4800, s5  }
0xe: {  	s19 =	sadd.s32 $0x2000, s8;
	s8 =	sadd.s32 $0x3000, s8;
	s23 =	sadd.s32 $0x5000, s5  }
0xf: {  	s11 =	sadd.s32 s9, s10;
	s26 =	sor.u32 $0x200, s10;
	s22 =	sshrl.u32 s8, $0x3  }
0x10: {  	s8 =	sshrl.u32 s23, $0x3;
	s23 =	simm.s32 $0xB80;
	[dreg:$0x2] =	wrdreg s11  }
0x11: {  	s13 =	sshrl.u32 s13, $0x3;
	s12 =	sadd.s32 s9, s26;
	[smem:$0x7FA] =	sst s23  }
0x12: {  	s14 =	sadd.s32 $0x4000, s5;
	s16 =	sadd.s32 s9, s13;
	[dreg:$0x3] =	wrdreg s12  }
0x13: {  	s5 =	sadd.s32 $0x5800, s5;
	s24 =	sadd.s32 s9, s22;
	[dreg:$0x5] =	wrdreg s16  }
0x14: {  	s11 =	sshrl.u32 s14, $0x3;
	s25 =	sadd.s32 s9, s8;
	[dreg:$0xb] =	wrdreg s24  }
0x15: {  	s14 =	sadd.s32 $0x41210, s4;
	s15 =	sadd.s32 s9, s11;
	[dreg:$0xc] =	wrdreg s25  }
0x16: {  	s5 =	sshrl.u32 s5, $0x3;
	s10 =	sadd.s32 s10, s14;
	[dreg:$0x4] =	wrdreg s15  }
0x17: {  	s23 =	simm.s32 $0x1400;
	s7 =	sadd.s32 s26, s14;
	[dreg:$0x6] =	wrdreg s10  }
0x18: {  	s18 =	sadd.s32 s11, s14;
	s20 =	sadd.s32 s13, s14;
	[dreg:$0x7] =	wrdreg s7  }
0x19: {  	s12 =	sand.u32 $0x70, s17;
	s8 =	sadd.s32 s8, s14;
	[dreg:$0x8] =	wrdreg s18  }
0x1a: {  	s11 =	simm.s32 $0x300;
	s13 =	simm.s32 $0x500;
	[dreg:$0x9] =	wrdreg s20  }
0x1b: {  	s16 =	simm.s32 $0x700;
	s17 =	simm.s32 $0x800;
	[dreg:$0x10] =	wrdreg s8  }
0x1c: {  	s24 =	simm.s32 $0xC00;
	s25 =	simm.s32 $0x1200;
	[dreg:$0x15] =	wrdreg s11  }
0x1d: {  	s10 =	sshrl.u32 s19, $0x3;
	s26 =	sadd.s32 s12, s4;
	[dreg:$0x17] =	wrdreg s13  }
0x1e: {  	s7 =	sadd.s32 s22, s14;
	s12 =	simm.s32 $0x400;
	[dreg:$0x1a] =	wrdreg s16  }
0x1f: {  	s15 =	simm.s32 $0x600;
	[dreg:$0x1b] =	wrdreg s17;
	s18 =	simm.s32 $0x880  }
0x20: {  	s19 =	sshrl.u32 s1, $0x1;
	s20 =	simm.s32 $0x900;
	[smem:$0x7FB] =	sst s24  }
0x21: {  	s22 =	simm.s32 $0xB00;
	s8 =	simm.s32 $0x100;
	[smem:$0x7FC] =	sst s25  }
0x22: {  	s13 =	simm.s32 $0x1580;
	s16 =	simm.s32 $0x1000;
	[dreg:$0xf] =	wrdreg s7  }
0x23: {  	s17 =	simm.s32 $0x1600;
	s24 =	simm.s32 $0x1100;
	[dreg:$0x16] =	wrdreg s12  }
0x24: {  	s25 =	simm.s32 $0x1700;
	s21 =	sadd.s32 s9, s10;
	[dreg:$0x19] =	wrdreg s15  }
0x25: {  	s9 =	sadd.s32 s9, s5;
	s0 =	sadd.s32 s10, s14;
	[dreg:$0x1c] =	wrdreg s18  }
0x26: {  	s5 =	sadd.s32 s5, s14;
	s3 =	sadd.s32 s3, s26;
	[dreg:$0x1d] =	wrdreg s20  }
0x27: {  	s10 =	simm.s32 $0x280;
	s14 =	simm.s32 $0x580;
	[dreg:$0x1f] =	wrdreg s22  }
0x28: {  	s1 =	ssub.s32 s1, s19;
	s7 =	simm.s32 $0x80;
	[dreg:$0xa] =	wrdreg s21  }
0x29: {  	s26 =	simm.s32 $0xF00;
	s12 =	simm.s32 $0xF80;
	[dreg:$0xd] =	wrdreg s9  }
0x2a: {  	s15 =	simm.s32 $0x1300;
	s18 =	simm.s32 $0xD80;
	[dreg:$0xe] =	wrdreg s0  }
0x2b: {  	s19 =	simm.s32 $0x1380;
	s20 =	simm.s32 $0x1080;
	[dreg:$0x11] =	wrdreg s5  }
0x2c: {  	s22 =	simm.s32 $0xE00;
	s3 =	sadd.s32 $0x44200, s3;
	[dreg:$0x14] =	wrdreg s10  }
0x2d: {  	s9 =	simm.s32 $0x200;
	[dreg:$0x18] =	wrdreg s14;
	s21 =	simm.s32 $0xA00  }
0x2e: {  	s5 =	simm.s32 $0x1;
	s6 =	smax.u32 s1, $0x1;
	[smem:$0x7FD] =	sst s26  }
0x2f: {  	s14 =	simm.s32 $0xD00;
	s26 =	simm.s32 $0xE80;
	[dreg:$0x12] =	wrdreg s3  }
0x30: {  	s1 =	simm.s32 $0x2;
	[dreg:$0x13] =	wrdreg s9;
	s3 =	sadd.s32 $0x1200, s4  }
0x31: {  	s4 =	sadd.s32 $0x21200, s4;
	[dreg:$0x1e] =	wrdreg s21;
	s21 =	simm.s32 $0x1680  }
.LBB2_1:
0x32: {  	s0 =	rddreg [dreg:$0x2]  }
0x33: {  	s11 =	rddreg [dreg:$0x3]  }
0x34: {  	s9 =	rddreg [dreg:$0x4]  }
0x35: {  	s10 =	rddreg [dreg:$0x13]  }
0x36: {  	[tilespmem:s2], [sflag:$0x1] =	stream.strided.gather [hbm4b:s0+s7], $0x100, s8, s7, $0x38;
	[tilespmem:$0x1880] =	vst v63  }
0x37: {  	s0 =	rddreg [dreg:$0x6]  }
0x38: {  	[tilespmem:s8], [sflag:$0x1] =	stream.strided.gather [hbm4b:s11+s7], $0x100, s8, s7, $0x38;
	[tilespmem:$0x1880] =	vst v63  }
0x39: {  	s11 =	rddreg [dreg:$0x14]  }
0x3a: {  	[tilespmem:s10], [sflag:$0x1] =	stream.linear.gather [hbm4b:s9+s2], $0x80, $0x38;
	[tilespmem:$0x1880] =	vst v63  }
0x3b: {  	s10 =	rddreg [dreg:$0x5]  }
0x3c: {  	s9 =	rddreg [dreg:$0x15]  }
0x3d: {  	[tilespmem:s11], [sflag:$0x1] =	stream.linear.gather [hbm4b:s10+s2], $0x80, $0x38;
	[tilespmem:$0x1880] =	vst v63  }
0x3e: {  	s10 =	rddreg [dreg:$0x7]  }
0x3f: {  	s11 =	rddreg [dreg:$0x16]  }
0x40: {  	[tilespmem:s9], [sflag:$0x1] =	stream.strided.gather [hbm4b:s0+s7], $0x100, s8, s7, $0x38;
	[tilespmem:$0x1880] =	vst v63  }
0x41: {  	s0 =	rddreg [dreg:$0x8]  }
0x42: {  	s9 =	rddreg [dreg:$0x17]  }
0x43: {  	[tilespmem:s11], [sflag:$0x1] =	stream.strided.gather [hbm4b:s10+s7], $0x100, s8, s7, $0x38;
	[tilespmem:$0x1880] =	vst v63  }
0x44: {  	s10 =	rddreg [dreg:$0x9]  }
0x45: {  	s11 =	rddreg [dreg:$0x18]  }
0x46: {  	[tilespmem:s9], [sflag:$0x1] =	stream.linear.gather [hbm4b:s0+s2], $0x80, $0x38;
	[tilespmem:$0x1880] =	vst v63  }
0x47: {  	s0 =	rddreg [dreg:$0xa]  }
0x48: {  	s9 =	rddreg [dreg:$0x19]  }
0x49: {  	[tilespmem:s11], [sflag:$0x1] =	stream.linear.gather [hbm4b:s10+s2], $0x80, $0x38;
	[tilespmem:$0x1880] =	vst v63  }
0x4a: {  	s10 =	rddreg [dreg:$0xb]  }
0x4b: {  	s11 =	rddreg [dreg:$0x1a]  }
0x4c: {  	[tilespmem:s9], [sflag:$0x1] =	stream.strided.gather [hbm4b:s0+s7], $0x100, s8, s7, $0x38;
	[tilespmem:$0x1880] =	vst v63  }
0x4d: {  	s0 =	rddreg [dreg:$0xc]  }
0x4e: {  	s9 =	rddreg [dreg:$0x1b]  }
0x4f: {  	[tilespmem:s11], [sflag:$0x1] =	stream.strided.gather [hbm4b:s10+s7], $0x100, s8, s7, $0x38;
	[tilespmem:$0x1880] =	vst v63  }
0x50: {  	s10 =	rddreg [dreg:$0xd]  }
0x51: {  	s11 =	rddreg [dreg:$0x1c]  }
0x52: {  	[tilespmem:s9], [sflag:$0x1] =	stream.linear.gather [hbm4b:s0+s2], $0x80, $0x38;
	[tilespmem:$0x1880] =	vst v63  }
0x53: {  	s0 =	rddreg [dreg:$0xe]  }
0x54: {  	s9 =	rddreg [dreg:$0x1d]  }
0x55: {  	[tilespmem:s11], [sflag:$0x1] =	stream.linear.gather [hbm4b:s10+s2], $0x80, $0x38;
	[tilespmem:$0x1880] =	vst v63  }
0x56: {  	s10 =	rddreg [dreg:$0xf]  }
0x57: {  	s11 =	rddreg [dreg:$0x1e]  }
0x58: {  	[tilespmem:s9], [sflag:$0x1] =	stream.strided.gather [hbm4b:s0+s7], $0x100, s8, s7, $0x38;
	[tilespmem:$0x1880] =	vst v63  }
0x59: {  	s0 =	rddreg [dreg:$0x10]  }
0x5a: {  	s9 =	rddreg [dreg:$0x1f]  }
0x5b: {  	[tilespmem:s11], [sflag:$0x1] =	stream.strided.gather [hbm4b:s10+s7], $0x100, s8, s7, $0x38;
	[tilespmem:$0x1880] =	vst v63  }
0x5c: {  	s11 =	sld [smem:$0x7FA]  }
0x5d: {  	[tilespmem:s9], [sflag:$0x1] =	stream.linear.gather [hbm4b:s0+s2], $0x80, $0x38;
	[tilespmem:$0x1880] =	vst v63  }
0x5e: {  	s10 =	rddreg [dreg:$0x11]  }
0x5f: {  	[tilespmem:s11], [sflag:$0x1] =	stream.linear.gather [hbm4b:s10+s2], $0x80, $0x38;
	[tilespmem:$0x1880] =	vst v63  }
0x60: {  	_ =	swait.ge [sflag:s5], $0x100  }
0x61: {  	[sflag:s5] =	ssyncset.done $0x0  }
0x62: {  	[sflag:s5] =	ssyncadd.s32 $0xFFFFFF00  }
0x63: {  	_ =	swait.ge [sflag:s5], $0x100  }
0x64: {  	[sflag:s5] =	ssyncset.done $0x0  }
0x65: {  	[sflag:s5] =	ssyncadd.s32 $0xFFFFFF00  }
0x66: {  	_ =	swait.ge [sflag:s5], $0x80  }
0x67: {  	[sflag:s5] =	ssyncset.done $0x0  }
0x68: {  	[sflag:s5] =	ssyncadd.s32 $0xFFFFFF80  }
0x69: {  	_ =	swait.ge [sflag:s5], $0x80  }
0x6a: {  	[sflag:s5] =	ssyncset.done $0x0  }
0x6b: {  	[sflag:s5] =	ssyncadd.s32 $0xFFFFFF80  }
0x6c: {  	_ =	swait.ge [sflag:s5], $0x100  }
0x6d: {  	[sflag:s5] =	ssyncset.done $0x0  }
0x6e: {  	[sflag:s5] =	ssyncadd.s32 $0xFFFFFF00  }
0x6f: {  	_ =	swait.ge [sflag:s5], $0x100  }
0x70: {  	[sflag:s5] =	ssyncset.done $0x0  }
0x71: {  	[sflag:s5] =	ssyncadd.s32 $0xFFFFFF00  }
0x72: {  	_ =	swait.ge [sflag:s5], $0x80  }
0x73: {  	[sflag:s5] =	ssyncset.done $0x0  }
0x74: {  	[sflag:s5] =	ssyncadd.s32 $0xFFFFFF80  }
0x75: {  	_ =	swait.ge [sflag:s5], $0x80  }
0x76: {  	[sflag:s5] =	ssyncset.done $0x0  }
0x77: {  	[sflag:s5] =	ssyncadd.s32 $0xFFFFFF80  }
0x78: {  	_ =	swait.ge [sflag:s5], $0x100  }
0x79: {  	[sflag:s5] =	ssyncset.done $0x0  }
0x7a: {  	[sflag:s5] =	ssyncadd.s32 $0xFFFFFF00  }
0x7b: {  	_ =	swait.ge [sflag:s5], $0x100  }
0x7c: {  	[sflag:s5] =	ssyncset.done $0x0  }
0x7d: {  	[sflag:s5] =	ssyncadd.s32 $0xFFFFFF00  }
0x7e: {  	_ =	swait.ge [sflag:s5], $0x80  }
0x7f: {  	[sflag:s5] =	ssyncset.done $0x0  }
0x80: {  	[sflag:s5] =	ssyncadd.s32 $0xFFFFFF80  }
0x81: {  	_ =	swait.ge [sflag:s5], $0x80  }
0x82: {  	[sflag:s5] =	ssyncset.done $0x0  }
0x83: {  	[sflag:s5] =	ssyncadd.s32 $0xFFFFFF80  }
0x84: {  	_ =	swait.ge [sflag:s5], $0x100  }
0x85: {  	[sflag:s5] =	ssyncset.done $0x0  }
0x86: {  	[sflag:s5] =	ssyncadd.s32 $0xFFFFFF00  }
0x87: {  	_ =	swait.ge [sflag:s5], $0x100  }
0x88: {  	[sflag:s5] =	ssyncset.done $0x0  }
0x89: {  	[sflag:s5] =	ssyncadd.s32 $0xFFFFFF00  }
0x8a: {  	_ =	swait.ge [sflag:s5], $0x80  }
0x8b: {  	[sflag:s5] =	ssyncset.done $0x0  }
0x8c: {  	[sflag:s5] =	ssyncadd.s32 $0xFFFFFF80  }
0x8d: {  	_ =	swait.ge [sflag:s5], $0x80  }
0x8e: {  	[sflag:s5] =	ssyncset.done $0x0  }
0x8f: {  	[sflag:s5] =	ssyncadd.s32 $0xFFFFFF80  }
0x90: {  	v1 =	vld [tilespmem:$0x0]  }
0x91: {  	v4 =	vld [tilespmem:$0x300]  }
0x92: {  	v2 =	vld [tilespmem:$0x600]  }
0x93: {  	v6 =	vld [tilespmem:$0x900]  }
0x94: {  	v3 =	vld [tilespmem:$0x10]  }
0x95: {  	v8 =	vld [tilespmem:$0x310]  }
0x96: {  	v5 =	vld [tilespmem:$0x610]  }
0x97: {  	v10 =	vld [tilespmem:$0x910]  }
0x98: {  	v7 =	vld [tilespmem:$0x20]  }
0x99: {  	v12 =	vld [tilespmem:$0x320]  }
0x9a: {  	v9 =	vld [tilespmem:$0x620]  }
0x9b: {  	v14 =	vld [tilespmem:$0x920]  }
0x9c: {  	v11 =	vld [tilespmem:$0x30]  }
0x9d: {  	v16 =	vld [tilespmem:$0x330]  }
0x9e: {  	v13 =	vld [tilespmem:$0x630]  }
0x9f: {  	v18 =	vld [tilespmem:$0x930]  }
0xa0: {  	v15 =	vld [tilespmem:$0x40]  }
0xa1: {  	v20 =	vld [tilespmem:$0x340]  }
0xa2: {  	v17 =	vld [tilespmem:$0x640]  }
0xa3: {  	v32 =	vld [tilespmem:$0x940]  }
0xa4: {  	v19 =	vld [tilespmem:$0x50]  }
0xa5: {  	v29 =	vld [tilespmem:$0x350]  }
0xa6: {  	v21 =	vld [tilespmem:$0x650]  }
0xa7: {  	v60 =	vld [tilespmem:$0x3F0];
	_ =	sdelay $0x4  }
0xa8: {  	[tilespmem:$0x1FD10] =	vst v60;
	v60 =	vld [tilespmem:$0x9F0];
	_ =	sdelay $0x4  }
0xa9: {  	[tilespmem:$0x1FD30] =	vst v60;
	v60 =	vld [tilespmem:$0x100];
	_ =	sdelay $0x4  }
0xaa: {  	[tilespmem:$0x1FD20] =	vst v60;
	v60 =	vld [tilespmem:$0x400];
	_ =	sdelay $0x4  }
0xab: {  	[tilespmem:$0x1FD50] =	vst v60;
	v60 =	vld [tilespmem:$0x700];
	_ =	sdelay $0x4  }
0xac: {  	[tilespmem:$0x1FD40] =	vst v60;
	v60 =	vld [tilespmem:$0xA00];
	_ =	sdelay $0x4  }
0xad: {  	[tilespmem:$0x1FD70] =	vst v60;
	v60 =	vld [tilespmem:$0x110]  }
0xae: {  	v37 =	vld [tilespmem:$0x950]  }
0xaf: {  	v22 =	vld [tilespmem:$0x60]  }
0xb0: {  	v34 =	vld [tilespmem:$0x360]  }
0xb1: {  	v23 =	vld [tilespmem:$0x660]  }
0xb2: {  	[tilespmem:$0x1FD60] =	vst v60;
	v60 =	vld [tilespmem:$0x410]  }
0xb3: {  	v42 =	vld [tilespmem:$0x960]  }
0xb4: {  	v24 =	vld [tilespmem:$0x70]  }
0xb5: {  	v39 =	vld [tilespmem:$0x370]  }
0xb6: {  	v25 =	vld [tilespmem:$0x670]  }
0xb7: {  	[tilespmem:$0x1FD90] =	vst v60;
	v60 =	vld [tilespmem:$0x710]  }
0xb8: {  	v48 =	vld [tilespmem:$0x970]  }
0xb9: {  	v26 =	vld [tilespmem:$0x80]  }
0xba: {  	v45 =	vld [tilespmem:$0x380]  }
0xbb: {  	v27 =	vld [tilespmem:$0x680]  }
0xbc: {  	[tilespmem:$0x1FD80] =	vst v60;
	v60 =	vld [tilespmem:$0xA10]  }
0xbd: {  	v53 =	vld [tilespmem:$0x980]  }
0xbe: {  	v28 =	vld [tilespmem:$0x90]  }
0xbf: {  	v50 =	vld [tilespmem:$0x390]  }
0xc0: {  	v30 =	vld [tilespmem:$0x690]  }
0xc1: {  	[tilespmem:$0x1FDB0] =	vst v60;
	v60 =	vld [tilespmem:$0x120]  }
0xc2: {  	v58 =	vld [tilespmem:$0x990]  }
0xc3: {  	v31 =	vld [tilespmem:$0xA0]  }
0xc4: {  	v55 =	vld [tilespmem:$0x3A0]  }
0xc5: {  	v33 =	vld [tilespmem:$0x6A0]  }
0xc6: {  	[tilespmem:$0x1FDA0] =	vst v60;
	v60 =	vld [tilespmem:$0x420]  }
0xc7: {  	v38 =	vld [tilespmem:$0x9A0]  }
0xc8: {  	v35 =	vld [tilespmem:$0xB0]  }
0xc9: {  	v61 =	vld [tilespmem:$0x3B0]  }
0xca: {  	v36 =	vld [tilespmem:$0x6B0]  }
0xcb: {  	[tilespmem:$0x1FDD0] =	vst v60;
	v60 =	vld [tilespmem:$0x720]  }
0xcc: {  	v43 =	vld [tilespmem:$0x9B0]  }
0xcd: {  	v40 =	vld [tilespmem:$0xC0]  }
0xce: {  	v46 =	vld [tilespmem:$0x3C0]  }
0xcf: {  	v41 =	vld [tilespmem:$0x6C0]  }
0xd0: {  	[tilespmem:$0x1FDC0] =	vst v60;
	v60 =	vld [tilespmem:$0xA20]  }
0xd1: {  	v49 =	vld [tilespmem:$0x9C0]  }
0xd2: {  	v44 =	vld [tilespmem:$0xD0]  }
0xd3: {  	v52 =	vld [tilespmem:$0x3D0]  }
0xd4: {  	v47 =	vld [tilespmem:$0x6D0]  }
0xd5: {  	[tilespmem:$0x1FDF0] =	vst v60;
	v60 =	vld [tilespmem:$0x130]  }
0xd6: {  	v56 =	vld [tilespmem:$0x9D0]  }
0xd7: {  	v51 =	vld [tilespmem:$0xE0]  }
0xd8: {  	v59 =	vld [tilespmem:$0x3E0]  }
0xd9: {  	v54 =	vld [tilespmem:$0x6E0]  }
0xda: {  	v1 =	vshll.u32 v1, $0x9;
	[tilespmem:$0x1FDE0] =	vst v60;
	v60 =	vld [tilespmem:$0x430]  }
0xdb: {  	v62 =	vld [tilespmem:$0x9E0];
	v2 =	vshll.u32 v2, $0x9;
	v1 =	vadd.s32 v0, v1  }
0xdc: {  	v57 =	vld [tilespmem:$0xF0];
	v2 =	vadd.s32 v0, v2;
	v1 =	vadd.s32 v4, v1  }
0xdd: {  	v63 =	vld [tilespmem:$0x6F0];
	v3 =	vshll.u32 v3, $0x9;
	[tilespmem:$0xC00] =	vst v1;
	v1 =	vadd.s32 v6, v2  }
0xde: {  	v4 =	vld [tilespmem:$0x790];
	v2 =	vadd.s32 v0, v3;
	v3 =	vshll.u32 v5, $0x9;
	[tilespmem:$0xF00] =	vst v1  }
0xdf: {  	v1 =	vadd.s32 v8, v2;
	v2 =	vadd.s32 v0, v3;
	v3 =	vshll.u32 v7, $0x9;
	[tilespmem:$0x1FE10] =	vst v60;
	v60 =	vld [tilespmem:$0x730]  }
0xe0: {  	v8 =	vld [tilespmem:$0xA90];
	[tilespmem:$0xC10] =	vst v1;
	v1 =	vadd.s32 v10, v2;
	v2 =	vadd.s32 v0, v3;
	v3 =	vshll.u32 v9, $0x9  }
0xe1: {  	v10 =	vld [tilespmem:$0x1A0];
	[tilespmem:$0xF10] =	vst v1;
	v1 =	vadd.s32 v12, v2;
	v2 =	vadd.s32 v0, v3  }
0xe2: {  	v12 =	vld [tilespmem:$0x4A0];
	[tilespmem:$0xC20] =	vst v1;
	v1 =	vadd.s32 v14, v2  }
0xe3: {  	v3 =	vshll.u32 v11, $0x9;
	v14 =	vld [tilespmem:$0x7A0];
	[tilespmem:$0xF20] =	vst v1  }
0xe4: {  	v2 =	vadd.s32 v0, v3;
	v3 =	vshll.u32 v13, $0x9;
	[tilespmem:$0x1FE00] =	vst v60;
	v60 =	vld [tilespmem:$0xA30]  }
0xe5: {  	v1 =	vadd.s32 v16, v2;
	v2 =	vadd.s32 v0, v3;
	v16 =	vld [tilespmem:$0xAA0];
	[tilespmem:$0x1FFA0] =	vst v8  }
0xe6: {  	v3 =	vshll.u32 v15, $0x9;
	[tilespmem:$0xC30] =	vst v1;
	v1 =	vadd.s32 v18, v2;
	v18 =	vld [tilespmem:$0x1B0]  }
0xe7: {  	v2 =	vadd.s32 v0, v3;
	v8 =	vld [tilespmem:$0x1F0];
	[tilespmem:$0x1FF90] =	vst v10  }
0xe8: {  	[tilespmem:$0xF30] =	vst v1;
	v1 =	vadd.s32 v20, v2;
	v20 =	vld [tilespmem:$0x4B0]  }
0xe9: {  	v3 =	vshll.u32 v17, $0x9;
	[tilespmem:$0x1FE30] =	vst v60;
	v60 =	vld [tilespmem:$0x140]  }
0xea: {  	v2 =	vadd.s32 v0, v3;
	v3 =	vshll.u32 v19, $0x9;
	v10 =	vld [tilespmem:$0x4F0];
	[tilespmem:$0xC40] =	vst v1  }
0xeb: {  	v1 =	vadd.s32 v32, v2;
	v2 =	vadd.s32 v0, v3;
	v32 =	vld [tilespmem:$0x7B0];
	[tilespmem:$0x1FFB0] =	vst v14  }
0xec: {  	v3 =	vshll.u32 v21, $0x9;
	[tilespmem:$0xF40] =	vst v1;
	v1 =	vadd.s32 v29, v2;
	v29 =	vld [tilespmem:$0xAB0]  }
0xed: {  	v2 =	vadd.s32 v0, v3;
	v3 =	vshll.u32 v22, $0x9;
	v14 =	vld [tilespmem:$0x7E0];
	[tilespmem:$0xC50] =	vst v1  }
0xee: {  	v1 =	vadd.s32 v37, v2;
	v2 =	vadd.s32 v0, v3;
	v3 =	vshll.u32 v23, $0x9;
	[tilespmem:$0x1FE20] =	vst v60;
	v60 =	vld [tilespmem:$0x440]  }
0xef: {  	v37 =	vld [tilespmem:$0x1C0];
	[tilespmem:$0xF50] =	vst v1;
	v1 =	vadd.s32 v34, v2;
	v2 =	vadd.s32 v0, v3;
	v3 =	vshll.u32 v24, $0x9  }
0xf0: {  	v34 =	vld [tilespmem:$0x4C0];
	[tilespmem:$0xC60] =	vst v1;
	v1 =	vadd.s32 v42, v2;
	v2 =	vadd.s32 v0, v3  }
0xf1: {  	v3 =	vshll.u32 v25, $0x9;
	v42 =	vld [tilespmem:$0x7C0];
	[tilespmem:$0xF60] =	vst v1;
	v1 =	vadd.s32 v39, v2  }
0xf2: {  	v2 =	vadd.s32 v0, v3;
	v3 =	vshll.u32 v26, $0x9;
	v39 =	vld [tilespmem:$0xAC0];
	[tilespmem:$0xC70] =	vst v1  }
0xf3: {  	v1 =	vadd.s32 v48, v2;
	v2 =	vadd.s32 v0, v3;
	v3 =	vshll.u32 v27, $0x9;
	[tilespmem:$0x1FE50] =	vst v60;
	v60 =	vld [tilespmem:$0x740]  }
0xf4: {  	v48 =	vld [tilespmem:$0x1D0];
	[tilespmem:$0xF70] =	vst v1;
	v1 =	vadd.s32 v45, v2;
	v2 =	vadd.s32 v0, v3;
	v3 =	vshll.u32 v28, $0x9  }
0xf5: {  	v45 =	vld [tilespmem:$0x4D0];
	[tilespmem:$0xC80] =	vst v1;
	v1 =	vadd.s32 v53, v2;
	v2 =	vadd.s32 v0, v3;
	v3 =	vshll.u32 v30, $0x9  }
0xf6: {  	v53 =	vld [tilespmem:$0x7D0];
	[tilespmem:$0xF80] =	vst v1;
	v1 =	vadd.s32 v50, v2;
	v2 =	vadd.s32 v0, v3;
	v3 =	vshll.u32 v31, $0x9  }
0xf7: {  	v50 =	vld [tilespmem:$0xAD0];
	v31 =	vshll.u32 v51, $0x9;
	[tilespmem:$0xC90] =	vst v1;
	v1 =	vadd.s32 v58, v2;
	v2 =	vadd.s32 v0, v3  }
0xf8: {  	v3 =	vshll.u32 v33, $0x9;
	v5 =	vadd.s32 v0, v31;
	v33 =	vshll.u32 v54, $0x9;
	[tilespmem:$0x1FE40] =	vst v60;
	v60 =	vld [tilespmem:$0xA40]  }
0xf9: {  	v58 =	vld [tilespmem:$0x1E0];
	[tilespmem:$0xF90] =	vst v1;
	v1 =	vadd.s32 v55, v2;
	v2 =	vadd.s32 v0, v3;
	v3 =	vshll.u32 v35, $0x9  }
0xfa: {  	v55 =	vld [tilespmem:$0x4E0];
	v5 =	vadd.s32 v59, v5;
	v6 =	vadd.s32 v0, v33;
	[tilespmem:$0xCA0] =	vst v1;
	v1 =	vadd.s32 v38, v2  }
0xfb: {  	v2 =	vadd.s32 v0, v3;
	v3 =	vshll.u32 v36, $0x9;
	v36 =	vadd.s32 v62, v6;
	v6 =	vld [tilespmem:$0x800]  }
0xfc: {  	[tilespmem:$0xCE0] =	vst v5;
	v5 =	vld [tilespmem:$0xB00]  }
0xfd: {  	[tilespmem:$0x1FE70] =	vst v60;
	v60 =	vld [tilespmem:$0x150]  }
0xfe: {  	[tilespmem:$0xFA0] =	vst v1;
	v1 =	vadd.s32 v61, v2;
	v61 =	vld [tilespmem:$0xAE0]  }
0xff: {  	v2 =	vadd.s32 v0, v3;
	v3 =	vshll.u32 v40, $0x9;
	v40 =	vld [tilespmem:$0x1FD10]  }
0x100: {  	[tilespmem:$0xCB0] =	vst v1;
	v1 =	vadd.s32 v43, v2;
	v2 =	vadd.s32 v0, v3;
	v3 =	vshll.u32 v41, $0x9;
	v41 =	vld [tilespmem:$0x1FD20]  }
0x101: {  	[tilespmem:$0xFB0] =	vst v1;
	v1 =	vadd.s32 v46, v2;
	v2 =	vadd.s32 v0, v3;
	v3 =	vshll.u32 v44, $0x9;
	v44 =	vld [tilespmem:$0x1FD30]  }
0x102: {  	[tilespmem:$0x1FE60] =	vst v60;
	v60 =	vld [tilespmem:$0x450]  }
0x103: {  	v46 =	vld [tilespmem:$0x1FD40]  }
0x104: {  	v54 =	vld [tilespmem:$0x1FD70]  }
0x105: {  	[tilespmem:$0xCC0] =	vst v1;
	v1 =	vld [tilespmem:$0x7F0]  }
0x106: {  	[tilespmem:$0x1FF80] =	vst v4;
	v2 =	vadd.s32 v49, v2;
	v49 =	vld [tilespmem:$0x1FD50]  }
0x107: {  	v30 =	vshll.u32 v47, $0x9;
	v3 =	vadd.s32 v0, v3;
	[tilespmem:$0x1FE90] =	vst v60;
	v60 =	vld [tilespmem:$0x750]  }
0x108: {  	v14 =	vshll.u32 v14, $0x9;
	v4 =	vadd.s32 v0, v30;
	[tilespmem:$0xFC0] =	vst v2;
	v3 =	vadd.s32 v52, v3;
	v2 =	vld [tilespmem:$0xAF0]  }
0x109: {  	v14 =	vadd.s32 v0, v14;
	[tilespmem:$0xCD0] =	vst v3;
	v3 =	vadd.s32 v56, v4;
	v4 =	vld [tilespmem:$0x200]  }
0x10a: {  	v35 =	vshll.u32 v57, $0x9;
	v14 =	vadd.s32 v61, v14;
	v61 =	vld [tilespmem:$0x8A0]  }
0x10b: {  	v7 =	vadd.s32 v0, v35;
	v38 =	vshll.u32 v63, $0x9;
	[tilespmem:$0xFD0] =	vst v3;
	v3 =	vld [tilespmem:$0x500]  }
0x10c: {  	v9 =	vadd.s32 v0, v38;
	v7 =	vadd.s32 v40, v7;
	[tilespmem:$0x1FE80] =	vst v60;
	v60 =	vld [tilespmem:$0xA50]  }
0x10d: {  	[tilespmem:$0xCF0] =	vst v7;
	v7 =	vadd.s32 v44, v9;
	v9 =	vld [tilespmem:$0x210]  }
0x10e: {  	v51 =	vld [tilespmem:$0x1FD60]  }
0x10f: {  	[tilespmem:$0xFF0] =	vst v7;
	v7 =	vld [tilespmem:$0x510]  }
0x110: {  	v56 =	vld [tilespmem:$0x1FD80]  }
0x111: {  	v43 =	vshll.u32 v41, $0x9;
	[tilespmem:$0x1FEB0] =	vst v60;
	v60 =	vld [tilespmem:$0x160]  }
0x112: {  	[tilespmem:$0x1FFC0] =	vst v12;
	v11 =	vadd.s32 v0, v43;
	v47 =	vshll.u32 v46, $0x9;
	v59 =	vld [tilespmem:$0x1FD90]  }
0x113: {  	[tilespmem:$0x1FFF0] =	vst v20;
	v11 =	vadd.s32 v49, v11;
	v12 =	vadd.s32 v0, v47;
	v20 =	vld [tilespmem:$0x1FDB0]  }
0x114: {  	[tilespmem:$0xD00] =	vst v11;
	v11 =	vadd.s32 v54, v12;
	v12 =	vld [tilespmem:$0x810]  }
0x115: {  	[tilespmem:$0x1000] =	vst v11;
	v11 =	vld [tilespmem:$0xB10];
	v52 =	vshll.u32 v51, $0x9  }
0x116: {  	v13 =	vadd.s32 v0, v52;
	v57 =	vshll.u32 v56, $0x9;
	[tilespmem:$0x1FEA0] =	vst v60;
	v60 =	vld [tilespmem:$0x460]  }
0x117: {  	v13 =	vadd.s32 v59, v13;
	v15 =	vadd.s32 v0, v57;
	v62 =	vld [tilespmem:$0x1FDA0]  }
0x118: {  	[tilespmem:$0xD10] =	vst v13;
	v13 =	vadd.s32 v20, v15;
	v15 =	vld [tilespmem:$0x220]  }
0x119: {  	[tilespmem:$0x1010] =	vst v13;
	v13 =	vld [tilespmem:$0x520]  }
0x11a: {  	v23 =	vld [tilespmem:$0x1FDD0]  }
0x11b: {  	[tilespmem:$0x1FED0] =	vst v60;
	v60 =	vld [tilespmem:$0x760]  }
0x11c: {  	v21 =	vld [tilespmem:$0x1FDC0]  }
0x11d: {  	v26 =	vld [tilespmem:$0x1FDF0]  }
0x11e: {  	v24 =	vld [tilespmem:$0x1FDE0]  }
0x11f: {  	v27 =	vld [tilespmem:$0x1FE00]  }
0x120: {  	v63 =	vshll.u32 v62, $0x9;
	[tilespmem:$0x1FEC0] =	vst v60;
	v60 =	vld [tilespmem:$0xA60]  }
0x121: {  	[tilespmem:$0x1FFE0] =	vst v16;
	v16 =	vadd.s32 v0, v63;
	v22 =	vshll.u32 v21, $0x9;
	v30 =	vld [tilespmem:$0x1FE10]  }
0x122: {  	[tilespmem:$0x1FFD0] =	vst v18;
	v16 =	vadd.s32 v23, v16;
	v17 =	vadd.s32 v0, v22;
	v35 =	vld [tilespmem:$0x1FE30]  }
0x123: {  	[tilespmem:$0xD20] =	vst v16;
	v16 =	vadd.s32 v26, v17;
	v17 =	vld [tilespmem:$0x820]  }
0x124: {  	[tilespmem:$0x1020] =	vst v16;
	v16 =	vld [tilespmem:$0xB20];
	v25 =	vshll.u32 v24, $0x9  }
0x125: {  	v18 =	vadd.s32 v0, v25;
	v28 =	vshll.u32 v27, $0x9;
	[tilespmem:$0x1FEF0] =	vst v60;
	v60 =	vld [tilespmem:$0x170]  }
0x126: {  	v18 =	vadd.s32 v30, v18;
	v19 =	vadd.s32 v0, v28;
	v31 =	vld [tilespmem:$0x1FE20]  }
0x127: {  	[tilespmem:$0xD30] =	vst v18;
	v18 =	vadd.s32 v35, v19;
	v19 =	vld [tilespmem:$0x230]  }
0x128: {  	[tilespmem:$0x1030] =	vst v18;
	v18 =	vld [tilespmem:$0x530]  }
0x129: {  	v40 =	vld [tilespmem:$0x1FE50]  }
0x12a: {  	[tilespmem:$0x1FEE0] =	vst v60;
	v60 =	vld [tilespmem:$0x470]  }
0x12b: {  	[tilespmem:$0xFE0] =	vst v36;
	v36 =	vld [tilespmem:$0x1FE40]  }
0x12c: {  	v44 =	vld [tilespmem:$0x1FE70]  }
0x12d: {  	v41 =	vld [tilespmem:$0x1FE60]  }
0x12e: {  	v46 =	vld [tilespmem:$0x1FE80]  }
0x12f: {  	v33 =	vshll.u32 v31, $0x9;
	[tilespmem:$0x1FF10] =	vst v60;
	v60 =	vld [tilespmem:$0x770]  }
0x130: {  	v20 =	vadd.s32 v0, v33;
	v38 =	vshll.u32 v36, $0x9;
	v49 =	vld [tilespmem:$0x1FE90]  }
0x131: {  	v20 =	vadd.s32 v40, v20;
	v21 =	vadd.s32 v0, v38;
	v54 =	vld [tilespmem:$0x1FEB0]  }
0x132: {  	[tilespmem:$0xD40] =	vst v20;
	v20 =	vadd.s32 v44, v21;
	v21 =	vld [tilespmem:$0x830]  }
0x133: {  	[tilespmem:$0x1040] =	vst v20;
	v20 =	vld [tilespmem:$0xB30];
	v43 =	vshll.u32 v41, $0x9  }
0x134: {  	v22 =	vadd.s32 v0, v43;
	v47 =	vshll.u32 v46, $0x9;
	[tilespmem:$0x1FF00] =	vst v60;
	v60 =	vld [tilespmem:$0xA70]  }
0x135: {  	v22 =	vadd.s32 v49, v22;
	v23 =	vadd.s32 v0, v47;
	v51 =	vld [tilespmem:$0x1FEA0]  }
0x136: {  	[tilespmem:$0xD50] =	vst v22;
	v22 =	vadd.s32 v54, v23;
	v23 =	vld [tilespmem:$0x240]  }
0x137: {  	[tilespmem:$0x1050] =	vst v22;
	v22 =	vld [tilespmem:$0x540]  }
0x138: {  	v56 =	vld [tilespmem:$0x1FEC0]  }
0x139: {  	[tilespmem:$0x1FF30] =	vst v60;
	v60 =	vld [tilespmem:$0x180]  }
0x13a: {  	v59 =	vld [tilespmem:$0x1FED0]  }
0x13b: {  	v52 =	vshll.u32 v51, $0x9;
	v51 =	vld [tilespmem:$0x1FF80]  }
0x13c: {  	v28 =	vld [tilespmem:$0x1FEF0]  }
0x13d: {  	v57 =	vshll.u32 v56, $0x9;
	v56 =	vld [tilespmem:$0x1FF90]  }
0x13e: {  	[tilespmem:$0x1FF20] =	vst v60;
	v60 =	vld [tilespmem:$0x480]  }
0x13f: {  	v24 =	vadd.s32 v0, v52;
	v25 =	vadd.s32 v0, v57;
	v57 =	vld [tilespmem:$0x1FFA0]  }
0x140: {  	v24 =	vadd.s32 v59, v24;
	v62 =	vld [tilespmem:$0x1FEE0]  }
0x141: {  	[tilespmem:$0xD60] =	vst v24;
	v24 =	vadd.s32 v28, v25;
	v25 =	vld [tilespmem:$0x840]  }
0x142: {  	v33 =	vld [tilespmem:$0x1FF10]  }
0x143: {  	[tilespmem:$0x1FF50] =	vst v60;
	v60 =	vld [tilespmem:$0x780]  }
0x144: {  	[tilespmem:$0x1060] =	vst v24;
	v24 =	vld [tilespmem:$0xB40]  }
0x145: {  	v63 =	vshll.u32 v62, $0x9;
	v30 =	vld [tilespmem:$0x1FF00]  }
0x146: {  	v62 =	vld [tilespmem:$0x1FFC0];
	v26 =	vadd.s32 v0, v63  }
0x147: {  	v26 =	vadd.s32 v33, v26;
	v33 =	vld [tilespmem:$0x850]  }
0x148: {  	[tilespmem:$0x1FF40] =	vst v60;
	v60 =	vld [tilespmem:$0xA80]  }
0x149: {  	v38 =	vld [tilespmem:$0x1FF30]  }
0x14a: {  	v31 =	vshll.u32 v30, $0x9;
	v30 =	vld [tilespmem:$0x250]  }
0x14b: {  	v35 =	vld [tilespmem:$0x1FF20]  }
0x14c: {  	v27 =	vadd.s32 v0, v31;
	v31 =	vld [tilespmem:$0x550]  }
0x14d: {  	[tilespmem:$0x1FF70] =	vst v60;
	v60 =	vld [tilespmem:$0x190]  }
0x14e: {  	[tilespmem:$0xD70] =	vst v26;
	v26 =	vadd.s32 v38, v27;
	v38 =	vld [tilespmem:$0x1FFD0]  }
0x14f: {  	v43 =	vld [tilespmem:$0x1FF50]  }
0x150: {  	v36 =	vshll.u32 v35, $0x9;
	v35 =	vld [tilespmem:$0xB50]  }
0x151: {  	v8 =	vshll.u32 v8, $0x9;
	v41 =	vld [tilespmem:$0x1FF40]  }
0x152: {  	v8 =	vadd.s32 v0, v8;
	v47 =	vld [tilespmem:$0x1FF70];
	[tilespmem:$0x1FF60] =	vst v60  }
0x153: {  	v8 =	vadd.s32 v10, v8;
	v46 =	vld [tilespmem:$0x1FF60]  }
0x154: {  	[tilespmem:$0xDF0] =	vst v8;
	v1 =	vshll.u32 v1, $0x9;
	v40 =	vadd.s32 v0, v36;
	v36 =	vld [tilespmem:$0x260]  }
0x155: {  	[tilespmem:$0x10E0] =	vst v14;
	v1 =	vadd.s32 v0, v1;
	v4 =	vshll.u32 v4, $0x9;
	v60 =	vld [tilespmem:$0x490]  }
0x156: {  	v1 =	vadd.s32 v2, v1;
	[tilespmem:$0x1070] =	vst v26;
	v26 =	vadd.s32 v43, v40;
	v40 =	vld [tilespmem:$0x1FFE0];
	v28 =	vshll.u32 v41, $0x9  }
0x157: {  	v2 =	vadd.s32 v0, v4;
	[tilespmem:$0x10F0] =	vst v1;
	v43 =	vshll.u32 v32, $0x9;
	v32 =	vld [tilespmem:$0x860];
	v44 =	vadd.s32 v0, v28  }
0x158: {  	v1 =	vadd.s32 v3, v2;
	[tilespmem:$0xD80] =	vst v26;
	v26 =	vadd.s32 v47, v44;
	v44 =	vld [tilespmem:$0x1FFF0];
	v28 =	vshll.u32 v46, $0x9  }
0x159: {  	[tilespmem:$0xE00] =	vst v1;
	v47 =	vshll.u32 v37, $0x9;
	v37 =	vld [tilespmem:$0xB60];
	v49 =	vadd.s32 v0, v28  }
0x15a: {  	[tilespmem:$0x1080] =	vst v26;
	v46 =	vadd.s32 v0, v43;
	v43 =	vld [tilespmem:$0xBC0];
	v28 =	vshll.u32 v51, $0x9;
	v52 =	vadd.s32 v60, v49  }
0x15b: {  	v3 =	vshll.u32 v9, $0x9;
	v54 =	vadd.s32 v0, v28;
	v60 =	vld [tilespmem:$0x1FFB0];
	v49 =	vadd.s32 v29, v46;
	[tilespmem:$0xD90] =	vst v52  }
0x15c: {  	v51 =	vadd.s32 v0, v47;
	v28 =	vshll.u32 v56, $0x9;
	v29 =	vld [tilespmem:$0x270];
	v26 =	vadd.s32 v57, v54;
	[tilespmem:$0x10B0] =	vst v49  }
0x15d: {  	v46 =	vld [tilespmem:$0xB70];
	v59 =	vadd.s32 v0, v28;
	v52 =	vshll.u32 v42, $0x9;
	v54 =	vadd.s32 v34, v51;
	[tilespmem:$0x1090] =	vst v26  }
0x15e: {  	v34 =	vld [tilespmem:$0x570];
	v26 =	vadd.s32 v62, v59;
	v56 =	vadd.s32 v0, v52;
	[tilespmem:$0xDC0] =	vst v54;
	v54 =	vshll.u32 v6, $0x9  }
0x15f: {  	v57 =	vshll.u32 v48, $0x9;
	v49 =	vld [tilespmem:$0x280];
	[tilespmem:$0xDA0] =	vst v26;
	v59 =	vadd.s32 v39, v56;
	v2 =	vadd.s32 v0, v54  }
0x160: {  	v51 =	vld [tilespmem:$0x580];
	[tilespmem:$0x10C0] =	vst v59;
	v1 =	vadd.s32 v5, v2;
	v2 =	vadd.s32 v0, v3;
	v3 =	vshll.u32 v12, $0x9  }
0x161: {  	v42 =	vld [tilespmem:$0x8C0];
	v28 =	vshll.u32 v60, $0x9;
	[tilespmem:$0x1100] =	vst v1;
	v1 =	vadd.s32 v7, v2;
	v2 =	vadd.s32 v0, v3  }
0x162: {  	v62 =	vshll.u32 v53, $0x9;
	v52 =	vld [tilespmem:$0x880];
	v63 =	vadd.s32 v0, v28;
	[tilespmem:$0xE10] =	vst v1;
	v1 =	vadd.s32 v11, v2  }
0x163: {  	v53 =	vld [tilespmem:$0xB80];
	v60 =	vadd.s32 v0, v57;
	v3 =	vshll.u32 v15, $0x9;
	v26 =	vadd.s32 v40, v63;
	[tilespmem:$0x1110] =	vst v1  }
0x164: {  	v39 =	vld [tilespmem:$0x870];
	v28 =	vshll.u32 v38, $0x9;
	v2 =	vadd.s32 v0, v3;
	v63 =	vadd.s32 v45, v60;
	[tilespmem:$0x10A0] =	vst v26  }
0x165: {  	v56 =	vld [tilespmem:$0x590];
	v3 =	vshll.u32 v17, $0x9;
	v41 =	vadd.s32 v0, v28;
	v1 =	vadd.s32 v13, v2;
	[tilespmem:$0xDD0] =	vst v63  }
0x166: {  	v59 =	vld [tilespmem:$0x2A0];
	v2 =	vadd.s32 v0, v3;
	v26 =	vadd.s32 v44, v41;
	[tilespmem:$0xE20] =	vst v1  }
0x167: {  	v57 =	vld [tilespmem:$0x890];
	v45 =	vshll.u32 v58, $0x9;
	v44 =	vadd.s32 v0, v62;
	v1 =	vadd.s32 v16, v2;
	[tilespmem:$0xDB0] =	vst v26  }
0x168: {  	v38 =	vld [tilespmem:$0x560];
	v3 =	vshll.u32 v19, $0x9;
	v48 =	vadd.s32 v0, v45;
	v47 =	vadd.s32 v50, v44;
	[tilespmem:$0x1120] =	vst v1  }
0x169: {  	v58 =	vld [tilespmem:$0xB90];
	v2 =	vadd.s32 v0, v3;
	v3 =	vshll.u32 v21, $0x9;
	v50 =	vadd.s32 v55, v48;
	[tilespmem:$0x10D0] =	vst v47  }
0x16a: {  	v60 =	vld [tilespmem:$0x5A0];
	v1 =	vadd.s32 v18, v2;
	v2 =	vadd.s32 v0, v3;
	v3 =	vshll.u32 v23, $0x9;
	[tilespmem:$0xDE0] =	vst v50  }
0x16b: {  	v62 =	vld [tilespmem:$0xBA0];
	[tilespmem:$0xE30] =	vst v1;
	v1 =	vadd.s32 v20, v2;
	v2 =	vadd.s32 v0, v3;
	v3 =	vshll.u32 v25, $0x9  }
0x16c: {  	v63 =	vld [tilespmem:$0x2B0];
	[tilespmem:$0x1130] =	vst v1;
	v1 =	vadd.s32 v22, v2;
	v2 =	vadd.s32 v0, v3;
	v3 =	vshll.u32 v30, $0x9  }
0x16d: {  	v41 =	vld [tilespmem:$0x5C0];
	[tilespmem:$0xE40] =	vst v1;
	v1 =	vadd.s32 v24, v2;
	v2 =	vadd.s32 v0, v3;
	v3 =	vshll.u32 v33, $0x9  }
0x16e: {  	v45 =	vld [tilespmem:$0x5D0];
	[tilespmem:$0x1140] =	vst v1;
	v1 =	vadd.s32 v31, v2;
	v2 =	vadd.s32 v0, v3;
	v3 =	vshll.u32 v36, $0x9  }
0x16f: {  	v55 =	vld [tilespmem:$0x290];
	[tilespmem:$0xE50] =	vst v1;
	v1 =	vadd.s32 v35, v2;
	v2 =	vadd.s32 v0, v3;
	v3 =	vshll.u32 v32, $0x9  }
0x170: {  	v44 =	vld [tilespmem:$0x2D0];
	[tilespmem:$0x1150] =	vst v1;
	v1 =	vadd.s32 v38, v2;
	v2 =	vadd.s32 v0, v3;
	v3 =	vshll.u32 v29, $0x9  }
0x171: {  	v48 =	vld [tilespmem:$0x2E0];
	[tilespmem:$0xE60] =	vst v1;
	v1 =	vadd.s32 v37, v2;
	v2 =	vadd.s32 v0, v3;
	v3 =	vshll.u32 v39, $0x9  }
0x172: {  	v25 =	vld [tilespmem:$0x5B0];
	[tilespmem:$0x1160] =	vst v1;
	v1 =	vadd.s32 v34, v2;
	v2 =	vadd.s32 v0, v3;
	v3 =	vshll.u32 v49, $0x9  }
0x173: {  	v47 =	vld [tilespmem:$0xBD0];
	[tilespmem:$0xE70] =	vst v1;
	v1 =	vadd.s32 v46, v2;
	v2 =	vadd.s32 v0, v3;
	v3 =	vshll.u32 v52, $0x9  }
0x174: {  	v30 =	vld [tilespmem:$0x8B0];
	[tilespmem:$0x1170] =	vst v1;
	v1 =	vadd.s32 v51, v2;
	v2 =	vadd.s32 v0, v3;
	v3 =	vshll.u32 v55, $0x9  }
0x175: {  	v36 =	vld [tilespmem:$0x2C0];
	[tilespmem:$0xE80] =	vst v1;
	v1 =	vadd.s32 v53, v2;
	v2 =	vadd.s32 v0, v3;
	v3 =	vshll.u32 v57, $0x9  }
0x176: {  	v33 =	vld [tilespmem:$0xBB0];
	[tilespmem:$0x1180] =	vst v1;
	v1 =	vadd.s32 v56, v2;
	v2 =	vadd.s32 v0, v3;
	v3 =	vshll.u32 v59, $0x9  }
0x177: {  	v50 =	vld [tilespmem:$0x8E0];
	[tilespmem:$0xE90] =	vst v1;
	v1 =	vadd.s32 v58, v2;
	v2 =	vadd.s32 v0, v3;
	v3 =	vshll.u32 v61, $0x9  }
0x178: {  	v46 =	vld [tilespmem:$0x8D0];
	[tilespmem:$0x1190] =	vst v1;
	v1 =	vadd.s32 v60, v2;
	v2 =	vadd.s32 v0, v3;
	v3 =	vshll.u32 v63, $0x9  }
0x179: {  	v49 =	vld [tilespmem:$0x5E0];
	[tilespmem:$0xEA0] =	vst v1;
	v1 =	vadd.s32 v62, v2;
	v2 =	vadd.s32 v0, v3;
	v3 =	vshll.u32 v30, $0x9  }
0x17a: {  	v52 =	vld [tilespmem:$0x2F0];
	[tilespmem:$0x11A0] =	vst v1;
	v1 =	vadd.s32 v25, v2;
	v2 =	vadd.s32 v0, v3;
	v3 =	vshll.u32 v36, $0x9  }
0x17b: {  	v51 =	vld [tilespmem:$0xBE0];
	[tilespmem:$0xEB0] =	vst v1;
	v1 =	vadd.s32 v33, v2;
	v2 =	vadd.s32 v0, v3;
	v3 =	vshll.u32 v42, $0x9  }
0x17c: {  	v53 =	vld [tilespmem:$0x8F0];
	[tilespmem:$0x11B0] =	vst v1;
	v1 =	vadd.s32 v41, v2;
	v2 =	vadd.s32 v0, v3;
	v3 =	vshll.u32 v44, $0x9  }
0x17d: {  	v54 =	vld [tilespmem:$0x5F0];
	[tilespmem:$0xEC0] =	vst v1;
	v1 =	vadd.s32 v43, v2;
	v2 =	vadd.s32 v0, v3;
	v3 =	vshll.u32 v46, $0x9  }
0x17e: {  	v55 =	vld [tilespmem:$0xBF0];
	[tilespmem:$0x11C0] =	vst v1;
	v1 =	vadd.s32 v45, v2;
	v2 =	vadd.s32 v0, v3;
	v3 =	vshll.u32 v48, $0x9  }
0x17f: {  	[tilespmem:$0xED0] =	vst v1;
	v1 =	vadd.s32 v47, v2;
	v2 =	vadd.s32 v0, v3;
	v3 =	vshll.u32 v50, $0x9  }
0x180: {  	[tilespmem:$0x11D0] =	vst v1;
	v1 =	vadd.s32 v49, v2;
	v2 =	vadd.s32 v0, v3;
	v3 =	vshll.u32 v52, $0x9  }
0x181: {  	s9 =	sld [smem:$0x7FB];
	[tilespmem:$0xEE0] =	vst v1;
	v1 =	vadd.s32 v51, v2;
	v2 =	vadd.s32 v0, v3;
	v3 =	vshll.u32 v53, $0x9  }
0x182: {  	s11 =	sld [smem:$0x7FC];
	[tilespmem:$0x11E0] =	vst v1;
	v1 =	vadd.s32 v54, v2;
	v2 =	vadd.s32 v0, v3  }
0x183: {  	[tilespmem:$0xEF0] =	vst v1;
	v1 =	vadd.s32 v55, v2  }
0x184: {  	s10 =	sld [smem:$0x7FD];
	[tilespmem:$0x11F0] =	vst v1  }
0x185: {  	[tilespmem:s11], [sflag:$0x1] =	stream.indirect.gather [hbm4b:s3+s7], $0x1, s9, s7, $0xb8;
	[tilespmem:$0x1880] =	vst v63  }
0x186: {  	s11 =	simm.s32 $0x1500  }
0x187: {  	[tilespmem:s11], [sflag:$0x1] =	stream.indirect.gather [hbm4b:s4+s7], $0x1, s10, s7, $0xb8;
	[tilespmem:$0x1880] =	vst v63  }
0x188: {  	s9 =	simm.s32 $0xC80;
	s10 =	simm.s32 $0x1280  }
0x189: {  	[tilespmem:s10], [sflag:$0x1] =	stream.indirect.gather [hbm4b:s3+s7], $0x1, s9, s7, $0xb8;
	[tilespmem:$0x1880] =	vst v63  }
0x18a: {  	_ = 	snop  }
0x18b: {  	[tilespmem:s13], [sflag:$0x1] =	stream.indirect.gather [hbm4b:s4+s7], $0x1, s12, s7, $0xb8;
	[tilespmem:$0x1880] =	vst v63  }
0x18c: {  	_ = 	snop  }
0x18d: {  	[tilespmem:s15], [sflag:$0x1] =	stream.indirect.gather [hbm4b:s3+s7], $0x1, s14, s7, $0xb8;
	[tilespmem:$0x1880] =	vst v63  }
0x18e: {  	_ = 	snop  }
0x18f: {  	[tilespmem:s17], [sflag:$0x1] =	stream.indirect.gather [hbm4b:s4+s7], $0x1, s16, s7, $0xb8;
	[tilespmem:$0x1880] =	vst v63  }
0x190: {  	_ = 	snop  }
0x191: {  	[tilespmem:s19], [sflag:$0x1] =	stream.indirect.gather [hbm4b:s3+s7], $0x1, s18, s7, $0xb8;
	[tilespmem:$0x1880] =	vst v63  }
0x192: {  	_ = 	snop  }
0x193: {  	[tilespmem:s21], [sflag:$0x1] =	stream.indirect.gather [hbm4b:s4+s7], $0x1, s20, s7, $0xb8;
	[tilespmem:$0x1880] =	vst v63  }
0x194: {  	_ = 	snop  }
0x195: {  	[tilespmem:s23], [sflag:$0x1] =	stream.indirect.gather [hbm4b:s3+s7], $0x1, s22, s7, $0xb8;
	[tilespmem:$0x1880] =	vst v63  }
0x196: {  	_ = 	snop  }
0x197: {  	[tilespmem:s25], [sflag:$0x1] =	stream.indirect.gather [hbm4b:s4+s7], $0x1, s24, s7, $0xb8;
	[tilespmem:$0x1880] =	vst v63  }
0x198: {  	_ = 	snop  }
0x199: {  	[tilespmem:s28], [sflag:$0x1] =	stream.indirect.gather [hbm4b:s3+s7], $0x1, s26, s7, $0xb8;
	[tilespmem:$0x1880] =	vst v63  }
0x19a: {  	_ = 	snop  }
0x19b: {  	[tilespmem:s30], [sflag:$0x1] =	stream.indirect.gather [hbm4b:s4+s7], $0x1, s29, s7, $0xb8;
	[tilespmem:$0x1880] =	vst v63  }
0x19c: {  	_ =	swait.ge [sflag:s5], $0x80  }
0x19d: {  	[sflag:s5] =	ssyncset.done $0x0  }
0x19e: {  	[sflag:s5] =	ssyncadd.s32 $0xFFFFFF80  }
0x19f: {  	_ =	swait.ge [sflag:s5], $0x80  }
0x1a0: {  	[sflag:s5] =	ssyncset.done $0x0  }
0x1a1: {  	[sflag:s5] =	ssyncadd.s32 $0xFFFFFF80  }
0x1a2: {  	_ =	swait.ge [sflag:s5], $0x80  }
0x1a3: {  	[sflag:s5] =	ssyncset.done $0x0  }
0x1a4: {  	[sflag:s5] =	ssyncadd.s32 $0xFFFFFF80  }
0x1a5: {  	_ =	swait.ge [sflag:s5], $0x80  }
0x1a6: {  	[sflag:s5] =	ssyncset.done $0x0  }
0x1a7: {  	[sflag:s5] =	ssyncadd.s32 $0xFFFFFF80  }
0x1a8: {  	_ =	swait.ge [sflag:s5], $0x80  }
0x1a9: {  	[sflag:s5] =	ssyncset.done $0x0  }
0x1aa: {  	[sflag:s5] =	ssyncadd.s32 $0xFFFFFF80  }
0x1ab: {  	_ =	swait.ge [sflag:s5], $0x80  }
0x1ac: {  	[sflag:s5] =	ssyncset.done $0x0  }
0x1ad: {  	[sflag:s5] =	ssyncadd.s32 $0xFFFFFF80  }
0x1ae: {  	_ =	swait.ge [sflag:s5], $0x80  }
0x1af: {  	[sflag:s5] =	ssyncset.done $0x0  }
0x1b0: {  	[sflag:s5] =	ssyncadd.s32 $0xFFFFFF80  }
0x1b1: {  	_ =	swait.ge [sflag:s5], $0x80  }
0x1b2: {  	[sflag:s5] =	ssyncset.done $0x0  }
0x1b3: {  	[sflag:s5] =	ssyncadd.s32 $0xFFFFFF80  }
0x1b4: {  	_ =	swait.ge [sflag:s5], $0x80  }
0x1b5: {  	[sflag:s5] =	ssyncset.done $0x0  }
0x1b6: {  	[sflag:s5] =	ssyncadd.s32 $0xFFFFFF80  }
0x1b7: {  	_ =	swait.ge [sflag:s5], $0x80  }
0x1b8: {  	[sflag:s5] =	ssyncset.done $0x0  }
0x1b9: {  	[sflag:s5] =	ssyncadd.s32 $0xFFFFFF80  }
0x1ba: {  	_ =	swait.ge [sflag:s5], $0x80  }
0x1bb: {  	[sflag:s5] =	ssyncset.done $0x0  }
0x1bc: {  	[sflag:s5] =	ssyncadd.s32 $0xFFFFFF80  }
0x1bd: {  	_ =	swait.ge [sflag:s5], $0x80  }
0x1be: {  	[sflag:s5] =	ssyncset.done $0x0  }
0x1bf: {  	[sflag:s5] =	ssyncadd.s32 $0xFFFFFF80  }
0x1c0: {  	v1 =	vld [tilespmem:$0x1200]  }
0x1c1: {  	v2 =	vld [tilespmem:$0x1500]  }
0x1c2: {  	v3 =	vld [tilespmem:$0x1210]  }
0x1c3: {  	v56 =	vld [tilespmem:$0x1510]  }
0x1c4: {  	v5 =	vld [tilespmem:$0x1220]  }
0x1c5: {  	v6 =	vld [tilespmem:$0x1520]  }
0x1c6: {  	v7 =	vld [tilespmem:$0x1230]  }
0x1c7: {  	v57 =	vld [tilespmem:$0x1530]  }
0x1c8: {  	v9 =	vld [tilespmem:$0x1240]  }
0x1c9: {  	v58 =	vld [tilespmem:$0x1540]  }
0x1ca: {  	v11 =	vld [tilespmem:$0x1250]  }
0x1cb: {  	v59 =	vld [tilespmem:$0x1550]  }
0x1cc: {  	v13 =	vld [tilespmem:$0x1260]  }
0x1cd: {  	v60 =	vld [tilespmem:$0x1560]  }
0x1ce: {  	v15 =	vld [tilespmem:$0x1270]  }
0x1cf: {  	v61 =	vld [tilespmem:$0x1570]  }
0x1d0: {  	v17 =	vld [tilespmem:$0x1280]  }
0x1d1: {  	v62 =	vld [tilespmem:$0x1580]  }
0x1d2: {  	v19 =	vld [tilespmem:$0x1290]  }
0x1d3: {  	v63 =	vld [tilespmem:$0x1590]  }
0x1d4: {  	v40 =	vld [tilespmem:$0x12A0]  }
0x1d5: {  	v41 =	vld [tilespmem:$0x15A0]  }
0x1d6: {  	v42 =	vld [tilespmem:$0x12B0]  }
0x1d7: {  	v43 =	vld [tilespmem:$0x15B0]  }
0x1d8: {  	v44 =	vld [tilespmem:$0x12C0]  }
0x1d9: {  	v45 =	vld [tilespmem:$0x15C0]  }
0x1da: {  	v46 =	vld [tilespmem:$0x12D0]  }
0x1db: {  	v47 =	vld [tilespmem:$0x15D0]  }
0x1dc: {  	v48 =	vld [tilespmem:$0x12E0]  }
0x1dd: {  	v49 =	vld [tilespmem:$0x15E0]  }
0x1de: {  	v50 =	vld [tilespmem:$0x12F0]  }
0x1df: {  	v51 =	vld [tilespmem:$0x15F0]  }
0x1e0: {  	v52 =	vld [tilespmem:$0x1300]  }
0x1e1: {  	v53 =	vld [tilespmem:$0x1600]  }
0x1e2: {  	v54 =	vld [tilespmem:$0x1310]  }
0x1e3: {  	v55 =	vld [tilespmem:$0x1610]  }
0x1e4: {  	v37 =	vld [tilespmem:$0x1630]  }
0x1e5: {  	v8 =	vld [tilespmem:$0x1640];
	v1 =	vsub.f32 v1, v2;
	v2 =	vsub.f32 v3, v56  }
0x1e6: {  	v10 =	vld [tilespmem:$0x1650]  }
0x1e7: {  	v12 =	vld [tilespmem:$0x1660];
	v5 =	vsub.f32 v5, v6;
	v1 =	vmul.f32 v1, v1;
	v2 =	vmul.f32 v2, v2  }
0x1e8: {  	v14 =	vld [tilespmem:$0x1670]  }
0x1e9: {  	v16 =	vld [tilespmem:$0x1680];
	v57 =	vsub.f32 v7, v57;
	v1 =	vadd.f32 v2, v1;
	v2 =	vmul.f32 v5, v5  }
0x1ea: {  	v18 =	vld [tilespmem:$0x1690]  }
0x1eb: {  	v20 =	vld [tilespmem:$0x16A0];
	v58 =	vsub.f32 v9, v58;
	v1 =	vadd.f32 v2, v1;
	v2 =	vmul.f32 v57, v57  }
0x1ec: {  	v21 =	vld [tilespmem:$0x13B0]  }
0x1ed: {  	v22 =	vld [tilespmem:$0x16B0];
	v59 =	vsub.f32 v11, v59;
	v1 =	vadd.f32 v2, v1;
	v2 =	vmul.f32 v58, v58  }
0x1ee: {  	v23 =	vld [tilespmem:$0x13C0]  }
0x1ef: {  	v24 =	vld [tilespmem:$0x16C0];
	v60 =	vsub.f32 v13, v60;
	v1 =	vadd.f32 v2, v1;
	v2 =	vmul.f32 v59, v59  }
0x1f0: {  	v25 =	vld [tilespmem:$0x13D0]  }
0x1f1: {  	v26 =	vld [tilespmem:$0x16D0];
	v61 =	vsub.f32 v15, v61;
	v1 =	vadd.f32 v2, v1;
	v2 =	vmul.f32 v60, v60  }
0x1f2: {  	v27 =	vld [tilespmem:$0x13E0]  }
0x1f3: {  	v28 =	vld [tilespmem:$0x16E0];
	v62 =	vsub.f32 v17, v62;
	v1 =	vadd.f32 v2, v1;
	v2 =	vmul.f32 v61, v61  }
0x1f4: {  	v29 =	vld [tilespmem:$0x13F0]  }
0x1f5: {  	v31 =	vld [tilespmem:$0x1730];
	v63 =	vsub.f32 v19, v63;
	v1 =	vadd.f32 v2, v1;
	v2 =	vmul.f32 v62, v62  }
0x1f6: {  	v32 =	vld [tilespmem:$0x17B0]  }
0x1f7: {  	v34 =	vld [tilespmem:$0x1440];
	v38 =	vsub.f32 v40, v41;
	v1 =	vadd.f32 v2, v1;
	v2 =	vmul.f32 v63, v63  }
0x1f8: {  	v35 =	vld [tilespmem:$0x14C0]  }
0x1f9: {  	v3 =	vld [tilespmem:$0x1320];
	v39 =	vsub.f32 v42, v43;
	v1 =	vadd.f32 v2, v1;
	v2 =	vmul.f32 v38, v38  }
0x1fa: {  	v56 =	vld [tilespmem:$0x1620]  }
0x1fb: {  	v6 =	vld [tilespmem:$0x1330];
	v40 =	vsub.f32 v44, v45;
	v1 =	vadd.f32 v2, v1;
	v2 =	vmul.f32 v39, v39  }
0x1fc: {  	v7 =	vld [tilespmem:$0x1340]  }
0x1fd: {  	v9 =	vld [tilespmem:$0x1350];
	v41 =	vsub.f32 v46, v47;
	v1 =	vadd.f32 v2, v1;
	v2 =	vmul.f32 v40, v40  }
0x1fe: {  	v11 =	vld [tilespmem:$0x1360]  }
0x1ff: {  	v13 =	vld [tilespmem:$0x1370];
	v42 =	vsub.f32 v48, v49;
	v1 =	vadd.f32 v2, v1;
	v2 =	vmul.f32 v41, v41  }
0x200: {  	v43 =	vld [tilespmem:$0x1400]  }
0x201: {  	v44 =	vsub.f32 v50, v51;
	v45 =	vld [tilespmem:$0x1480];
	v1 =	vadd.f32 v2, v1;
	v2 =	vmul.f32 v42, v42  }
0x202: {  	v46 =	vld [tilespmem:$0x1700]  }
0x203: {  	v47 =	vsub.f32 v52, v53;
	v48 =	vld [tilespmem:$0x1780];
	v1 =	vadd.f32 v2, v1;
	v2 =	vmul.f32 v44, v44  }
0x204: {  	v49 =	vld [tilespmem:$0x1410]  }
0x205: {  	v50 =	vsub.f32 v54, v55;
	v51 =	vld [tilespmem:$0x1490];
	v1 =	vadd.f32 v2, v1;
	v2 =	vmul.f32 v47, v47  }
0x206: {  	v52 =	vld [tilespmem:$0x1710]  }
0x207: {  	v53 =	vld [tilespmem:$0x1790];
	v3 =	vsub.f32 v3, v56;
	v1 =	vadd.f32 v2, v1;
	v2 =	vmul.f32 v50, v50  }
0x208: {  	v54 =	vsub.f32 v43, v45;
	v55 =	vsub.f32 v46, v48;
	v56 =	vld [tilespmem:$0x1420]  }
0x209: {  	v57 =	vld [tilespmem:$0x14A0];
	v1 =	vadd.f32 v2, v1;
	v2 =	vmul.f32 v3, v3;
	v3 =	vsub.f32 v6, v37  }
0x20a: {  	v5 =	vmul.f32 v54, v54;
	v30 =	vmul.f32 v55, v55;
	v58 =	vsub.f32 v49, v51;
	v59 =	vld [tilespmem:$0x1720]  }
0x20b: {  	v60 =	vld [tilespmem:$0x17A0];
	v1 =	vadd.f32 v2, v1;
	v2 =	vmul.f32 v3, v3;
	v3 =	vsub.f32 v7, v8  }
0x20c: {  	v4 =	vsub.f32 v52, v53;
	v5 =	vadd.f32 v30, v5;
	v61 =	vmul.f32 v58, v58;
	v62 =	vld [tilespmem:$0x1430]  }
0x20d: {  	v63 =	vld [tilespmem:$0x14B0];
	v1 =	vadd.f32 v2, v1;
	v2 =	vmul.f32 v3, v3;
	v3 =	vsub.f32 v9, v10  }
0x20e: {  	v15 =	vld [tilespmem:$0x1380];
	v4 =	vmul.f32 v4, v4;
	v5 =	vadd.f32 v61, v5;
	v6 =	vsub.f32 v56, v57  }
0x20f: {  	v17 =	vld [tilespmem:$0x1390];
	v1 =	vadd.f32 v2, v1;
	v2 =	vmul.f32 v3, v3;
	v3 =	vsub.f32 v11, v12  }
0x210: {  	v19 =	vld [tilespmem:$0x13A0];
	v33 =	vsub.f32 v59, v60;
	v4 =	vadd.f32 v4, v5;
	v6 =	vmul.f32 v6, v6  }
0x211: {  	v43 =	vld [tilespmem:$0x1750];
	v1 =	vadd.f32 v2, v1;
	v2 =	vmul.f32 v3, v3;
	v3 =	vsub.f32 v13, v14  }
0x212: {  	v5 =	vmul.f32 v33, v33;
	v38 =	vld [tilespmem:$0x17C0];
	v36 =	vsub.f32 v62, v63;
	v4 =	vadd.f32 v6, v4  }
0x213: {  	v37 =	vld [tilespmem:$0x1740];
	v1 =	vadd.f32 v2, v1;
	v2 =	vmul.f32 v3, v3;
	v3 =	vsub.f32 v15, v16  }
0x214: {  	v39 =	vsub.f32 v31, v32;
	v40 =	vld [tilespmem:$0x1450];
	v6 =	vmul.f32 v36, v36;
	v4 =	vadd.f32 v5, v4  }
0x215: {  	v41 =	vld [tilespmem:$0x14D0];
	v1 =	vadd.f32 v2, v1;
	v2 =	vmul.f32 v3, v3;
	v3 =	vsub.f32 v17, v18  }
0x216: {  	v46 =	vld [tilespmem:$0x1460];
	v42 =	vsub.f32 v34, v35;
	v5 =	vmul.f32 v39, v39;
	v4 =	vadd.f32 v6, v4  }
0x217: {  	v44 =	vld [tilespmem:$0x17D0];
	v1 =	vadd.f32 v2, v1;
	v2 =	vmul.f32 v3, v3;
	v3 =	vsub.f32 v19, v20  }
0x218: {  	v52 =	vld [tilespmem:$0x16F0];
	v45 =	vsub.f32 v37, v38;
	v6 =	vmul.f32 v42, v42;
	v4 =	vadd.f32 v5, v4  }
0x219: {  	v47 =	vld [tilespmem:$0x14E0];
	v1 =	vadd.f32 v2, v1;
	v2 =	vmul.f32 v3, v3;
	v3 =	vsub.f32 v21, v22  }
0x21a: {  	v49 =	vld [tilespmem:$0x1760];
	v48 =	vsub.f32 v40, v41;
	v5 =	vmul.f32 v45, v45;
	v4 =	vadd.f32 v6, v4  }
0x21b: {  	v50 =	vld [tilespmem:$0x17E0];
	v1 =	vadd.f32 v2, v1;
	v2 =	vmul.f32 v3, v3;
	v3 =	vsub.f32 v23, v24  }
0x21c: {  	v53 =	vld [tilespmem:$0x1470];
	v51 =	vsub.f32 v43, v44;
	v6 =	vmul.f32 v48, v48;
	v4 =	vadd.f32 v5, v4  }
0x21d: {  	v55 =	vld [tilespmem:$0x14F0];
	v1 =	vadd.f32 v2, v1;
	v2 =	vmul.f32 v3, v3;
	v3 =	vsub.f32 v25, v26  }
0x21e: {  	v58 =	vld [tilespmem:$0x17F0];
	v54 =	vsub.f32 v46, v47;
	v5 =	vmul.f32 v51, v51;
	v4 =	vadd.f32 v6, v4  }
0x21f: {  	v56 =	vld [tilespmem:$0x1770];
	v1 =	vadd.f32 v2, v1;
	v2 =	vmul.f32 v3, v3;
	v3 =	vsub.f32 v27, v28  }
0x220: {  	v57 =	vsub.f32 v49, v50;
	v6 =	vmul.f32 v54, v54;
	v4 =	vadd.f32 v5, v4  }
0x221: {  	v60 =	vsub.f32 v29, v52;
	v1 =	vadd.f32 v2, v1;
	v3 =	vmul.f32 v3, v3  }
0x222: {  	v61 =	vsub.f32 v53, v55;
	v59 =	vmul.f32 v57, v57;
	v2 =	vadd.f32 v6, v4  }
0x223: {  	v62 =	vmul.f32 v60, v60;
	v1 =	vadd.f32 v3, v1  }
0x224: {  	v63 =	vmul.f32 v61, v61;
	v2 =	vadd.f32 v59, v2;
	v3 =	vsub.f32 v56, v58;
	_ =	sdelay $0x1  }
0x225: {  	v1 =	vadd.f32 v62, v1;
	v2 =	vadd.f32 v63, v2;
	v3 =	vmul.f32 v3, v3;
	_ =	sdelay $0x1  }
0x226: {  	v2 =	vadd.f32 v3, v2;
	v1 =	vadd.f32 v1, v1;
	_ =	sdelay $0x1  }
0x227: {  	v1 =	vadd.f32 v2, v1;
	_ =	sdelay $0x1  }
0x228: {  	v1 =	vmul.f32 $2.500000000e-01, v1  }
0x229: {  	p0 =	sne.s32 s6, $0x1  }
.Ltmp0:
0x22a: {  	s11 =	rddreg [dreg:$0x12];
	[tilespmem:$0x1800] =	vst v1;
	(pc) =	sbr.rel @p0 .LBB2_1-.Ltmp0, $4  }
0x22b: {  	[hbm4b:s11+s2] =	stream.linear.scatter [tilespmem:s31], [sflag:$0x2], $0x80, $0x38;
	[tilespmem:$0x1880] =	vst v63  }
0x22c: {  	_ =	swait.ge [sflag:s1], $0x80  }
0x22d: {  	[sflag:s1] =	ssyncset.done $0x0  }
0x22e: {  	s6 =	sadd.s32 $0xFFFFFFFF, s6;
	[sflag:s1] =	ssyncadd.s32 $0xFFFFFF80  }
0x22f: {  	_ =	sfence.sel $0x180000  }
0x230: {  	[bflag:$0x0] =	sbarrier.arrive $0xFFFF  }
0x231: {  	_ =	strace $0x90000047  }
0x232: {  	s0 =	stileid.u32;
	[bflag:$0x2] =	sbarrier.arrive $0xFFFF  }
0x233: {  	p0 =	sne.s32 s0, $0x0;
	s0 =	rddreg [dreg:$0x1]  }
0x234: {  	s0 =	sadd.s32 @!p0 $0x100000, s0  }
0x235: {  	[sflag:s0] =	ssyncadd.tile.s32 @!p0 $0x1;
	_ =	shalt  }
.Lfunc_end2:
_tile_overlayer_lowered:
.L_overlay_start_2:
0x236: {  	(tag) =	ssettag $0x2  }
0x237: {  	s0 =	rddreg [dreg:$0x0];
	s2 =	stileid.u32  }
0x238: {  	s1 =	rddreg [dreg:$0x1];
	p0 =	sne.s32 s2, $0x0  }
0x239: {  	s3 =	rddreg [dreg:$0x2];
	[bflag:$0x3] =	sbarrier.arrive $0xFFFF;
	s2 =	simm.s32 @!p0 $0x1C02  }
0x23a: {  	[timem:s3], [sflag:s2] =	dma.local @!p0 [hbm:s0], s1  }
0x23b: {  	s0 =	simm.s32 @!p0 $0x2  }
0x23c: {  	_ =	swait.ge @!p0 [sflag:s0], s1  }
0x23d: {  	s1 =	ssub.s32 @!p0 $0x0, s1;
	[sflag:s0] =	ssyncset.done @!p0 $0x0  }
0x23e: {  	[sflag:s0] =	ssyncadd.s32 @!p0 s1  }
0x23f: {  	[bflag:$0x3] =	sbarrier.arrive $0xFFFF  }
0x240: {  	_ =	shalt  }

</sc_bundles>
